<compile_context>
chip_gen: v7x
topology: tpu7x:2x2x1
jax: 0.10.2.dev20260603
libtpu: 0.0.44.dev20260713+nightly
codegen_flags: <defaults>
</compile_context>

<pallas_src>
import functools

import jax
import jax.numpy as jnp
from jax import lax
from jax.experimental import pallas as pl
from jax.experimental.pallas import tpu as pltpu
from jax.experimental.pallas import tpu_sc as plsc

N_NODES = 100000
N_EDGES = 3200000
NPAD = 100352
ROWS = NPAD // 128
NC, NS = 2, 16
NW = NC * NS
PER_W = N_EDGES // NW
CH = 4000
NCH = PER_W // CH
SEG = NPAD // NS
NI = 4
NG = 2

_MESH = dict(core_axis_name="c", subcore_axis_name="s", num_cores=NC,
             num_subcores=NS)


def _make_prop(F):
    scratch = (
        [pltpu.VMEM((CH,), jnp.int32) for _ in range(2 * NI)]
        + [pltpu.VMEM((CH,), jnp.float32) for _ in range(NG * F)]
        + [pltpu.VMEM_SHARED((NPAD,), jnp.float32) for _ in range(2 * F)]
        + [pltpu.SemaphoreType.DMA for _ in range(NI)]
    )

    @functools.partial(
        pl.kernel,
        out_type=jax.ShapeDtypeStruct((NC, F, NPAD), jnp.float32),
        mesh=plsc.VectorSubcoreMesh(**_MESH),
        scratch_types=scratch,
    )
    def _prop(src_hbm, dst_hbm, zeros_hbm, *rest):
        tabs_hbm = rest[:F]
        out_hbm = rest[F]
        rest = rest[F + 1:]
        src_v = rest[:NI]
        dst_v = rest[NI:2 * NI]
        gbuf = rest[2 * NI:2 * NI + NG * F]
        tabs_s = rest[2 * NI + NG * F:2 * NI + NG * F + F]
        accs_s = rest[2 * NI + NG * F + F:2 * NI + NG * F + 2 * F]
        ld_sem = rest[2 * NI + NG * F + 2 * F:]
        cid = lax.axis_index("c")
        sid = lax.axis_index("s")
        wid = sid * NC + cid
        sl = pl.ds(sid * SEG, SEG)
        for f in range(F):
            pltpu.sync_copy(tabs_hbm[f].at[sl], tabs_s[f].at[sl])
            pltpu.sync_copy(zeros_hbm.at[sl], accs_s[f].at[sl])
        plsc.subcore_barrier()
        base = wid * PER_W

        def _start_loads(k, bi):
            off = base + k * CH
            pltpu.async_copy(src_hbm.at[pl.ds(off, CH)], src_v[bi], ld_sem[bi])
            pltpu.async_copy(dst_hbm.at[pl.ds(off, CH)], dst_v[bi], ld_sem[bi])

        def _wait_loads(bi):
            pltpu.make_async_copy(src_hbm.at[pl.ds(0, CH)], src_v[bi],
                                  ld_sem[bi]).wait()
            pltpu.make_async_copy(dst_hbm.at[pl.ds(0, CH)], dst_v[bi],
                                  ld_sem[bi]).wait()

        for b in range(NG):
            _start_loads(b, b)

        def _step(k, b):
            bg = b % NG
            _wait_loads(b)
            for f in range(F):
                pltpu.sync_copy(tabs_s[f].at[src_v[b]], gbuf[bg * F + f])
                pltpu.sync_copy(gbuf[bg * F + f], accs_s[f].at[dst_v[b]],
                                add=True)
            if isinstance(k, int):
                if k + NG < NCH:
                    _start_loads(k + NG, (k + NG) % NI)
            else:
                @pl.when(k + NG < NCH)
                def _():
                    _start_loads(k + NG, (b + NG) % NI)

        def body(r, carry):
            for b in range(NI):
                _step(r * NI + b, b)
            return carry

        lax.fori_loop(0, NCH // NI, body, 0)
        for k in range(NCH - NCH % NI, NCH):
            _step(k, k % NI)
        plsc.subcore_barrier()
        for f in range(F):
            pltpu.sync_copy(accs_s[f].at[sl], out_hbm.at[cid, f, sl])

    return _prop


_prop2 = _make_prop(2)
_prop1 = _make_prop(1)


def _rb(v):
    return v.astype(jnp.bfloat16).astype(jnp.float32)


def _tc1_body(dp_ref, xa0_ref, xb_ref, d_ref, q1a_ref, q1b_ref):
    deg = dp_ref[0] + dp_ref[1] + 1.0
    d = 1.0 / jnp.sqrt(deg)
    d_ref[...] = d
    q1a_ref[...] = d * _rb(2.0 * xa0_ref[...])
    q1b_ref[...] = d * _rb(xb_ref[...])


def _tc2_body(d_ref, xa0_ref, xb_ref, ua_ref, ub_ref, w1_ref, b1_ref, w2_ref,
              y_ref, qy_ref):
    d = d_ref[...]
    d2 = d * d
    xa = _rb(2.0 * xa0_ref[...])
    xb = _rb(xb_ref[...])
    va = d * (ua_ref[0] + ua_ref[1]) + d2 * xa
    vb = d * (ub_ref[0] + ub_ref[1]) + d2 * xb
    y = jnp.zeros_like(d)
    for j in range(16):
        h = (va * _rb(w1_ref[0, j]) + vb * _rb(w1_ref[1, j]) + b1_ref[j])
        h = jnp.maximum(h, 0.0)
        y = y + _rb(h) * _rb(w2_ref[j, 0])
    y_ref[...] = y
    qy_ref[...] = d * y


def _tc3_body(d_ref, y_ref, p2_ref, b2_ref, out_ref):
    d = d_ref[...]
    out_ref[...] = d * (p2_ref[0] + p2_ref[1]) + d * d * y_ref[...] + b2_ref[0]


_PLANE = jax.ShapeDtypeStruct((ROWS, 128), jnp.float32)
_SSPEC = pl.BlockSpec(memory_space=pltpu.SMEM)


def _tc1(dp, xa0, xb):
    return pl.pallas_call(
        _tc1_body, out_shape=(_PLANE, _PLANE, _PLANE),
    )(dp, xa0, xb)


def _tc2(d, xa0, xb, ua, ub, W1, b1, W2):
    return pl.pallas_call(
        _tc2_body,
        out_shape=(_PLANE, _PLANE),
        in_specs=[pl.BlockSpec()] * 5 + [_SSPEC, _SSPEC, _SSPEC],
    )(d, xa0, xb, ua, ub, W1, b1, W2)


def _tc3(d, y, p2, b2):
    return pl.pallas_call(
        _tc3_body,
        out_shape=_PLANE,
        in_specs=[pl.BlockSpec(), pl.BlockSpec(), pl.BlockSpec(), _SSPEC],
    )(d, y, p2, b2)


def kernel(normalized_x, edge_index, W1, b1, W2, b2):
    src = edge_index[0]
    dst = edge_index[1]
    pad = NPAD - N_NODES
    xa0 = jnp.pad(normalized_x[:, 0], (0, pad)).reshape(ROWS, 128)
    xb = jnp.pad(normalized_x[:, 2], (0, pad)).reshape(ROWS, 128)
    zeros = jnp.zeros((NPAD,), jnp.float32)
    ones = jnp.ones((NPAD,), jnp.float32)

    dp = _prop1(src, dst, zeros, ones)
    d, q1a, q1b = _tc1(dp.reshape(NC, ROWS, 128), xa0, xb)
    up = _prop2(src, dst, zeros,
                q1a.reshape(NPAD), q1b.reshape(NPAD))
    ua = up[:, 0].reshape(NC, ROWS, 128)
    ub = up[:, 1].reshape(NC, ROWS, 128)
    y, qy = _tc2(d, xa0, xb, ua, ub, W1, b1, W2)
    p2 = _prop1(src, dst, zeros, qy.reshape(NPAD))
    out = _tc3(d, y, p2.reshape(NC, ROWS, 128), b2)
    return out.reshape(NPAD)[:N_NODES].reshape(N_NODES, 1)

# --- scband reference (transcript-rebuilt; emitter-appended) ---
"""Pipeline reference for scband-gnn-multiple-input-features-39908836114583 (READ-ONLY COPY).

The authoritative reference and input builder live on the scoring server;
editing this copy changes nothing except your own understanding.
"""

import jax, jax.numpy as jnp
import numpy as np

N = 100000
E = 3200000


def setup_inputs(seed: int = 0):
    key = jax.random.key(seed)
    k1, k2, k3, k4 = jax.random.split(key, 4)
    normalized_x = jax.random.normal(k1, (N, 3), dtype=jnp.float32)
    edge_index = jax.random.randint(k2, (2, E), 0, N, dtype=jnp.int32)
    W1 = jax.random.normal(k3, (2, 16), dtype=jnp.float32) * (1.0 / jnp.sqrt(2.0))
    b1 = jnp.zeros((16,), dtype=jnp.float32)
    W2 = jax.random.normal(k4, (16, 1), dtype=jnp.float32) * (1.0 / jnp.sqrt(16.0))
    b2 = jnp.zeros((1,), dtype=jnp.float32)
    return {"normalized_x": normalized_x, "edge_index": edge_index, "W1": W1, "b1": b1, "W2": W2, "b2": b2}


def _gcn_conv(h, edge_index, W, b, n_nodes):
    # PyG GCNConv: x' = D^{-1/2} (A + I) D^{-1/2} X W + b
    h = h @ W
    src = edge_index[0]
    dst = edge_index[1]
    loop = jnp.arange(n_nodes, dtype=src.dtype)
    src = jnp.concatenate([src, loop])
    dst = jnp.concatenate([dst, loop])
    deg = jnp.zeros((n_nodes,), dtype=h.dtype).at[dst].add(1.0)
    deg_inv_sqrt = jnp.where(deg > 0, 1.0 / jnp.sqrt(deg), 0.0)
    norm = deg_inv_sqrt[src] * deg_inv_sqrt[dst]
    msg = norm[:, None] * h[src]
    out = jnp.zeros((n_nodes, h.shape[1]), dtype=h.dtype).at[dst].add(msg)
    return out + b


def reference(normalized_x, edge_index, W1, b1, W2, b2):
    x = normalized_x[:, jnp.array([0, 2])]
    x = x.at[:, 0].multiply(2.0)
    x = _gcn_conv(x, edge_index, W1, b1, N)
    x = jax.nn.relu(x)
    # F.dropout with training=False (inference) -> identity
    x = _gcn_conv(x, edge_index, W2, b2, N)
    return x

if __name__ == "__main__":
    import jax
    _d = setup_inputs()
    print(jax.jit(kernel)(*tuple(_d.values())))

</pallas_src>

<mosaic_0001>
#map = affine_map<(d0, d1) -> (0)>
#map1 = affine_map<(d0, d1) -> (0, 0, 0)>
module attributes {stable_mosaic.version = 14 : i64} {
  func.func @_prop(%arg0: i32, %arg1: i32, %arg2: memref<3200000xi32, #tpu.memory_space<hbm>>, %arg3: memref<3200000xi32, #tpu.memory_space<hbm>>, %arg4: memref<100352xf32, #tpu.memory_space<hbm>>, %arg5: memref<100352xf32, #tpu.memory_space<hbm>>, %arg6: memref<100352xf32, #tpu.memory_space<hbm>>, %arg7: memref<2x2x100352xf32, #tpu.memory_space<hbm>>, %arg8: memref<4000xi32, #tpu.memory_space<vmem>>, %arg9: memref<4000xi32, #tpu.memory_space<vmem>>, %arg10: memref<4000xi32, #tpu.memory_space<vmem>>, %arg11: memref<4000xi32, #tpu.memory_space<vmem>>, %arg12: memref<4000xi32, #tpu.memory_space<vmem>>, %arg13: memref<4000xi32, #tpu.memory_space<vmem>>, %arg14: memref<4000xi32, #tpu.memory_space<vmem>>, %arg15: memref<4000xi32, #tpu.memory_space<vmem>>, %arg16: memref<4000xf32, #tpu.memory_space<vmem>>, %arg17: memref<4000xf32, #tpu.memory_space<vmem>>, %arg18: memref<4000xf32, #tpu.memory_space<vmem>>, %arg19: memref<4000xf32, #tpu.memory_space<vmem>>, %arg20: memref<100352xf32, #tpu.memory_space<vmem_shared>>, %arg21: memref<100352xf32, #tpu.memory_space<vmem_shared>>, %arg22: memref<100352xf32, #tpu.memory_space<vmem_shared>>, %arg23: memref<100352xf32, #tpu.memory_space<vmem_shared>>, %arg24: memref<!tpu.dma_semaphore, #tpu.memory_space<semaphore_mem>>, %arg25: memref<!tpu.dma_semaphore, #tpu.memory_space<semaphore_mem>>, %arg26: memref<!tpu.dma_semaphore, #tpu.memory_space<semaphore_mem>>, %arg27: memref<!tpu.dma_semaphore, #tpu.memory_space<semaphore_mem>>) attributes {dimension_semantics = [#tpu.dimension_semantics<core_parallel>, #tpu.dimension_semantics<subcore_parallel>], iteration_bounds = array<i64: 2, 16>, scalar_prefetch = 0 : i64, scratch_operands = 20 : i64, tpu.core_type = #tpu.core_type<sc_vector_subcore>, window_params = [{transform_indices = #map}, {transform_indices = #map}, {transform_indices = #map}, {transform_indices = #map}, {transform_indices = #map}, {transform_indices = #map1}]} {
    %mul3A = arith.constant 2 : i32
    %mul3A_0 = arith.muli %arg1, %mul3A : i32
    %add3A = arith.addi %mul3A_0, %arg0 : i32
    %mul3A_1 = arith.constant 6272 : i32
    %mul3A_2 = arith.muli %arg1, %mul3A_1 : i32
    "tpu.region"() ({
      %run_scoped3A_30 = tpu.sem_alloc : memref<!tpu.dma_semaphore, #tpu.memory_space<semaphore_mem>>
      %dma_start3A_31 = tpu.memref_slice %arg20[%mul3A_2] : memref<100352xf32, #tpu.memory_space<vmem_shared>> -> memref<6272xf32, #tpu.memory_space<vmem_shared>>
      %dma_start3A_32 = tpu.memref_slice %arg5[%mul3A_2] : memref<100352xf32, #tpu.memory_space<hbm>> -> memref<6272xf32, #tpu.memory_space<hbm>>
      tpu.enqueue_dma source(%dma_start3A_32 : memref<6272xf32, #tpu.memory_space<hbm>>) target(%dma_start3A_31 : memref<6272xf32, #tpu.memory_space<vmem_shared>>) target_semaphore(%run_scoped3A_30 : memref<!tpu.dma_semaphore, #tpu.memory_space<semaphore_mem>>)
      %dma_wait3A_33 = tpu.memref_slice %arg20[%mul3A_2] : memref<100352xf32, #tpu.memory_space<vmem_shared>> -> memref<6272xf32, #tpu.memory_space<vmem_shared>>
      %dma_wait3A_34 = tpu.memref_slice %arg5[%mul3A_2] : memref<100352xf32, #tpu.memory_space<hbm>> -> memref<6272xf32, #tpu.memory_space<hbm>>
      tpu.wait_dma2 semaphore(%run_scoped3A_30 : memref<!tpu.dma_semaphore, #tpu.memory_space<semaphore_mem>>) src(%dma_wait3A_34 : memref<6272xf32, #tpu.memory_space<hbm>>) dst(%dma_wait3A_33 : memref<6272xf32, #tpu.memory_space<vmem_shared>>)
      tpu.yield
    }) : () -> ()
    "tpu.region"() ({
      %run_scoped3A_30 = tpu.sem_alloc : memref<!tpu.dma_semaphore, #tpu.memory_space<semaphore_mem>>
      %dma_start3A_31 = tpu.memref_slice %arg22[%mul3A_2] : memref<100352xf32, #tpu.memory_space<vmem_shared>> -> memref<6272xf32, #tpu.memory_space<vmem_shared>>
      %dma_start3A_32 = tpu.memref_slice %arg4[%mul3A_2] : memref<100352xf32, #tpu.memory_space<hbm>> -> memref<6272xf32, #tpu.memory_space<hbm>>
      tpu.enqueue_dma source(%dma_start3A_32 : memref<6272xf32, #tpu.memory_space<hbm>>) target(%dma_start3A_31 : memref<6272xf32, #tpu.memory_space<vmem_shared>>) target_semaphore(%run_scoped3A_30 : memref<!tpu.dma_semaphore, #tpu.memory_space<semaphore_mem>>)
      %dma_wait3A_33 = tpu.memref_slice %arg22[%mul3A_2] : memref<100352xf32, #tpu.memory_space<vmem_shared>> -> memref<6272xf32, #tpu.memory_space<vmem_shared>>
      %dma_wait3A_34 = tpu.memref_slice %arg4[%mul3A_2] : memref<100352xf32, #tpu.memory_space<hbm>> -> memref<6272xf32, #tpu.memory_space<hbm>>
      tpu.wait_dma2 semaphore(%run_scoped3A_30 : memref<!tpu.dma_semaphore, #tpu.memory_space<semaphore_mem>>) src(%dma_wait3A_34 : memref<6272xf32, #tpu.memory_space<hbm>>) dst(%dma_wait3A_33 : memref<6272xf32, #tpu.memory_space<vmem_shared>>)
      tpu.yield
    }) : () -> ()
    "tpu.region"() ({
      %run_scoped3A_30 = tpu.sem_alloc : memref<!tpu.dma_semaphore, #tpu.memory_space<semaphore_mem>>
      %dma_start3A_31 = tpu.memref_slice %arg21[%mul3A_2] : memref<100352xf32, #tpu.memory_space<vmem_shared>> -> memref<6272xf32, #tpu.memory_space<vmem_shared>>
      %dma_start3A_32 = tpu.memref_slice %arg6[%mul3A_2] : memref<100352xf32, #tpu.memory_space<hbm>> -> memref<6272xf32, #tpu.memory_space<hbm>>
      tpu.enqueue_dma source(%dma_start3A_32 : memref<6272xf32, #tpu.memory_space<hbm>>) target(%dma_start3A_31 : memref<6272xf32, #tpu.memory_space<vmem_shared>>) target_semaphore(%run_scoped3A_30 : memref<!tpu.dma_semaphore, #tpu.memory_space<semaphore_mem>>)
      %dma_wait3A_33 = tpu.memref_slice %arg21[%mul3A_2] : memref<100352xf32, #tpu.memory_space<vmem_shared>> -> memref<6272xf32, #tpu.memory_space<vmem_shared>>
      %dma_wait3A_34 = tpu.memref_slice %arg6[%mul3A_2] : memref<100352xf32, #tpu.memory_space<hbm>> -> memref<6272xf32, #tpu.memory_space<hbm>>
      tpu.wait_dma2 semaphore(%run_scoped3A_30 : memref<!tpu.dma_semaphore, #tpu.memory_space<semaphore_mem>>) src(%dma_wait3A_34 : memref<6272xf32, #tpu.memory_space<hbm>>) dst(%dma_wait3A_33 : memref<6272xf32, #tpu.memory_space<vmem_shared>>)
      tpu.yield
    }) : () -> ()
    "tpu.region"() ({
      %run_scoped3A_30 = tpu.sem_alloc : memref<!tpu.dma_semaphore, #tpu.memory_space<semaphore_mem>>
      %dma_start3A_31 = tpu.memref_slice %arg23[%mul3A_2] : memref<100352xf32, #tpu.memory_space<vmem_shared>> -> memref<6272xf32, #tpu.memory_space<vmem_shared>>
      %dma_start3A_32 = tpu.memref_slice %arg4[%mul3A_2] : memref<100352xf32, #tpu.memory_space<hbm>> -> memref<6272xf32, #tpu.memory_space<hbm>>
      tpu.enqueue_dma source(%dma_start3A_32 : memref<6272xf32, #tpu.memory_space<hbm>>) target(%dma_start3A_31 : memref<6272xf32, #tpu.memory_space<vmem_shared>>) target_semaphore(%run_scoped3A_30 : memref<!tpu.dma_semaphore, #tpu.memory_space<semaphore_mem>>)
      %dma_wait3A_33 = tpu.memref_slice %arg23[%mul3A_2] : memref<100352xf32, #tpu.memory_space<vmem_shared>> -> memref<6272xf32, #tpu.memory_space<vmem_shared>>
      %dma_wait3A_34 = tpu.memref_slice %arg4[%mul3A_2] : memref<100352xf32, #tpu.memory_space<hbm>> -> memref<6272xf32, #tpu.memory_space<hbm>>
      tpu.wait_dma2 semaphore(%run_scoped3A_30 : memref<!tpu.dma_semaphore, #tpu.memory_space<semaphore_mem>>) src(%dma_wait3A_34 : memref<6272xf32, #tpu.memory_space<hbm>>) dst(%dma_wait3A_33 : memref<6272xf32, #tpu.memory_space<vmem_shared>>)
      tpu.yield
    }) : () -> ()
    %barrier3A = arith.constant 0 : index
    tpu.barrier barrier_id(%barrier3A)
    %mul3A_3 = arith.constant 100000 : i32
    %mul3A_4 = arith.muli %add3A, %mul3A_3 : i32
    %add3A_5 = arith.constant 0 : i32
    %add3A_6 = arith.addi %mul3A_4, %add3A_5 : i32
    %dma_start3A = tpu.memref_slice %arg2[%add3A_6] : memref<3200000xi32, #tpu.memory_space<hbm>> -> memref<4000xi32, #tpu.memory_space<hbm>>
    %dma_start3A_7 = tpu.memref_slice %arg2[%add3A_6] : memref<3200000xi32, #tpu.memory_space<hbm>> -> memref<4000xi32, #tpu.memory_space<hbm>>
    tpu.enqueue_dma source(%dma_start3A_7 : memref<4000xi32, #tpu.memory_space<hbm>>) target(%arg8 : memref<4000xi32, #tpu.memory_space<vmem>>) target_semaphore(%arg24 : memref<!tpu.dma_semaphore, #tpu.memory_space<semaphore_mem>>)
    %dma_start3A_8 = tpu.memref_slice %arg3[%add3A_6] : memref<3200000xi32, #tpu.memory_space<hbm>> -> memref<4000xi32, #tpu.memory_space<hbm>>
    %dma_start3A_9 = tpu.memref_slice %arg3[%add3A_6] : memref<3200000xi32, #tpu.memory_space<hbm>> -> memref<4000xi32, #tpu.memory_space<hbm>>
    tpu.enqueue_dma source(%dma_start3A_9 : memref<4000xi32, #tpu.memory_space<hbm>>) target(%arg12 : memref<4000xi32, #tpu.memory_space<vmem>>) target_semaphore(%arg24 : memref<!tpu.dma_semaphore, #tpu.memory_space<semaphore_mem>>)
    %add3A_10 = arith.constant 4000 : i32
    %add3A_11 = arith.addi %mul3A_4, %add3A_10 : i32
    %dma_start3A_12 = tpu.memref_slice %arg2[%add3A_11] : memref<3200000xi32, #tpu.memory_space<hbm>> -> memref<4000xi32, #tpu.memory_space<hbm>>
    %dma_start3A_13 = tpu.memref_slice %arg2[%add3A_11] : memref<3200000xi32, #tpu.memory_space<hbm>> -> memref<4000xi32, #tpu.memory_space<hbm>>
    tpu.enqueue_dma source(%dma_start3A_13 : memref<4000xi32, #tpu.memory_space<hbm>>) target(%arg9 : memref<4000xi32, #tpu.memory_space<vmem>>) target_semaphore(%arg25 : memref<!tpu.dma_semaphore, #tpu.memory_space<semaphore_mem>>)
    %dma_start3A_14 = tpu.memref_slice %arg3[%add3A_11] : memref<3200000xi32, #tpu.memory_space<hbm>> -> memref<4000xi32, #tpu.memory_space<hbm>>
    %dma_start3A_15 = tpu.memref_slice %arg3[%add3A_11] : memref<3200000xi32, #tpu.memory_space<hbm>> -> memref<4000xi32, #tpu.memory_space<hbm>>
    tpu.enqueue_dma source(%dma_start3A_15 : memref<4000xi32, #tpu.memory_space<hbm>>) target(%arg13 : memref<4000xi32, #tpu.memory_space<vmem>>) target_semaphore(%arg25 : memref<!tpu.dma_semaphore, #tpu.memory_space<semaphore_mem>>)
    %scan3A = arith.constant 0 : i32
    %scan3A_16 = arith.constant 0 : i32
    %scan3A_17 = arith.constant 6 : i32
    %scan3A_18 = arith.addi %scan3A_16, %scan3A_17 : i32
    %scan3A_19 = arith.constant 1 : i32
    scf.for %scan3A_30 = %scan3A_16 to %scan3A_18 step %scan3A_19  : i32 {
      %mul3A_31 = arith.constant 4 : i32
      %mul3A_32 = arith.muli %scan3A_30, %mul3A_31 : i32
      %add3A_33 = arith.constant 0 : i32
      %add3A_34 = arith.addi %mul3A_32, %add3A_33 : i32
      %dma_wait3A_35 = arith.constant 0 : i32
      %dma_wait3A_36 = tpu.memref_slice %arg2[%dma_wait3A_35] : memref<3200000xi32, #tpu.memory_space<hbm>> -> memref<4000xi32, #tpu.memory_space<hbm>>
      %dma_wait3A_37 = arith.constant 0 : i32
      %dma_wait3A_38 = tpu.memref_slice %arg2[%dma_wait3A_37] : memref<3200000xi32, #tpu.memory_space<hbm>> -> memref<4000xi32, #tpu.memory_space<hbm>>
      tpu.wait_dma2 semaphore(%arg24 : memref<!tpu.dma_semaphore, #tpu.memory_space<semaphore_mem>>) src(%dma_wait3A_38 : memref<4000xi32, #tpu.memory_space<hbm>>) dst(%arg8 : memref<4000xi32, #tpu.memory_space<vmem>>)
      %dma_wait3A_39 = arith.constant 0 : i32
      %dma_wait3A_40 = tpu.memref_slice %arg3[%dma_wait3A_39] : memref<3200000xi32, #tpu.memory_space<hbm>> -> memref<4000xi32, #tpu.memory_space<hbm>>
      %dma_wait3A_41 = arith.constant 0 : i32
      %dma_wait3A_42 = tpu.memref_slice %arg3[%dma_wait3A_41] : memref<3200000xi32, #tpu.memory_space<hbm>> -> memref<4000xi32, #tpu.memory_space<hbm>>
      tpu.wait_dma2 semaphore(%arg24 : memref<!tpu.dma_semaphore, #tpu.memory_space<semaphore_mem>>) src(%dma_wait3A_42 : memref<4000xi32, #tpu.memory_space<hbm>>) dst(%arg12 : memref<4000xi32, #tpu.memory_space<vmem>>)
      "tpu.region"() ({
        %run_scoped3A_104 = tpu.sem_alloc : memref<!tpu.dma_semaphore, #tpu.memory_space<semaphore_mem>>
        %dma_start3A_105 = arith.constant 0 : i32
        %dma_start3A_106 = tpu.memref_slice %arg20[%dma_start3A_105] : memref<100352xf32, #tpu.memory_space<vmem_shared>> -> memref<100352xf32, #tpu.memory_space<vmem_shared>>
        tpu.enqueue_indirect_dma source(%dma_start3A_106 : memref<100352xf32, #tpu.memory_space<vmem_shared>>) target(%arg16 : memref<4000xf32, #tpu.memory_space<vmem>>) offsets(%arg8 : memref<4000xi32, #tpu.memory_space<vmem>>) semaphore(%run_scoped3A_104 : memref<!tpu.dma_semaphore, #tpu.memory_space<semaphore_mem>>)
        %dma_wait3A_107 = arith.constant 0 : i32
        %dma_wait3A_108 = tpu.memref_slice %arg20[%dma_wait3A_107] : memref<100352xf32, #tpu.memory_space<vmem_shared>> -> memref<100352xf32, #tpu.memory_space<vmem_shared>>
        tpu.wait_indirect_dma semaphore(%run_scoped3A_104 : memref<!tpu.dma_semaphore, #tpu.memory_space<semaphore_mem>>) src(%dma_wait3A_108 : memref<100352xf32, #tpu.memory_space<vmem_shared>>) dst(%arg16 : memref<4000xf32, #tpu.memory_space<vmem>>)
        tpu.yield
      }) : () -> ()
      "tpu.region"() ({
        %run_scoped3A_104 = tpu.sem_alloc : memref<!tpu.dma_semaphore, #tpu.memory_space<semaphore_mem>>
        %dma_start3A_105 = arith.constant 0 : i32
        %dma_start3A_106 = tpu.memref_slice %arg22[%dma_start3A_105] : memref<100352xf32, #tpu.memory_space<vmem_shared>> -> memref<100352xf32, #tpu.memory_space<vmem_shared>>
        tpu.enqueue_indirect_dma source(%arg16 : memref<4000xf32, #tpu.memory_space<vmem>>) target(%dma_start3A_106 : memref<100352xf32, #tpu.memory_space<vmem_shared>>) offsets(%arg12 : memref<4000xi32, #tpu.memory_space<vmem>>) semaphore(%run_scoped3A_104 : memref<!tpu.dma_semaphore, #tpu.memory_space<semaphore_mem>>) {add = true}
        %dma_wait3A_107 = arith.constant 0 : i32
        %dma_wait3A_108 = tpu.memref_slice %arg22[%dma_wait3A_107] : memref<100352xf32, #tpu.memory_space<vmem_shared>> -> memref<100352xf32, #tpu.memory_space<vmem_shared>>
        tpu.wait_indirect_dma semaphore(%run_scoped3A_104 : memref<!tpu.dma_semaphore, #tpu.memory_space<semaphore_mem>>) src(%arg16 : memref<4000xf32, #tpu.memory_space<vmem>>) dst(%dma_wait3A_108 : memref<100352xf32, #tpu.memory_space<vmem_shared>>)
        tpu.yield
      }) : () -> ()
      "tpu.region"() ({
        %run_scoped3A_104 = tpu.sem_alloc : memref<!tpu.dma_semaphore, #tpu.memory_space<semaphore_mem>>
        %dma_start3A_105 = arith.constant 0 : i32
        %dma_start3A_106 = tpu.memref_slice %arg21[%dma_start3A_105] : memref<100352xf32, #tpu.memory_space<vmem_shared>> -> memref<100352xf32, #tpu.memory_space<vmem_shared>>
        tpu.enqueue_indirect_dma source(%dma_start3A_106 : memref<100352xf32, #tpu.memory_space<vmem_shared>>) target(%arg17 : memref<4000xf32, #tpu.memory_space<vmem>>) offsets(%arg8 : memref<4000xi32, #tpu.memory_space<vmem>>) semaphore(%run_scoped3A_104 : memref<!tpu.dma_semaphore, #tpu.memory_space<semaphore_mem>>)
        %dma_wait3A_107 = arith.constant 0 : i32
        %dma_wait3A_108 = tpu.memref_slice %arg21[%dma_wait3A_107] : memref<100352xf32, #tpu.memory_space<vmem_shared>> -> memref<100352xf32, #tpu.memory_space<vmem_shared>>
        tpu.wait_indirect_dma semaphore(%run_scoped3A_104 : memref<!tpu.dma_semaphore, #tpu.memory_space<semaphore_mem>>) src(%dma_wait3A_108 : memref<100352xf32, #tpu.memory_space<vmem_shared>>) dst(%arg17 : memref<4000xf32, #tpu.memory_space<vmem>>)
        tpu.yield
      }) : () -> ()
      "tpu.region"() ({
        %run_scoped3A_104 = tpu.sem_alloc : memref<!tpu.dma_semaphore, #tpu.memory_space<semaphore_mem>>
        %dma_start3A_105 = arith.constant 0 : i32
        %dma_start3A_106 = tpu.memref_slice %arg23[%dma_start3A_105] : memref<100352xf32, #tpu.memory_space<vmem_shared>> -> memref<100352xf32, #tpu.memory_space<vmem_shared>>
        tpu.enqueue_indirect_dma source(%arg17 : memref<4000xf32, #tpu.memory_space<vmem>>) target(%dma_start3A_106 : memref<100352xf32, #tpu.memory_space<vmem_shared>>) offsets(%arg12 : memref<4000xi32, #tpu.memory_space<vmem>>) semaphore(%run_scoped3A_104 : memref<!tpu.dma_semaphore, #tpu.memory_space<semaphore_mem>>) {add = true}
        %dma_wait3A_107 = arith.constant 0 : i32
        %dma_wait3A_108 = tpu.memref_slice %arg23[%dma_wait3A_107] : memref<100352xf32, #tpu.memory_space<vmem_shared>> -> memref<100352xf32, #tpu.memory_space<vmem_shared>>
        tpu.wait_indirect_dma semaphore(%run_scoped3A_104 : memref<!tpu.dma_semaphore, #tpu.memory_space<semaphore_mem>>) src(%arg17 : memref<4000xf32, #tpu.memory_space<vmem>>) dst(%dma_wait3A_108 : memref<100352xf32, #tpu.memory_space<vmem_shared>>)
        tpu.yield
      }) : () -> ()
      %add3A_43 = arith.constant 2 : i32
      %add3A_44 = arith.addi %add3A_34, %add3A_43 : i32
      %lt3A = arith.constant 25 : i32
      %lt3A_45 = arith.cmpi slt, %add3A_44, %lt3A : i32
      %convert_element_type3A = arith.extui %lt3A_45 : i1 to i32
      %cond3A = arith.constant 0 : i32
      %cond3A_46 = arith.cmpi ne, %convert_element_type3A, %cond3A : i32
      scf.if %cond3A_46 {
        %add3A_104 = arith.constant 2 : i32
        %add3A_105 = arith.addi %add3A_34, %add3A_104 : i32
        %mul3A_106 = arith.constant 4000 : i32
        %mul3A_107 = arith.muli %add3A_105, %mul3A_106 : i32
        %add3A_108 = arith.addi %mul3A_4, %mul3A_107 : i32
        %dma_start3A_109 = tpu.memref_slice %arg2[%add3A_108] : memref<3200000xi32, #tpu.memory_space<hbm>> -> memref<4000xi32, #tpu.memory_space<hbm>>
        %dma_start3A_110 = tpu.memref_slice %arg2[%add3A_108] : memref<3200000xi32, #tpu.memory_space<hbm>> -> memref<4000xi32, #tpu.memory_space<hbm>>
        tpu.enqueue_dma source(%dma_start3A_110 : memref<4000xi32, #tpu.memory_space<hbm>>) target(%arg10 : memref<4000xi32, #tpu.memory_space<vmem>>) target_semaphore(%arg26 : memref<!tpu.dma_semaphore, #tpu.memory_space<semaphore_mem>>)
        %dma_start3A_111 = tpu.memref_slice %arg3[%add3A_108] : memref<3200000xi32, #tpu.memory_space<hbm>> -> memref<4000xi32, #tpu.memory_space<hbm>>
        %dma_start3A_112 = tpu.memref_slice %arg3[%add3A_108] : memref<3200000xi32, #tpu.memory_space<hbm>> -> memref<4000xi32, #tpu.memory_space<hbm>>
        tpu.enqueue_dma source(%dma_start3A_112 : memref<4000xi32, #tpu.memory_space<hbm>>) target(%arg14 : memref<4000xi32, #tpu.memory_space<vmem>>) target_semaphore(%arg26 : memref<!tpu.dma_semaphore, #tpu.memory_space<semaphore_mem>>)
      } else {
      }
      %mul3A_47 = arith.constant 4 : i32
      %mul3A_48 = arith.muli %scan3A_30, %mul3A_47 : i32
      %add3A_49 = arith.constant 1 : i32
      %add3A_50 = arith.addi %mul3A_48, %add3A_49 : i32
      %dma_wait3A_51 = arith.constant 0 : i32
      %dma_wait3A_52 = tpu.memref_slice %arg2[%dma_wait3A_51] : memref<3200000xi32, #tpu.memory_space<hbm>> -> memref<4000xi32, #tpu.memory_space<hbm>>
      %dma_wait3A_53 = arith.constant 0 : i32
      %dma_wait3A_54 = tpu.memref_slice %arg2[%dma_wait3A_53] : memref<3200000xi32, #tpu.memory_space<hbm>> -> memref<4000xi32, #tpu.memory_space<hbm>>
      tpu.wait_dma2 semaphore(%arg25 : memref<!tpu.dma_semaphore, #tpu.memory_space<semaphore_mem>>) src(%dma_wait3A_54 : memref<4000xi32, #tpu.memory_space<hbm>>) dst(%arg9 : memref<4000xi32, #tpu.memory_space<vmem>>)
      %dma_wait3A_55 = arith.constant 0 : i32
      %dma_wait3A_56 = tpu.memref_slice %arg3[%dma_wait3A_55] : memref<3200000xi32, #tpu.memory_space<hbm>> -> memref<4000xi32, #tpu.memory_space<hbm>>
      %dma_wait3A_57 = arith.constant 0 : i32
      %dma_wait3A_58 = tpu.memref_slice %arg3[%dma_wait3A_57] : memref<3200000xi32, #tpu.memory_space<hbm>> -> memref<4000xi32, #tpu.memory_space<hbm>>
      tpu.wait_dma2 semaphore(%arg25 : memref<!tpu.dma_semaphore, #tpu.memory_space<semaphore_mem>>) src(%dma_wait3A_58 : memref<4000xi32, #tpu.memory_space<hbm>>) dst(%arg13 : memref<4000xi32, #tpu.memory_space<vmem>>)
      "tpu.region"() ({
        %run_scoped3A_104 = tpu.sem_alloc : memref<!tpu.dma_semaphore, #tpu.memory_space<semaphore_mem>>
        %dma_start3A_105 = arith.constant 0 : i32
        %dma_start3A_106 = tpu.memref_slice %arg20[%dma_start3A_105] : memref<100352xf32, #tpu.memory_space<vmem_shared>> -> memref<100352xf32, #tpu.memory_space<vmem_shared>>
        tpu.enqueue_indirect_dma source(%dma_start3A_106 : memref<100352xf32, #tpu.memory_space<vmem_shared>>) target(%arg18 : memref<4000xf32, #tpu.memory_space<vmem>>) offsets(%arg9 : memref<4000xi32, #tpu.memory_space<vmem>>) semaphore(%run_scoped3A_104 : memref<!tpu.dma_semaphore, #tpu.memory_space<semaphore_mem>>)
        %dma_wait3A_107 = arith.constant 0 : i32
        %dma_wait3A_108 = tpu.memref_slice %arg20[%dma_wait3A_107] : memref<100352xf32, #tpu.memory_space<vmem_shared>> -> memref<100352xf32, #tpu.memory_space<vmem_shared>>
        tpu.wait_indirect_dma semaphore(%run_scoped3A_104 : memref<!tpu.dma_semaphore, #tpu.memory_space<semaphore_mem>>) src(%dma_wait3A_108 : memref<100352xf32, #tpu.memory_space<vmem_shared>>) dst(%arg18 : memref<4000xf32, #tpu.memory_space<vmem>>)
        tpu.yield
      }) : () -> ()
      "tpu.region"() ({
        %run_scoped3A_104 = tpu.sem_alloc : memref<!tpu.dma_semaphore, #tpu.memory_space<semaphore_mem>>
        %dma_start3A_105 = arith.constant 0 : i32
        %dma_start3A_106 = tpu.memref_slice %arg22[%dma_start3A_105] : memref<100352xf32, #tpu.memory_space<vmem_shared>> -> memref<100352xf32, #tpu.memory_space<vmem_shared>>
        tpu.enqueue_indirect_dma source(%arg18 : memref<4000xf32, #tpu.memory_space<vmem>>) target(%dma_start3A_106 : memref<100352xf32, #tpu.memory_space<vmem_shared>>) offsets(%arg13 : memref<4000xi32, #tpu.memory_space<vmem>>) semaphore(%run_scoped3A_104 : memref<!tpu.dma_semaphore, #tpu.memory_space<semaphore_mem>>) {add = true}
        %dma_wait3A_107 = arith.constant 0 : i32
        %dma_wait3A_108 = tpu.memref_slice %arg22[%dma_wait3A_107] : memref<100352xf32, #tpu.memory_space<vmem_shared>> -> memref<100352xf32, #tpu.memory_space<vmem_shared>>
        tpu.wait_indirect_dma semaphore(%run_scoped3A_104 : memref<!tpu.dma_semaphore, #tpu.memory_space<semaphore_mem>>) src(%arg18 : memref<4000xf32, #tpu.memory_space<vmem>>) dst(%dma_wait3A_108 : memref<100352xf32, #tpu.memory_space<vmem_shared>>)
        tpu.yield
      }) : () -> ()
      "tpu.region"() ({
        %run_scoped3A_104 = tpu.sem_alloc : memref<!tpu.dma_semaphore, #tpu.memory_space<semaphore_mem>>
        %dma_start3A_105 = arith.constant 0 : i32
        %dma_start3A_106 = tpu.memref_slice %arg21[%dma_start3A_105] : memref<100352xf32, #tpu.memory_space<vmem_shared>> -> memref<100352xf32, #tpu.memory_space<vmem_shared>>
        tpu.enqueue_indirect_dma source(%dma_start3A_106 : memref<100352xf32, #tpu.memory_space<vmem_shared>>) target(%arg19 : memref<4000xf32, #tpu.memory_space<vmem>>) offsets(%arg9 : memref<4000xi32, #tpu.memory_space<vmem>>) semaphore(%run_scoped3A_104 : memref<!tpu.dma_semaphore, #tpu.memory_space<semaphore_mem>>)
        %dma_wait3A_107 = arith.constant 0 : i32
        %dma_wait3A_108 = tpu.memref_slice %arg21[%dma_wait3A_107] : memref<100352xf32, #tpu.memory_space<vmem_shared>> -> memref<100352xf32, #tpu.memory_space<vmem_shared>>
        tpu.wait_indirect_dma semaphore(%run_scoped3A_104 : memref<!tpu.dma_semaphore, #tpu.memory_space<semaphore_mem>>) src(%dma_wait3A_108 : memref<100352xf32, #tpu.memory_space<vmem_shared>>) dst(%arg19 : memref<4000xf32, #tpu.memory_space<vmem>>)
        tpu.yield
      }) : () -> ()
      "tpu.region"() ({
        %run_scoped3A_104 = tpu.sem_alloc : memref<!tpu.dma_semaphore, #tpu.memory_space<semaphore_mem>>
        %dma_start3A_105 = arith.constant 0 : i32
        %dma_start3A_106 = tpu.memref_slice %arg23[%dma_start3A_105] : memref<100352xf32, #tpu.memory_space<vmem_shared>> -> memref<100352xf32, #tpu.memory_space<vmem_shared>>
        tpu.enqueue_indirect_dma source(%arg19 : memref<4000xf32, #tpu.memory_space<vmem>>) target(%dma_start3A_106 : memref<100352xf32, #tpu.memory_space<vmem_shared>>) offsets(%arg13 : memref<4000xi32, #tpu.memory_space<vmem>>) semaphore(%run_scoped3A_104 : memref<!tpu.dma_semaphore, #tpu.memory_space<semaphore_mem>>) {add = true}
        %dma_wait3A_107 = arith.constant 0 : i32
        %dma_wait3A_108 = tpu.memref_slice %arg23[%dma_wait3A_107] : memref<100352xf32, #tpu.memory_space<vmem_shared>> -> memref<100352xf32, #tpu.memory_space<vmem_shared>>
        tpu.wait_indirect_dma semaphore(%run_scoped3A_104 : memref<!tpu.dma_semaphore, #tpu.memory_space<semaphore_mem>>) src(%arg19 : memref<4000xf32, #tpu.memory_space<vmem>>) dst(%dma_wait3A_108 : memref<100352xf32, #tpu.memory_space<vmem_shared>>)
        tpu.yield
      }) : () -> ()
      %add3A_59 = arith.constant 2 : i32
      %add3A_60 = arith.addi %add3A_50, %add3A_59 : i32
      %lt3A_61 = arith.constant 25 : i32
      %lt3A_62 = arith.cmpi slt, %add3A_60, %lt3A_61 : i32
      %convert_element_type3A_63 = arith.extui %lt3A_62 : i1 to i32
      %cond3A_64 = arith.constant 0 : i32
      %cond3A_65 = arith.cmpi ne, %convert_element_type3A_63, %cond3A_64 : i32
      scf.if %cond3A_65 {
        %add3A_104 = arith.constant 2 : i32
        %add3A_105 = arith.addi %add3A_50, %add3A_104 : i32
        %mul3A_106 = arith.constant 4000 : i32
        %mul3A_107 = arith.muli %add3A_105, %mul3A_106 : i32
        %add3A_108 = arith.addi %mul3A_4, %mul3A_107 : i32
        %dma_start3A_109 = tpu.memref_slice %arg2[%add3A_108] : memref<3200000xi32, #tpu.memory_space<hbm>> -> memref<4000xi32, #tpu.memory_space<hbm>>
        %dma_start3A_110 = tpu.memref_slice %arg2[%add3A_108] : memref<3200000xi32, #tpu.memory_space<hbm>> -> memref<4000xi32, #tpu.memory_space<hbm>>
        tpu.enqueue_dma source(%dma_start3A_110 : memref<4000xi32, #tpu.memory_space<hbm>>) target(%arg11 : memref<4000xi32, #tpu.memory_space<vmem>>) target_semaphore(%arg27 : memref<!tpu.dma_semaphore, #tpu.memory_space<semaphore_mem>>)
        %dma_start3A_111 = tpu.memref_slice %arg3[%add3A_108] : memref<3200000xi32, #tpu.memory_space<hbm>> -> memref<4000xi32, #tpu.memory_space<hbm>>
        %dma_start3A_112 = tpu.memref_slice %arg3[%add3A_108] : memref<3200000xi32, #tpu.memory_space<hbm>> -> memref<4000xi32, #tpu.memory_space<hbm>>
        tpu.enqueue_dma source(%dma_start3A_112 : memref<4000xi32, #tpu.memory_space<hbm>>) target(%arg15 : memref<4000xi32, #tpu.memory_space<vmem>>) target_semaphore(%arg27 : memref<!tpu.dma_semaphore, #tpu.memory_space<semaphore_mem>>)
      } else {
      }
      %mul3A_66 = arith.constant 4 : i32
      %mul3A_67 = arith.muli %scan3A_30, %mul3A_66 : i32
      %add3A_68 = arith.constant 2 : i32
      %add3A_69 = arith.addi %mul3A_67, %add3A_68 : i32
      %dma_wait3A_70 = arith.constant 0 : i32
      %dma_wait3A_71 = tpu.memref_slice %arg2[%dma_wait3A_70] : memref<3200000xi32, #tpu.memory_space<hbm>> -> memref<4000xi32, #tpu.memory_space<hbm>>
      %dma_wait3A_72 = arith.constant 0 : i32
      %dma_wait3A_73 = tpu.memref_slice %arg2[%dma_wait3A_72] : memref<3200000xi32, #tpu.memory_space<hbm>> -> memref<4000xi32, #tpu.memory_space<hbm>>
      tpu.wait_dma2 semaphore(%arg26 : memref<!tpu.dma_semaphore, #tpu.memory_space<semaphore_mem>>) src(%dma_wait3A_73 : memref<4000xi32, #tpu.memory_space<hbm>>) dst(%arg10 : memref<4000xi32, #tpu.memory_space<vmem>>)
      %dma_wait3A_74 = arith.constant 0 : i32
      %dma_wait3A_75 = tpu.memref_slice %arg3[%dma_wait3A_74] : memref<3200000xi32, #tpu.memory_space<hbm>> -> memref<4000xi32, #tpu.memory_space<hbm>>
      %dma_wait3A_76 = arith.constant 0 : i32
      %dma_wait3A_77 = tpu.memref_slice %arg3[%dma_wait3A_76] : memref<3200000xi32, #tpu.memory_space<hbm>> -> memref<4000xi32, #tpu.memory_space<hbm>>
      tpu.wait_dma2 semaphore(%arg26 : memref<!tpu.dma_semaphore, #tpu.memory_space<semaphore_mem>>) src(%dma_wait3A_77 : memref<4000xi32, #tpu.memory_space<hbm>>) dst(%arg14 : memref<4000xi32, #tpu.memory_space<vmem>>)
      "tpu.region"() ({
        %run_scoped3A_104 = tpu.sem_alloc : memref<!tpu.dma_semaphore, #tpu.memory_space<semaphore_mem>>
        %dma_start3A_105 = arith.constant 0 : i32
        %dma_start3A_106 = tpu.memref_slice %arg20[%dma_start3A_105] : memref<100352xf32, #tpu.memory_space<vmem_shared>> -> memref<100352xf32, #tpu.memory_space<vmem_shared>>
        tpu.enqueue_indirect_dma source(%dma_start3A_106 : memref<100352xf32, #tpu.memory_space<vmem_shared>>) target(%arg16 : memref<4000xf32, #tpu.memory_space<vmem>>) offsets(%arg10 : memref<4000xi32, #tpu.memory_space<vmem>>) semaphore(%run_scoped3A_104 : memref<!tpu.dma_semaphore, #tpu.memory_space<semaphore_mem>>)
        %dma_wait3A_107 = arith.constant 0 : i32
        %dma_wait3A_108 = tpu.memref_slice %arg20[%dma_wait3A_107] : memref<100352xf32, #tpu.memory_space<vmem_shared>> -> memref<100352xf32, #tpu.memory_space<vmem_shared>>
        tpu.wait_indirect_dma semaphore(%run_scoped3A_104 : memref<!tpu.dma_semaphore, #tpu.memory_space<semaphore_mem>>) src(%dma_wait3A_108 : memref<100352xf32, #tpu.memory_space<vmem_shared>>) dst(%arg16 : memref<4000xf32, #tpu.memory_space<vmem>>)
        tpu.yield
      }) : () -> ()
      "tpu.region"() ({
        %run_scoped3A_104 = tpu.sem_alloc : memref<!tpu.dma_semaphore, #tpu.memory_space<semaphore_mem>>
        %dma_start3A_105 = arith.constant 0 : i32
        %dma_start3A_106 = tpu.memref_slice %arg22[%dma_start3A_105] : memref<100352xf32, #tpu.memory_space<vmem_shared>> -> memref<100352xf32, #tpu.memory_space<vmem_shared>>
        tpu.enqueue_indirect_dma source(%arg16 : memref<4000xf32, #tpu.memory_space<vmem>>) target(%dma_start3A_106 : memref<100352xf32, #tpu.memory_space<vmem_shared>>) offsets(%arg14 : memref<4000xi32, #tpu.memory_space<vmem>>) semaphore(%run_scoped3A_104 : memref<!tpu.dma_semaphore, #tpu.memory_space<semaphore_mem>>) {add = true}
        %dma_wait3A_107 = arith.constant 0 : i32
        %dma_wait3A_108 = tpu.memref_slice %arg22[%dma_wait3A_107] : memref<100352xf32, #tpu.memory_space<vmem_shared>> -> memref<100352xf32, #tpu.memory_space<vmem_shared>>
        tpu.wait_indirect_dma semaphore(%run_scoped3A_104 : memref<!tpu.dma_semaphore, #tpu.memory_space<semaphore_mem>>) src(%arg16 : memref<4000xf32, #tpu.memory_space<vmem>>) dst(%dma_wait3A_108 : memref<100352xf32, #tpu.memory_space<vmem_shared>>)
        tpu.yield
      }) : () -> ()
      "tpu.region"() ({
        %run_scoped3A_104 = tpu.sem_alloc : memref<!tpu.dma_semaphore, #tpu.memory_space<semaphore_mem>>
        %dma_start3A_105 = arith.constant 0 : i32
        %dma_start3A_106 = tpu.memref_slice %arg21[%dma_start3A_105] : memref<100352xf32, #tpu.memory_space<vmem_shared>> -> memref<100352xf32, #tpu.memory_space<vmem_shared>>
        tpu.enqueue_indirect_dma source(%dma_start3A_106 : memref<100352xf32, #tpu.memory_space<vmem_shared>>) target(%arg17 : memref<4000xf32, #tpu.memory_space<vmem>>) offsets(%arg10 : memref<4000xi32, #tpu.memory_space<vmem>>) semaphore(%run_scoped3A_104 : memref<!tpu.dma_semaphore, #tpu.memory_space<semaphore_mem>>)
        %dma_wait3A_107 = arith.constant 0 : i32
        %dma_wait3A_108 = tpu.memref_slice %arg21[%dma_wait3A_107] : memref<100352xf32, #tpu.memory_space<vmem_shared>> -> memref<100352xf32, #tpu.memory_space<vmem_shared>>
        tpu.wait_indirect_dma semaphore(%run_scoped3A_104 : memref<!tpu.dma_semaphore, #tpu.memory_space<semaphore_mem>>) src(%dma_wait3A_108 : memref<100352xf32, #tpu.memory_space<vmem_shared>>) dst(%arg17 : memref<4000xf32, #tpu.memory_space<vmem>>)
        tpu.yield
      }) : () -> ()
      "tpu.region"() ({
        %run_scoped3A_104 = tpu.sem_alloc : memref<!tpu.dma_semaphore, #tpu.memory_space<semaphore_mem>>
        %dma_start3A_105 = arith.constant 0 : i32
        %dma_start3A_106 = tpu.memref_slice %arg23[%dma_start3A_105] : memref<100352xf32, #tpu.memory_space<vmem_shared>> -> memref<100352xf32, #tpu.memory_space<vmem_shared>>
        tpu.enqueue_indirect_dma source(%arg17 : memref<4000xf32, #tpu.memory_space<vmem>>) target(%dma_start3A_106 : memref<100352xf32, #tpu.memory_space<vmem_shared>>) offsets(%arg14 : memref<4000xi32, #tpu.memory_space<vmem>>) semaphore(%run_scoped3A_104 : memref<!tpu.dma_semaphore, #tpu.memory_space<semaphore_mem>>) {add = true}
        %dma_wait3A_107 = arith.constant 0 : i32
        %dma_wait3A_108 = tpu.memref_slice %arg23[%dma_wait3A_107] : memref<100352xf32, #tpu.memory_space<vmem_shared>> -> memref<100352xf32, #tpu.memory_space<vmem_shared>>
        tpu.wait_indirect_dma semaphore(%run_scoped3A_104 : memref<!tpu.dma_semaphore, #tpu.memory_space<semaphore_mem>>) src(%arg17 : memref<4000xf32, #tpu.memory_space<vmem>>) dst(%dma_wait3A_108 : memref<100352xf32, #tpu.memory_space<vmem_shared>>)
        tpu.yield
      }) : () -> ()
      %add3A_78 = arith.constant 2 : i32
      %add3A_79 = arith.addi %add3A_69, %add3A_78 : i32
      %lt3A_80 = arith.constant 25 : i32
      %lt3A_81 = arith.cmpi slt, %add3A_79, %lt3A_80 : i32
      %convert_element_type3A_82 = arith.extui %lt3A_81 : i1 to i32
      %cond3A_83 = arith.constant 0 : i32
      %cond3A_84 = arith.cmpi ne, %convert_element_type3A_82, %cond3A_83 : i32
      scf.if %cond3A_84 {
        %add3A_104 = arith.constant 2 : i32
        %add3A_105 = arith.addi %add3A_69, %add3A_104 : i32
        %mul3A_106 = arith.constant 4000 : i32
        %mul3A_107 = arith.muli %add3A_105, %mul3A_106 : i32
        %add3A_108 = arith.addi %mul3A_4, %mul3A_107 : i32
        %dma_start3A_109 = tpu.memref_slice %arg2[%add3A_108] : memref<3200000xi32, #tpu.memory_space<hbm>> -> memref<4000xi32, #tpu.memory_space<hbm>>
        %dma_start3A_110 = tpu.memref_slice %arg2[%add3A_108] : memref<3200000xi32, #tpu.memory_space<hbm>> -> memref<4000xi32, #tpu.memory_space<hbm>>
        tpu.enqueue_dma source(%dma_start3A_110 : memref<4000xi32, #tpu.memory_space<hbm>>) target(%arg8 : memref<4000xi32, #tpu.memory_space<vmem>>) target_semaphore(%arg24 : memref<!tpu.dma_semaphore, #tpu.memory_space<semaphore_mem>>)
        %dma_start3A_111 = tpu.memref_slice %arg3[%add3A_108] : memref<3200000xi32, #tpu.memory_space<hbm>> -> memref<4000xi32, #tpu.memory_space<hbm>>
        %dma_start3A_112 = tpu.memref_slice %arg3[%add3A_108] : memref<3200000xi32, #tpu.memory_space<hbm>> -> memref<4000xi32, #tpu.memory_space<hbm>>
        tpu.enqueue_dma source(%dma_start3A_112 : memref<4000xi32, #tpu.memory_space<hbm>>) target(%arg12 : memref<4000xi32, #tpu.memory_space<vmem>>) target_semaphore(%arg24 : memref<!tpu.dma_semaphore, #tpu.memory_space<semaphore_mem>>)
      } else {
      }
      %mul3A_85 = arith.constant 4 : i32
      %mul3A_86 = arith.muli %scan3A_30, %mul3A_85 : i32
      %add3A_87 = arith.constant 3 : i32
      %add3A_88 = arith.addi %mul3A_86, %add3A_87 : i32
      %dma_wait3A_89 = arith.constant 0 : i32
      %dma_wait3A_90 = tpu.memref_slice %arg2[%dma_wait3A_89] : memref<3200000xi32, #tpu.memory_space<hbm>> -> memref<4000xi32, #tpu.memory_space<hbm>>
      %dma_wait3A_91 = arith.constant 0 : i32
      %dma_wait3A_92 = tpu.memref_slice %arg2[%dma_wait3A_91] : memref<3200000xi32, #tpu.memory_space<hbm>> -> memref<4000xi32, #tpu.memory_space<hbm>>
      tpu.wait_dma2 semaphore(%arg27 : memref<!tpu.dma_semaphore, #tpu.memory_space<semaphore_mem>>) src(%dma_wait3A_92 : memref<4000xi32, #tpu.memory_space<hbm>>) dst(%arg11 : memref<4000xi32, #tpu.memory_space<vmem>>)
      %dma_wait3A_93 = arith.constant 0 : i32
      %dma_wait3A_94 = tpu.memref_slice %arg3[%dma_wait3A_93] : memref<3200000xi32, #tpu.memory_space<hbm>> -> memref<4000xi32, #tpu.memory_space<hbm>>
      %dma_wait3A_95 = arith.constant 0 : i32
      %dma_wait3A_96 = tpu.memref_slice %arg3[%dma_wait3A_95] : memref<3200000xi32, #tpu.memory_space<hbm>> -> memref<4000xi32, #tpu.memory_space<hbm>>
      tpu.wait_dma2 semaphore(%arg27 : memref<!tpu.dma_semaphore, #tpu.memory_space<semaphore_mem>>) src(%dma_wait3A_96 : memref<4000xi32, #tpu.memory_space<hbm>>) dst(%arg15 : memref<4000xi32, #tpu.memory_space<vmem>>)
      "tpu.region"() ({
        %run_scoped3A_104 = tpu.sem_alloc : memref<!tpu.dma_semaphore, #tpu.memory_space<semaphore_mem>>
        %dma_start3A_105 = arith.constant 0 : i32
        %dma_start3A_106 = tpu.memref_slice %arg20[%dma_start3A_105] : memref<100352xf32, #tpu.memory_space<vmem_shared>> -> memref<100352xf32, #tpu.memory_space<vmem_shared>>
        tpu.enqueue_indirect_dma source(%dma_start3A_106 : memref<100352xf32, #tpu.memory_space<vmem_shared>>) target(%arg18 : memref<4000xf32, #tpu.memory_space<vmem>>) offsets(%arg11 : memref<4000xi32, #tpu.memory_space<vmem>>) semaphore(%run_scoped3A_104 : memref<!tpu.dma_semaphore, #tpu.memory_space<semaphore_mem>>)
        %dma_wait3A_107 = arith.constant 0 : i32
        %dma_wait3A_108 = tpu.memref_slice %arg20[%dma_wait3A_107] : memref<100352xf32, #tpu.memory_space<vmem_shared>> -> memref<100352xf32, #tpu.memory_space<vmem_shared>>
        tpu.wait_indirect_dma semaphore(%run_scoped3A_104 : memref<!tpu.dma_semaphore, #tpu.memory_space<semaphore_mem>>) src(%dma_wait3A_108 : memref<100352xf32, #tpu.memory_space<vmem_shared>>) dst(%arg18 : memref<4000xf32, #tpu.memory_space<vmem>>)
        tpu.yield
      }) : () -> ()
      "tpu.region"() ({
        %run_scoped3A_104 = tpu.sem_alloc : memref<!tpu.dma_semaphore, #tpu.memory_space<semaphore_mem>>
        %dma_start3A_105 = arith.constant 0 : i32
        %dma_start3A_106 = tpu.memref_slice %arg22[%dma_start3A_105] : memref<100352xf32, #tpu.memory_space<vmem_shared>> -> memref<100352xf32, #tpu.memory_space<vmem_shared>>
        tpu.enqueue_indirect_dma source(%arg18 : memref<4000xf32, #tpu.memory_space<vmem>>) target(%dma_start3A_106 : memref<100352xf32, #tpu.memory_space<vmem_shared>>) offsets(%arg15 : memref<4000xi32, #tpu.memory_space<vmem>>) semaphore(%run_scoped3A_104 : memref<!tpu.dma_semaphore, #tpu.memory_space<semaphore_mem>>) {add = true}
        %dma_wait3A_107 = arith.constant 0 : i32
        %dma_wait3A_108 = tpu.memref_slice %arg22[%dma_wait3A_107] : memref<100352xf32, #tpu.memory_space<vmem_shared>> -> memref<100352xf32, #tpu.memory_space<vmem_shared>>
        tpu.wait_indirect_dma semaphore(%run_scoped3A_104 : memref<!tpu.dma_semaphore, #tpu.memory_space<semaphore_mem>>) src(%arg18 : memref<4000xf32, #tpu.memory_space<vmem>>) dst(%dma_wait3A_108 : memref<100352xf32, #tpu.memory_space<vmem_shared>>)
        tpu.yield
      }) : () -> ()
      "tpu.region"() ({
        %run_scoped3A_104 = tpu.sem_alloc : memref<!tpu.dma_semaphore, #tpu.memory_space<semaphore_mem>>
        %dma_start3A_105 = arith.constant 0 : i32
        %dma_start3A_106 = tpu.memref_slice %arg21[%dma_start3A_105] : memref<100352xf32, #tpu.memory_space<vmem_shared>> -> memref<100352xf32, #tpu.memory_space<vmem_shared>>
        tpu.enqueue_indirect_dma source(%dma_start3A_106 : memref<100352xf32, #tpu.memory_space<vmem_shared>>) target(%arg19 : memref<4000xf32, #tpu.memory_space<vmem>>) offsets(%arg11 : memref<4000xi32, #tpu.memory_space<vmem>>) semaphore(%run_scoped3A_104 : memref<!tpu.dma_semaphore, #tpu.memory_space<semaphore_mem>>)
        %dma_wait3A_107 = arith.constant 0 : i32
        %dma_wait3A_108 = tpu.memref_slice %arg21[%dma_wait3A_107] : memref<100352xf32, #tpu.memory_space<vmem_shared>> -> memref<100352xf32, #tpu.memory_space<vmem_shared>>
        tpu.wait_indirect_dma semaphore(%run_scoped3A_104 : memref<!tpu.dma_semaphore, #tpu.memory_space<semaphore_mem>>) src(%dma_wait3A_108 : memref<100352xf32, #tpu.memory_space<vmem_shared>>) dst(%arg19 : memref<4000xf32, #tpu.memory_space<vmem>>)
        tpu.yield
      }) : () -> ()
      "tpu.region"() ({
        %run_scoped3A_104 = tpu.sem_alloc : memref<!tpu.dma_semaphore, #tpu.memory_space<semaphore_mem>>
        %dma_start3A_105 = arith.constant 0 : i32
        %dma_start3A_106 = tpu.memref_slice %arg23[%dma_start3A_105] : memref<100352xf32, #tpu.memory_space<vmem_shared>> -> memref<100352xf32, #tpu.memory_space<vmem_shared>>
        tpu.enqueue_indirect_dma source(%arg19 : memref<4000xf32, #tpu.memory_space<vmem>>) target(%dma_start3A_106 : memref<100352xf32, #tpu.memory_space<vmem_shared>>) offsets(%arg15 : memref<4000xi32, #tpu.memory_space<vmem>>) semaphore(%run_scoped3A_104 : memref<!tpu.dma_semaphore, #tpu.memory_space<semaphore_mem>>) {add = true}
        %dma_wait3A_107 = arith.constant 0 : i32
        %dma_wait3A_108 = tpu.memref_slice %arg23[%dma_wait3A_107] : memref<100352xf32, #tpu.memory_space<vmem_shared>> -> memref<100352xf32, #tpu.memory_space<vmem_shared>>
        tpu.wait_indirect_dma semaphore(%run_scoped3A_104 : memref<!tpu.dma_semaphore, #tpu.memory_space<semaphore_mem>>) src(%arg19 : memref<4000xf32, #tpu.memory_space<vmem>>) dst(%dma_wait3A_108 : memref<100352xf32, #tpu.memory_space<vmem_shared>>)
        tpu.yield
      }) : () -> ()
      %add3A_97 = arith.constant 2 : i32
      %add3A_98 = arith.addi %add3A_88, %add3A_97 : i32
      %lt3A_99 = arith.constant 25 : i32
      %lt3A_100 = arith.cmpi slt, %add3A_98, %lt3A_99 : i32
      %convert_element_type3A_101 = arith.extui %lt3A_100 : i1 to i32
      %cond3A_102 = arith.constant 0 : i32
      %cond3A_103 = arith.cmpi ne, %convert_element_type3A_101, %cond3A_102 : i32
      scf.if %cond3A_103 {
        %add3A_104 = arith.constant 2 : i32
        %add3A_105 = arith.addi %add3A_88, %add3A_104 : i32
        %mul3A_106 = arith.constant 4000 : i32
        %mul3A_107 = arith.muli %add3A_105, %mul3A_106 : i32
        %add3A_108 = arith.addi %mul3A_4, %mul3A_107 : i32
        %dma_start3A_109 = tpu.memref_slice %arg2[%add3A_108] : memref<3200000xi32, #tpu.memory_space<hbm>> -> memref<4000xi32, #tpu.memory_space<hbm>>
        %dma_start3A_110 = tpu.memref_slice %arg2[%add3A_108] : memref<3200000xi32, #tpu.memory_space<hbm>> -> memref<4000xi32, #tpu.memory_space<hbm>>
        tpu.enqueue_dma source(%dma_start3A_110 : memref<4000xi32, #tpu.memory_space<hbm>>) target(%arg9 : memref<4000xi32, #tpu.memory_space<vmem>>) target_semaphore(%arg25 : memref<!tpu.dma_semaphore, #tpu.memory_space<semaphore_mem>>)
        %dma_start3A_111 = tpu.memref_slice %arg3[%add3A_108] : memref<3200000xi32, #tpu.memory_space<hbm>> -> memref<4000xi32, #tpu.memory_space<hbm>>
        %dma_start3A_112 = tpu.memref_slice %arg3[%add3A_108] : memref<3200000xi32, #tpu.memory_space<hbm>> -> memref<4000xi32, #tpu.memory_space<hbm>>
        tpu.enqueue_dma source(%dma_start3A_112 : memref<4000xi32, #tpu.memory_space<hbm>>) target(%arg13 : memref<4000xi32, #tpu.memory_space<vmem>>) target_semaphore(%arg25 : memref<!tpu.dma_semaphore, #tpu.memory_space<semaphore_mem>>)
      } else {
      }
    }
    %scan3A_20 = arith.constant 6 : i32
    %dma_wait3A = arith.constant 0 : i32
    %dma_wait3A_21 = tpu.memref_slice %arg2[%dma_wait3A] : memref<3200000xi32, #tpu.memory_space<hbm>> -> memref<4000xi32, #tpu.memory_space<hbm>>
    %dma_wait3A_22 = arith.constant 0 : i32
    %dma_wait3A_23 = tpu.memref_slice %arg2[%dma_wait3A_22] : memref<3200000xi32, #tpu.memory_space<hbm>> -> memref<4000xi32, #tpu.memory_space<hbm>>
    tpu.wait_dma2 semaphore(%arg24 : memref<!tpu.dma_semaphore, #tpu.memory_space<semaphore_mem>>) src(%dma_wait3A_23 : memref<4000xi32, #tpu.memory_space<hbm>>) dst(%arg8 : memref<4000xi32, #tpu.memory_space<vmem>>)
    %dma_wait3A_24 = arith.constant 0 : i32
    %dma_wait3A_25 = tpu.memref_slice %arg3[%dma_wait3A_24] : memref<3200000xi32, #tpu.memory_space<hbm>> -> memref<4000xi32, #tpu.memory_space<hbm>>
    %dma_wait3A_26 = arith.constant 0 : i32
    %dma_wait3A_27 = tpu.memref_slice %arg3[%dma_wait3A_26] : memref<3200000xi32, #tpu.memory_space<hbm>> -> memref<4000xi32, #tpu.memory_space<hbm>>
    tpu.wait_dma2 semaphore(%arg24 : memref<!tpu.dma_semaphore, #tpu.memory_space<semaphore_mem>>) src(%dma_wait3A_27 : memref<4000xi32, #tpu.memory_space<hbm>>) dst(%arg12 : memref<4000xi32, #tpu.memory_space<vmem>>)
    "tpu.region"() ({
      %run_scoped3A_30 = tpu.sem_alloc : memref<!tpu.dma_semaphore, #tpu.memory_space<semaphore_mem>>
      %dma_start3A_31 = arith.constant 0 : i32
      %dma_start3A_32 = tpu.memref_slice %arg20[%dma_start3A_31] : memref<100352xf32, #tpu.memory_space<vmem_shared>> -> memref<100352xf32, #tpu.memory_space<vmem_shared>>
      tpu.enqueue_indirect_dma source(%dma_start3A_32 : memref<100352xf32, #tpu.memory_space<vmem_shared>>) target(%arg16 : memref<4000xf32, #tpu.memory_space<vmem>>) offsets(%arg8 : memref<4000xi32, #tpu.memory_space<vmem>>) semaphore(%run_scoped3A_30 : memref<!tpu.dma_semaphore, #tpu.memory_space<semaphore_mem>>)
      %dma_wait3A_33 = arith.constant 0 : i32
      %dma_wait3A_34 = tpu.memref_slice %arg20[%dma_wait3A_33] : memref<100352xf32, #tpu.memory_space<vmem_shared>> -> memref<100352xf32, #tpu.memory_space<vmem_shared>>
      tpu.wait_indirect_dma semaphore(%run_scoped3A_30 : memref<!tpu.dma_semaphore, #tpu.memory_space<semaphore_mem>>) src(%dma_wait3A_34 : memref<100352xf32, #tpu.memory_space<vmem_shared>>) dst(%arg16 : memref<4000xf32, #tpu.memory_space<vmem>>)
      tpu.yield
    }) : () -> ()
    "tpu.region"() ({
      %run_scoped3A_30 = tpu.sem_alloc : memref<!tpu.dma_semaphore, #tpu.memory_space<semaphore_mem>>
      %dma_start3A_31 = arith.constant 0 : i32
      %dma_start3A_32 = tpu.memref_slice %arg22[%dma_start3A_31] : memref<100352xf32, #tpu.memory_space<vmem_shared>> -> memref<100352xf32, #tpu.memory_space<vmem_shared>>
      tpu.enqueue_indirect_dma source(%arg16 : memref<4000xf32, #tpu.memory_space<vmem>>) target(%dma_start3A_32 : memref<100352xf32, #tpu.memory_space<vmem_shared>>) offsets(%arg12 : memref<4000xi32, #tpu.memory_space<vmem>>) semaphore(%run_scoped3A_30 : memref<!tpu.dma_semaphore, #tpu.memory_space<semaphore_mem>>) {add = true}
      %dma_wait3A_33 = arith.constant 0 : i32
      %dma_wait3A_34 = tpu.memref_slice %arg22[%dma_wait3A_33] : memref<100352xf32, #tpu.memory_space<vmem_shared>> -> memref<100352xf32, #tpu.memory_space<vmem_shared>>
      tpu.wait_indirect_dma semaphore(%run_scoped3A_30 : memref<!tpu.dma_semaphore, #tpu.memory_space<semaphore_mem>>) src(%arg16 : memref<4000xf32, #tpu.memory_space<vmem>>) dst(%dma_wait3A_34 : memref<100352xf32, #tpu.memory_space<vmem_shared>>)
      tpu.yield
    }) : () -> ()
    "tpu.region"() ({
      %run_scoped3A_30 = tpu.sem_alloc : memref<!tpu.dma_semaphore, #tpu.memory_space<semaphore_mem>>
      %dma_start3A_31 = arith.constant 0 : i32
      %dma_start3A_32 = tpu.memref_slice %arg21[%dma_start3A_31] : memref<100352xf32, #tpu.memory_space<vmem_shared>> -> memref<100352xf32, #tpu.memory_space<vmem_shared>>
      tpu.enqueue_indirect_dma source(%dma_start3A_32 : memref<100352xf32, #tpu.memory_space<vmem_shared>>) target(%arg17 : memref<4000xf32, #tpu.memory_space<vmem>>) offsets(%arg8 : memref<4000xi32, #tpu.memory_space<vmem>>) semaphore(%run_scoped3A_30 : memref<!tpu.dma_semaphore, #tpu.memory_space<semaphore_mem>>)
      %dma_wait3A_33 = arith.constant 0 : i32
      %dma_wait3A_34 = tpu.memref_slice %arg21[%dma_wait3A_33] : memref<100352xf32, #tpu.memory_space<vmem_shared>> -> memref<100352xf32, #tpu.memory_space<vmem_shared>>
      tpu.wait_indirect_dma semaphore(%run_scoped3A_30 : memref<!tpu.dma_semaphore, #tpu.memory_space<semaphore_mem>>) src(%dma_wait3A_34 : memref<100352xf32, #tpu.memory_space<vmem_shared>>) dst(%arg17 : memref<4000xf32, #tpu.memory_space<vmem>>)
      tpu.yield
    }) : () -> ()
    "tpu.region"() ({
      %run_scoped3A_30 = tpu.sem_alloc : memref<!tpu.dma_semaphore, #tpu.memory_space<semaphore_mem>>
      %dma_start3A_31 = arith.constant 0 : i32
      %dma_start3A_32 = tpu.memref_slice %arg23[%dma_start3A_31] : memref<100352xf32, #tpu.memory_space<vmem_shared>> -> memref<100352xf32, #tpu.memory_space<vmem_shared>>
      tpu.enqueue_indirect_dma source(%arg17 : memref<4000xf32, #tpu.memory_space<vmem>>) target(%dma_start3A_32 : memref<100352xf32, #tpu.memory_space<vmem_shared>>) offsets(%arg12 : memref<4000xi32, #tpu.memory_space<vmem>>) semaphore(%run_scoped3A_30 : memref<!tpu.dma_semaphore, #tpu.memory_space<semaphore_mem>>) {add = true}
      %dma_wait3A_33 = arith.constant 0 : i32
      %dma_wait3A_34 = tpu.memref_slice %arg23[%dma_wait3A_33] : memref<100352xf32, #tpu.memory_space<vmem_shared>> -> memref<100352xf32, #tpu.memory_space<vmem_shared>>
      tpu.wait_indirect_dma semaphore(%run_scoped3A_30 : memref<!tpu.dma_semaphore, #tpu.memory_space<semaphore_mem>>) src(%arg17 : memref<4000xf32, #tpu.memory_space<vmem>>) dst(%dma_wait3A_34 : memref<100352xf32, #tpu.memory_space<vmem_shared>>)
      tpu.yield
    }) : () -> ()
    %barrier3A_28 = arith.constant 0 : index
    tpu.barrier barrier_id(%barrier3A_28)
    %run_scoped3A = arith.constant 0 : i32
    "tpu.region"() ({
      %run_scoped3A_30 = tpu.sem_alloc : memref<!tpu.dma_semaphore, #tpu.memory_space<semaphore_mem>>
      %dma_start3A_31 = tpu.memref_slice %arg7[%arg0, %run_scoped3A, %mul3A_2] : memref<2x2x100352xf32, #tpu.memory_space<hbm>> -> memref<1x1x6272xf32, #tpu.memory_space<hbm>>
      %dma_start3A_32 = tpu.memref_squeeze %dma_start3A_31 : memref<1x1x6272xf32, #tpu.memory_space<hbm>> -> memref<6272xf32, #tpu.memory_space<hbm>>
      %dma_start3A_33 = tpu.memref_slice %arg22[%mul3A_2] : memref<100352xf32, #tpu.memory_space<vmem_shared>> -> memref<6272xf32, #tpu.memory_space<vmem_shared>>
      tpu.enqueue_dma source(%dma_start3A_33 : memref<6272xf32, #tpu.memory_space<vmem_shared>>) target(%dma_start3A_32 : memref<6272xf32, #tpu.memory_space<hbm>>) target_semaphore(%run_scoped3A_30 : memref<!tpu.dma_semaphore, #tpu.memory_space<semaphore_mem>>)
      %dma_wait3A_34 = tpu.memref_slice %arg7[%arg0, %run_scoped3A, %mul3A_2] : memref<2x2x100352xf32, #tpu.memory_space<hbm>> -> memref<1x1x6272xf32, #tpu.memory_space<hbm>>
      %dma_wait3A_35 = tpu.memref_squeeze %dma_wait3A_34 : memref<1x1x6272xf32, #tpu.memory_space<hbm>> -> memref<6272xf32, #tpu.memory_space<hbm>>
      %dma_wait3A_36 = tpu.memref_slice %arg22[%mul3A_2] : memref<100352xf32, #tpu.memory_space<vmem_shared>> -> memref<6272xf32, #tpu.memory_space<vmem_shared>>
      tpu.wait_dma2 semaphore(%run_scoped3A_30 : memref<!tpu.dma_semaphore, #tpu.memory_space<semaphore_mem>>) src(%dma_wait3A_36 : memref<6272xf32, #tpu.memory_space<vmem_shared>>) dst(%dma_wait3A_35 : memref<6272xf32, #tpu.memory_space<hbm>>)
      tpu.yield
    }) : () -> ()
    %run_scoped3A_29 = arith.constant 1 : i32
    "tpu.region"() ({
      %run_scoped3A_30 = tpu.sem_alloc : memref<!tpu.dma_semaphore, #tpu.memory_space<semaphore_mem>>
      %dma_start3A_31 = tpu.memref_slice %arg7[%arg0, %run_scoped3A_29, %mul3A_2] : memref<2x2x100352xf32, #tpu.memory_space<hbm>> -> memref<1x1x6272xf32, #tpu.memory_space<hbm>>
      %dma_start3A_32 = tpu.memref_squeeze %dma_start3A_31 : memref<1x1x6272xf32, #tpu.memory_space<hbm>> -> memref<6272xf32, #tpu.memory_space<hbm>>
      %dma_start3A_33 = tpu.memref_slice %arg23[%mul3A_2] : memref<100352xf32, #tpu.memory_space<vmem_shared>> -> memref<6272xf32, #tpu.memory_space<vmem_shared>>
      tpu.enqueue_dma source(%dma_start3A_33 : memref<6272xf32, #tpu.memory_space<vmem_shared>>) target(%dma_start3A_32 : memref<6272xf32, #tpu.memory_space<hbm>>) target_semaphore(%run_scoped3A_30 : memref<!tpu.dma_semaphore, #tpu.memory_space<semaphore_mem>>)
      %dma_wait3A_34 = tpu.memref_slice %arg7[%arg0, %run_scoped3A_29, %mul3A_2] : memref<2x2x100352xf32, #tpu.memory_space<hbm>> -> memref<1x1x6272xf32, #tpu.memory_space<hbm>>
      %dma_wait3A_35 = tpu.memref_squeeze %dma_wait3A_34 : memref<1x1x6272xf32, #tpu.memory_space<hbm>> -> memref<6272xf32, #tpu.memory_space<hbm>>
      %dma_wait3A_36 = tpu.memref_slice %arg23[%mul3A_2] : memref<100352xf32, #tpu.memory_space<vmem_shared>> -> memref<6272xf32, #tpu.memory_space<vmem_shared>>
      tpu.wait_dma2 semaphore(%run_scoped3A_30 : memref<!tpu.dma_semaphore, #tpu.memory_space<semaphore_mem>>) src(%dma_wait3A_36 : memref<6272xf32, #tpu.memory_space<vmem_shared>>) dst(%dma_wait3A_35 : memref<6272xf32, #tpu.memory_space<hbm>>)
      tpu.yield
    }) : () -> ()
    return
  }
}

#map = affine_map<(d0, d1) -> (0)>
#map1 = affine_map<(d0, d1) -> (0, 0, 0)>
module attributes {stable_mosaic.version = 14 : i64} {
  func.func @_prop(%arg0: i32, %arg1: i32, %arg2: memref<3200000xi32, #tpu.memory_space<hbm>>, %arg3: memref<3200000xi32, #tpu.memory_space<hbm>>, %arg4: memref<100352xf32, #tpu.memory_space<hbm>>, %arg5: memref<100352xf32, #tpu.memory_space<hbm>>, %arg6: memref<2x1x100352xf32, #tpu.memory_space<hbm>>, %arg7: memref<4000xi32, #tpu.memory_space<vmem>>, %arg8: memref<4000xi32, #tpu.memory_space<vmem>>, %arg9: memref<4000xi32, #tpu.memory_space<vmem>>, %arg10: memref<4000xi32, #tpu.memory_space<vmem>>, %arg11: memref<4000xi32, #tpu.memory_space<vmem>>, %arg12: memref<4000xi32, #tpu.memory_space<vmem>>, %arg13: memref<4000xi32, #tpu.memory_space<vmem>>, %arg14: memref<4000xi32, #tpu.memory_space<vmem>>, %arg15: memref<4000xf32, #tpu.memory_space<vmem>>, %arg16: memref<4000xf32, #tpu.memory_space<vmem>>, %arg17: memref<100352xf32, #tpu.memory_space<vmem_shared>>, %arg18: memref<100352xf32, #tpu.memory_space<vmem_shared>>, %arg19: memref<!tpu.dma_semaphore, #tpu.memory_space<semaphore_mem>>, %arg20: memref<!tpu.dma_semaphore, #tpu.memory_space<semaphore_mem>>, %arg21: memref<!tpu.dma_semaphore, #tpu.memory_space<semaphore_mem>>, %arg22: memref<!tpu.dma_semaphore, #tpu.memory_space<semaphore_mem>>) attributes {dimension_semantics = [#tpu.dimension_semantics<core_parallel>, #tpu.dimension_semantics<subcore_parallel>], iteration_bounds = array<i64: 2, 16>, scalar_prefetch = 0 : i64, scratch_operands = 16 : i64, tpu.core_type = #tpu.core_type<sc_vector_subcore>, window_params = [{transform_indices = #map}, {transform_indices = #map}, {transform_indices = #map}, {transform_indices = #map}, {transform_indices = #map1}]} {
    %mul3A = arith.constant 2 : i32
    %mul3A_0 = arith.muli %arg1, %mul3A : i32
    %add3A = arith.addi %mul3A_0, %arg0 : i32
    %mul3A_1 = arith.constant 6272 : i32
    %mul3A_2 = arith.muli %arg1, %mul3A_1 : i32
    "tpu.region"() ({
      %run_scoped3A_29 = tpu.sem_alloc : memref<!tpu.dma_semaphore, #tpu.memory_space<semaphore_mem>>
      %dma_start3A_30 = tpu.memref_slice %arg17[%mul3A_2] : memref<100352xf32, #tpu.memory_space<vmem_shared>> -> memref<6272xf32, #tpu.memory_space<vmem_shared>>
      %dma_start3A_31 = tpu.memref_slice %arg5[%mul3A_2] : memref<100352xf32, #tpu.memory_space<hbm>> -> memref<6272xf32, #tpu.memory_space<hbm>>
      tpu.enqueue_dma source(%dma_start3A_31 : memref<6272xf32, #tpu.memory_space<hbm>>) target(%dma_start3A_30 : memref<6272xf32, #tpu.memory_space<vmem_shared>>) target_semaphore(%run_scoped3A_29 : memref<!tpu.dma_semaphore, #tpu.memory_space<semaphore_mem>>)
      %dma_wait3A_32 = tpu.memref_slice %arg17[%mul3A_2] : memref<100352xf32, #tpu.memory_space<vmem_shared>> -> memref<6272xf32, #tpu.memory_space<vmem_shared>>
      %dma_wait3A_33 = tpu.memref_slice %arg5[%mul3A_2] : memref<100352xf32, #tpu.memory_space<hbm>> -> memref<6272xf32, #tpu.memory_space<hbm>>
      tpu.wait_dma2 semaphore(%run_scoped3A_29 : memref<!tpu.dma_semaphore, #tpu.memory_space<semaphore_mem>>) src(%dma_wait3A_33 : memref<6272xf32, #tpu.memory_space<hbm>>) dst(%dma_wait3A_32 : memref<6272xf32, #tpu.memory_space<vmem_shared>>)
      tpu.yield
    }) : () -> ()
    "tpu.region"() ({
      %run_scoped3A_29 = tpu.sem_alloc : memref<!tpu.dma_semaphore, #tpu.memory_space<semaphore_mem>>
      %dma_start3A_30 = tpu.memref_slice %arg18[%mul3A_2] : memref<100352xf32, #tpu.memory_space<vmem_shared>> -> memref<6272xf32, #tpu.memory_space<vmem_shared>>
      %dma_start3A_31 = tpu.memref_slice %arg4[%mul3A_2] : memref<100352xf32, #tpu.memory_space<hbm>> -> memref<6272xf32, #tpu.memory_space<hbm>>
      tpu.enqueue_dma source(%dma_start3A_31 : memref<6272xf32, #tpu.memory_space<hbm>>) target(%dma_start3A_30 : memref<6272xf32, #tpu.memory_space<vmem_shared>>) target_semaphore(%run_scoped3A_29 : memref<!tpu.dma_semaphore, #tpu.memory_space<semaphore_mem>>)
      %dma_wait3A_32 = tpu.memref_slice %arg18[%mul3A_2] : memref<100352xf32, #tpu.memory_space<vmem_shared>> -> memref<6272xf32, #tpu.memory_space<vmem_shared>>
      %dma_wait3A_33 = tpu.memref_slice %arg4[%mul3A_2] : memref<100352xf32, #tpu.memory_space<hbm>> -> memref<6272xf32, #tpu.memory_space<hbm>>
      tpu.wait_dma2 semaphore(%run_scoped3A_29 : memref<!tpu.dma_semaphore, #tpu.memory_space<semaphore_mem>>) src(%dma_wait3A_33 : memref<6272xf32, #tpu.memory_space<hbm>>) dst(%dma_wait3A_32 : memref<6272xf32, #tpu.memory_space<vmem_shared>>)
      tpu.yield
    }) : () -> ()
    %barrier3A = arith.constant 0 : index
    tpu.barrier barrier_id(%barrier3A)
    %mul3A_3 = arith.constant 100000 : i32
    %mul3A_4 = arith.muli %add3A, %mul3A_3 : i32
    %add3A_5 = arith.constant 0 : i32
    %add3A_6 = arith.addi %mul3A_4, %add3A_5 : i32
    %dma_start3A = tpu.memref_slice %arg2[%add3A_6] : memref<3200000xi32, #tpu.memory_space<hbm>> -> memref<4000xi32, #tpu.memory_space<hbm>>
    %dma_start3A_7 = tpu.memref_slice %arg2[%add3A_6] : memref<3200000xi32, #tpu.memory_space<hbm>> -> memref<4000xi32, #tpu.memory_space<hbm>>
    tpu.enqueue_dma source(%dma_start3A_7 : memref<4000xi32, #tpu.memory_space<hbm>>) target(%arg7 : memref<4000xi32, #tpu.memory_space<vmem>>) target_semaphore(%arg19 : memref<!tpu.dma_semaphore, #tpu.memory_space<semaphore_mem>>)
    %dma_start3A_8 = tpu.memref_slice %arg3[%add3A_6] : memref<3200000xi32, #tpu.memory_space<hbm>> -> memref<4000xi32, #tpu.memory_space<hbm>>
    %dma_start3A_9 = tpu.memref_slice %arg3[%add3A_6] : memref<3200000xi32, #tpu.memory_space<hbm>> -> memref<4000xi32, #tpu.memory_space<hbm>>
    tpu.enqueue_dma source(%dma_start3A_9 : memref<4000xi32, #tpu.memory_space<hbm>>) target(%arg11 : memref<4000xi32, #tpu.memory_space<vmem>>) target_semaphore(%arg19 : memref<!tpu.dma_semaphore, #tpu.memory_space<semaphore_mem>>)
    %add3A_10 = arith.constant 4000 : i32
    %add3A_11 = arith.addi %mul3A_4, %add3A_10 : i32
    %dma_start3A_12 = tpu.memref_slice %arg2[%add3A_11] : memref<3200000xi32, #tpu.memory_space<hbm>> -> memref<4000xi32, #tpu.memory_space<hbm>>
    %dma_start3A_13 = tpu.memref_slice %arg2[%add3A_11] : memref<3200000xi32, #tpu.memory_space<hbm>> -> memref<4000xi32, #tpu.memory_space<hbm>>
    tpu.enqueue_dma source(%dma_start3A_13 : memref<4000xi32, #tpu.memory_space<hbm>>) target(%arg8 : memref<4000xi32, #tpu.memory_space<vmem>>) target_semaphore(%arg20 : memref<!tpu.dma_semaphore, #tpu.memory_space<semaphore_mem>>)
    %dma_start3A_14 = tpu.memref_slice %arg3[%add3A_11] : memref<3200000xi32, #tpu.memory_space<hbm>> -> memref<4000xi32, #tpu.memory_space<hbm>>
    %dma_start3A_15 = tpu.memref_slice %arg3[%add3A_11] : memref<3200000xi32, #tpu.memory_space<hbm>> -> memref<4000xi32, #tpu.memory_space<hbm>>
    tpu.enqueue_dma source(%dma_start3A_15 : memref<4000xi32, #tpu.memory_space<hbm>>) target(%arg12 : memref<4000xi32, #tpu.memory_space<vmem>>) target_semaphore(%arg20 : memref<!tpu.dma_semaphore, #tpu.memory_space<semaphore_mem>>)
    %scan3A = arith.constant 0 : i32
    %scan3A_16 = arith.constant 0 : i32
    %scan3A_17 = arith.constant 6 : i32
    %scan3A_18 = arith.addi %scan3A_16, %scan3A_17 : i32
    %scan3A_19 = arith.constant 1 : i32
    scf.for %scan3A_29 = %scan3A_16 to %scan3A_18 step %scan3A_19  : i32 {
      %mul3A_30 = arith.constant 4 : i32
      %mul3A_31 = arith.muli %scan3A_29, %mul3A_30 : i32
      %add3A_32 = arith.constant 0 : i32
      %add3A_33 = arith.addi %mul3A_31, %add3A_32 : i32
      %dma_wait3A_34 = arith.constant 0 : i32
      %dma_wait3A_35 = tpu.memref_slice %arg2[%dma_wait3A_34] : memref<3200000xi32, #tpu.memory_space<hbm>> -> memref<4000xi32, #tpu.memory_space<hbm>>
      %dma_wait3A_36 = arith.constant 0 : i32
      %dma_wait3A_37 = tpu.memref_slice %arg2[%dma_wait3A_36] : memref<3200000xi32, #tpu.memory_space<hbm>> -> memref<4000xi32, #tpu.memory_space<hbm>>
      tpu.wait_dma2 semaphore(%arg19 : memref<!tpu.dma_semaphore, #tpu.memory_space<semaphore_mem>>) src(%dma_wait3A_37 : memref<4000xi32, #tpu.memory_space<hbm>>) dst(%arg7 : memref<4000xi32, #tpu.memory_space<vmem>>)
      %dma_wait3A_38 = arith.constant 0 : i32
      %dma_wait3A_39 = tpu.memref_slice %arg3[%dma_wait3A_38] : memref<3200000xi32, #tpu.memory_space<hbm>> -> memref<4000xi32, #tpu.memory_space<hbm>>
      %dma_wait3A_40 = arith.constant 0 : i32
      %dma_wait3A_41 = tpu.memref_slice %arg3[%dma_wait3A_40] : memref<3200000xi32, #tpu.memory_space<hbm>> -> memref<4000xi32, #tpu.memory_space<hbm>>
      tpu.wait_dma2 semaphore(%arg19 : memref<!tpu.dma_semaphore, #tpu.memory_space<semaphore_mem>>) src(%dma_wait3A_41 : memref<4000xi32, #tpu.memory_space<hbm>>) dst(%arg11 : memref<4000xi32, #tpu.memory_space<vmem>>)
      "tpu.region"() ({
        %run_scoped3A_103 = tpu.sem_alloc : memref<!tpu.dma_semaphore, #tpu.memory_space<semaphore_mem>>
        %dma_start3A_104 = arith.constant 0 : i32
        %dma_start3A_105 = tpu.memref_slice %arg17[%dma_start3A_104] : memref<100352xf32, #tpu.memory_space<vmem_shared>> -> memref<100352xf32, #tpu.memory_space<vmem_shared>>
        tpu.enqueue_indirect_dma source(%dma_start3A_105 : memref<100352xf32, #tpu.memory_space<vmem_shared>>) target(%arg15 : memref<4000xf32, #tpu.memory_space<vmem>>) offsets(%arg7 : memref<4000xi32, #tpu.memory_space<vmem>>) semaphore(%run_scoped3A_103 : memref<!tpu.dma_semaphore, #tpu.memory_space<semaphore_mem>>)
        %dma_wait3A_106 = arith.constant 0 : i32
        %dma_wait3A_107 = tpu.memref_slice %arg17[%dma_wait3A_106] : memref<100352xf32, #tpu.memory_space<vmem_shared>> -> memref<100352xf32, #tpu.memory_space<vmem_shared>>
        tpu.wait_indirect_dma semaphore(%run_scoped3A_103 : memref<!tpu.dma_semaphore, #tpu.memory_space<semaphore_mem>>) src(%dma_wait3A_107 : memref<100352xf32, #tpu.memory_space<vmem_shared>>) dst(%arg15 : memref<4000xf32, #tpu.memory_space<vmem>>)
        tpu.yield
      }) : () -> ()
      "tpu.region"() ({
        %run_scoped3A_103 = tpu.sem_alloc : memref<!tpu.dma_semaphore, #tpu.memory_space<semaphore_mem>>
        %dma_start3A_104 = arith.constant 0 : i32
        %dma_start3A_105 = tpu.memref_slice %arg18[%dma_start3A_104] : memref<100352xf32, #tpu.memory_space<vmem_shared>> -> memref<100352xf32, #tpu.memory_space<vmem_shared>>
        tpu.enqueue_indirect_dma source(%arg15 : memref<4000xf32, #tpu.memory_space<vmem>>) target(%dma_start3A_105 : memref<100352xf32, #tpu.memory_space<vmem_shared>>) offsets(%arg11 : memref<4000xi32, #tpu.memory_space<vmem>>) semaphore(%run_scoped3A_103 : memref<!tpu.dma_semaphore, #tpu.memory_space<semaphore_mem>>) {add = true}
        %dma_wait3A_106 = arith.constant 0 : i32
        %dma_wait3A_107 = tpu.memref_slice %arg18[%dma_wait3A_106] : memref<100352xf32, #tpu.memory_space<vmem_shared>> -> memref<100352xf32, #tpu.memory_space<vmem_shared>>
        tpu.wait_indirect_dma semaphore(%run_scoped3A_103 : memref<!tpu.dma_semaphore, #tpu.memory_space<semaphore_mem>>) src(%arg15 : memref<4000xf32, #tpu.memory_space<vmem>>) dst(%dma_wait3A_107 : memref<100352xf32, #tpu.memory_space<vmem_shared>>)
        tpu.yield
      }) : () -> ()
      %add3A_42 = arith.constant 2 : i32
      %add3A_43 = arith.addi %add3A_33, %add3A_42 : i32
      %lt3A = arith.constant 25 : i32
      %lt3A_44 = arith.cmpi slt, %add3A_43, %lt3A : i32
      %convert_element_type3A = arith.extui %lt3A_44 : i1 to i32
      %cond3A = arith.constant 0 : i32
      %cond3A_45 = arith.cmpi ne, %convert_element_type3A, %cond3A : i32
      scf.if %cond3A_45 {
        %add3A_103 = arith.constant 2 : i32
        %add3A_104 = arith.addi %add3A_33, %add3A_103 : i32
        %mul3A_105 = arith.constant 4000 : i32
        %mul3A_106 = arith.muli %add3A_104, %mul3A_105 : i32
        %add3A_107 = arith.addi %mul3A_4, %mul3A_106 : i32
        %dma_start3A_108 = tpu.memref_slice %arg2[%add3A_107] : memref<3200000xi32, #tpu.memory_space<hbm>> -> memref<4000xi32, #tpu.memory_space<hbm>>
        %dma_start3A_109 = tpu.memref_slice %arg2[%add3A_107] : memref<3200000xi32, #tpu.memory_space<hbm>> -> memref<4000xi32, #tpu.memory_space<hbm>>
        tpu.enqueue_dma source(%dma_start3A_109 : memref<4000xi32, #tpu.memory_space<hbm>>) target(%arg9 : memref<4000xi32, #tpu.memory_space<vmem>>) target_semaphore(%arg21 : memref<!tpu.dma_semaphore, #tpu.memory_space<semaphore_mem>>)
        %dma_start3A_110 = tpu.memref_slice %arg3[%add3A_107] : memref<3200000xi32, #tpu.memory_space<hbm>> -> memref<4000xi32, #tpu.memory_space<hbm>>
        %dma_start3A_111 = tpu.memref_slice %arg3[%add3A_107] : memref<3200000xi32, #tpu.memory_space<hbm>> -> memref<4000xi32, #tpu.memory_space<hbm>>
        tpu.enqueue_dma source(%dma_start3A_111 : memref<4000xi32, #tpu.memory_space<hbm>>) target(%arg13 : memref<4000xi32, #tpu.memory_space<vmem>>) target_semaphore(%arg21 : memref<!tpu.dma_semaphore, #tpu.memory_space<semaphore_mem>>)
      } else {
      }
      %mul3A_46 = arith.constant 4 : i32
      %mul3A_47 = arith.muli %scan3A_29, %mul3A_46 : i32
      %add3A_48 = arith.constant 1 : i32
      %add3A_49 = arith.addi %mul3A_47, %add3A_48 : i32
      %dma_wait3A_50 = arith.constant 0 : i32
      %dma_wait3A_51 = tpu.memref_slice %arg2[%dma_wait3A_50] : memref<3200000xi32, #tpu.memory_space<hbm>> -> memref<4000xi32, #tpu.memory_space<hbm>>
      %dma_wait3A_52 = arith.constant 0 : i32
      %dma_wait3A_53 = tpu.memref_slice %arg2[%dma_wait3A_52] : memref<3200000xi32, #tpu.memory_space<hbm>> -> memref<4000xi32, #tpu.memory_space<hbm>>
      tpu.wait_dma2 semaphore(%arg20 : memref<!tpu.dma_semaphore, #tpu.memory_space<semaphore_mem>>) src(%dma_wait3A_53 : memref<4000xi32, #tpu.memory_space<hbm>>) dst(%arg8 : memref<4000xi32, #tpu.memory_space<vmem>>)
      %dma_wait3A_54 = arith.constant 0 : i32
      %dma_wait3A_55 = tpu.memref_slice %arg3[%dma_wait3A_54] : memref<3200000xi32, #tpu.memory_space<hbm>> -> memref<4000xi32, #tpu.memory_space<hbm>>
      %dma_wait3A_56 = arith.constant 0 : i32
      %dma_wait3A_57 = tpu.memref_slice %arg3[%dma_wait3A_56] : memref<3200000xi32, #tpu.memory_space<hbm>> -> memref<4000xi32, #tpu.memory_space<hbm>>
      tpu.wait_dma2 semaphore(%arg20 : memref<!tpu.dma_semaphore, #tpu.memory_space<semaphore_mem>>) src(%dma_wait3A_57 : memref<4000xi32, #tpu.memory_space<hbm>>) dst(%arg12 : memref<4000xi32, #tpu.memory_space<vmem>>)
      "tpu.region"() ({
        %run_scoped3A_103 = tpu.sem_alloc : memref<!tpu.dma_semaphore, #tpu.memory_space<semaphore_mem>>
        %dma_start3A_104 = arith.constant 0 : i32
        %dma_start3A_105 = tpu.memref_slice %arg17[%dma_start3A_104] : memref<100352xf32, #tpu.memory_space<vmem_shared>> -> memref<100352xf32, #tpu.memory_space<vmem_shared>>
        tpu.enqueue_indirect_dma source(%dma_start3A_105 : memref<100352xf32, #tpu.memory_space<vmem_shared>>) target(%arg16 : memref<4000xf32, #tpu.memory_space<vmem>>) offsets(%arg8 : memref<4000xi32, #tpu.memory_space<vmem>>) semaphore(%run_scoped3A_103 : memref<!tpu.dma_semaphore, #tpu.memory_space<semaphore_mem>>)
        %dma_wait3A_106 = arith.constant 0 : i32
        %dma_wait3A_107 = tpu.memref_slice %arg17[%dma_wait3A_106] : memref<100352xf32, #tpu.memory_space<vmem_shared>> -> memref<100352xf32, #tpu.memory_space<vmem_shared>>
        tpu.wait_indirect_dma semaphore(%run_scoped3A_103 : memref<!tpu.dma_semaphore, #tpu.memory_space<semaphore_mem>>) src(%dma_wait3A_107 : memref<100352xf32, #tpu.memory_space<vmem_shared>>) dst(%arg16 : memref<4000xf32, #tpu.memory_space<vmem>>)
        tpu.yield
      }) : () -> ()
      "tpu.region"() ({
        %run_scoped3A_103 = tpu.sem_alloc : memref<!tpu.dma_semaphore, #tpu.memory_space<semaphore_mem>>
        %dma_start3A_104 = arith.constant 0 : i32
        %dma_start3A_105 = tpu.memref_slice %arg18[%dma_start3A_104] : memref<100352xf32, #tpu.memory_space<vmem_shared>> -> memref<100352xf32, #tpu.memory_space<vmem_shared>>
        tpu.enqueue_indirect_dma source(%arg16 : memref<4000xf32, #tpu.memory_space<vmem>>) target(%dma_start3A_105 : memref<100352xf32, #tpu.memory_space<vmem_shared>>) offsets(%arg12 : memref<4000xi32, #tpu.memory_space<vmem>>) semaphore(%run_scoped3A_103 : memref<!tpu.dma_semaphore, #tpu.memory_space<semaphore_mem>>) {add = true}
        %dma_wait3A_106 = arith.constant 0 : i32
        %dma_wait3A_107 = tpu.memref_slice %arg18[%dma_wait3A_106] : memref<100352xf32, #tpu.memory_space<vmem_shared>> -> memref<100352xf32, #tpu.memory_space<vmem_shared>>
        tpu.wait_indirect_dma semaphore(%run_scoped3A_103 : memref<!tpu.dma_semaphore, #tpu.memory_space<semaphore_mem>>) src(%arg16 : memref<4000xf32, #tpu.memory_space<vmem>>) dst(%dma_wait3A_107 : memref<100352xf32, #tpu.memory_space<vmem_shared>>)
        tpu.yield
      }) : () -> ()
      %add3A_58 = arith.constant 2 : i32
      %add3A_59 = arith.addi %add3A_49, %add3A_58 : i32
      %lt3A_60 = arith.constant 25 : i32
      %lt3A_61 = arith.cmpi slt, %add3A_59, %lt3A_60 : i32
      %convert_element_type3A_62 = arith.extui %lt3A_61 : i1 to i32
      %cond3A_63 = arith.constant 0 : i32
      %cond3A_64 = arith.cmpi ne, %convert_element_type3A_62, %cond3A_63 : i32
      scf.if %cond3A_64 {
        %add3A_103 = arith.constant 2 : i32
        %add3A_104 = arith.addi %add3A_49, %add3A_103 : i32
        %mul3A_105 = arith.constant 4000 : i32
        %mul3A_106 = arith.muli %add3A_104, %mul3A_105 : i32
        %add3A_107 = arith.addi %mul3A_4, %mul3A_106 : i32
        %dma_start3A_108 = tpu.memref_slice %arg2[%add3A_107] : memref<3200000xi32, #tpu.memory_space<hbm>> -> memref<4000xi32, #tpu.memory_space<hbm>>
        %dma_start3A_109 = tpu.memref_slice %arg2[%add3A_107] : memref<3200000xi32, #tpu.memory_space<hbm>> -> memref<4000xi32, #tpu.memory_space<hbm>>
        tpu.enqueue_dma source(%dma_start3A_109 : memref<4000xi32, #tpu.memory_space<hbm>>) target(%arg10 : memref<4000xi32, #tpu.memory_space<vmem>>) target_semaphore(%arg22 : memref<!tpu.dma_semaphore, #tpu.memory_space<semaphore_mem>>)
        %dma_start3A_110 = tpu.memref_slice %arg3[%add3A_107] : memref<3200000xi32, #tpu.memory_space<hbm>> -> memref<4000xi32, #tpu.memory_space<hbm>>
        %dma_start3A_111 = tpu.memref_slice %arg3[%add3A_107] : memref<3200000xi32, #tpu.memory_space<hbm>> -> memref<4000xi32, #tpu.memory_space<hbm>>
        tpu.enqueue_dma source(%dma_start3A_111 : memref<4000xi32, #tpu.memory_space<hbm>>) target(%arg14 : memref<4000xi32, #tpu.memory_space<vmem>>) target_semaphore(%arg22 : memref<!tpu.dma_semaphore, #tpu.memory_space<semaphore_mem>>)
      } else {
      }
      %mul3A_65 = arith.constant 4 : i32
      %mul3A_66 = arith.muli %scan3A_29, %mul3A_65 : i32
      %add3A_67 = arith.constant 2 : i32
      %add3A_68 = arith.addi %mul3A_66, %add3A_67 : i32
      %dma_wait3A_69 = arith.constant 0 : i32
      %dma_wait3A_70 = tpu.memref_slice %arg2[%dma_wait3A_69] : memref<3200000xi32, #tpu.memory_space<hbm>> -> memref<4000xi32, #tpu.memory_space<hbm>>
      %dma_wait3A_71 = arith.constant 0 : i32
      %dma_wait3A_72 = tpu.memref_slice %arg2[%dma_wait3A_71] : memref<3200000xi32, #tpu.memory_space<hbm>> -> memref<4000xi32, #tpu.memory_space<hbm>>
      tpu.wait_dma2 semaphore(%arg21 : memref<!tpu.dma_semaphore, #tpu.memory_space<semaphore_mem>>) src(%dma_wait3A_72 : memref<4000xi32, #tpu.memory_space<hbm>>) dst(%arg9 : memref<4000xi32, #tpu.memory_space<vmem>>)
      %dma_wait3A_73 = arith.constant 0 : i32
      %dma_wait3A_74 = tpu.memref_slice %arg3[%dma_wait3A_73] : memref<3200000xi32, #tpu.memory_space<hbm>> -> memref<4000xi32, #tpu.memory_space<hbm>>
      %dma_wait3A_75 = arith.constant 0 : i32
      %dma_wait3A_76 = tpu.memref_slice %arg3[%dma_wait3A_75] : memref<3200000xi32, #tpu.memory_space<hbm>> -> memref<4000xi32, #tpu.memory_space<hbm>>
      tpu.wait_dma2 semaphore(%arg21 : memref<!tpu.dma_semaphore, #tpu.memory_space<semaphore_mem>>) src(%dma_wait3A_76 : memref<4000xi32, #tpu.memory_space<hbm>>) dst(%arg13 : memref<4000xi32, #tpu.memory_space<vmem>>)
      "tpu.region"() ({
        %run_scoped3A_103 = tpu.sem_alloc : memref<!tpu.dma_semaphore, #tpu.memory_space<semaphore_mem>>
        %dma_start3A_104 = arith.constant 0 : i32
        %dma_start3A_105 = tpu.memref_slice %arg17[%dma_start3A_104] : memref<100352xf32, #tpu.memory_space<vmem_shared>> -> memref<100352xf32, #tpu.memory_space<vmem_shared>>
        tpu.enqueue_indirect_dma source(%dma_start3A_105 : memref<100352xf32, #tpu.memory_space<vmem_shared>>) target(%arg15 : memref<4000xf32, #tpu.memory_space<vmem>>) offsets(%arg9 : memref<4000xi32, #tpu.memory_space<vmem>>) semaphore(%run_scoped3A_103 : memref<!tpu.dma_semaphore, #tpu.memory_space<semaphore_mem>>)
        %dma_wait3A_106 = arith.constant 0 : i32
        %dma_wait3A_107 = tpu.memref_slice %arg17[%dma_wait3A_106] : memref<100352xf32, #tpu.memory_space<vmem_shared>> -> memref<100352xf32, #tpu.memory_space<vmem_shared>>
        tpu.wait_indirect_dma semaphore(%run_scoped3A_103 : memref<!tpu.dma_semaphore, #tpu.memory_space<semaphore_mem>>) src(%dma_wait3A_107 : memref<100352xf32, #tpu.memory_space<vmem_shared>>) dst(%arg15 : memref<4000xf32, #tpu.memory_space<vmem>>)
        tpu.yield
      }) : () -> ()
      "tpu.region"() ({
        %run_scoped3A_103 = tpu.sem_alloc : memref<!tpu.dma_semaphore, #tpu.memory_space<semaphore_mem>>
        %dma_start3A_104 = arith.constant 0 : i32
        %dma_start3A_105 = tpu.memref_slice %arg18[%dma_start3A_104] : memref<100352xf32, #tpu.memory_space<vmem_shared>> -> memref<100352xf32, #tpu.memory_space<vmem_shared>>
        tpu.enqueue_indirect_dma source(%arg15 : memref<4000xf32, #tpu.memory_space<vmem>>) target(%dma_start3A_105 : memref<100352xf32, #tpu.memory_space<vmem_shared>>) offsets(%arg13 : memref<4000xi32, #tpu.memory_space<vmem>>) semaphore(%run_scoped3A_103 : memref<!tpu.dma_semaphore, #tpu.memory_space<semaphore_mem>>) {add = true}
        %dma_wait3A_106 = arith.constant 0 : i32
        %dma_wait3A_107 = tpu.memref_slice %arg18[%dma_wait3A_106] : memref<100352xf32, #tpu.memory_space<vmem_shared>> -> memref<100352xf32, #tpu.memory_space<vmem_shared>>
        tpu.wait_indirect_dma semaphore(%run_scoped3A_103 : memref<!tpu.dma_semaphore, #tpu.memory_space<semaphore_mem>>) src(%arg15 : memref<4000xf32, #tpu.memory_space<vmem>>) dst(%dma_wait3A_107 : memref<100352xf32, #tpu.memory_space<vmem_shared>>)
        tpu.yield
      }) : () -> ()
      %add3A_77 = arith.constant 2 : i32
      %add3A_78 = arith.addi %add3A_68, %add3A_77 : i32
      %lt3A_79 = arith.constant 25 : i32
      %lt3A_80 = arith.cmpi slt, %add3A_78, %lt3A_79 : i32
      %convert_element_type3A_81 = arith.extui %lt3A_80 : i1 to i32
      %cond3A_82 = arith.constant 0 : i32
      %cond3A_83 = arith.cmpi ne, %convert_element_type3A_81, %cond3A_82 : i32
      scf.if %cond3A_83 {
        %add3A_103 = arith.constant 2 : i32
        %add3A_104 = arith.addi %add3A_68, %add3A_103 : i32
        %mul3A_105 = arith.constant 4000 : i32
        %mul3A_106 = arith.muli %add3A_104, %mul3A_105 : i32
        %add3A_107 = arith.addi %mul3A_4, %mul3A_106 : i32
        %dma_start3A_108 = tpu.memref_slice %arg2[%add3A_107] : memref<3200000xi32, #tpu.memory_space<hbm>> -> memref<4000xi32, #tpu.memory_space<hbm>>
        %dma_start3A_109 = tpu.memref_slice %arg2[%add3A_107] : memref<3200000xi32, #tpu.memory_space<hbm>> -> memref<4000xi32, #tpu.memory_space<hbm>>
        tpu.enqueue_dma source(%dma_start3A_109 : memref<4000xi32, #tpu.memory_space<hbm>>) target(%arg7 : memref<4000xi32, #tpu.memory_space<vmem>>) target_semaphore(%arg19 : memref<!tpu.dma_semaphore, #tpu.memory_space<semaphore_mem>>)
        %dma_start3A_110 = tpu.memref_slice %arg3[%add3A_107] : memref<3200000xi32, #tpu.memory_space<hbm>> -> memref<4000xi32, #tpu.memory_space<hbm>>
        %dma_start3A_111 = tpu.memref_slice %arg3[%add3A_107] : memref<3200000xi32, #tpu.memory_space<hbm>> -> memref<4000xi32, #tpu.memory_space<hbm>>
        tpu.enqueue_dma source(%dma_start3A_111 : memref<4000xi32, #tpu.memory_space<hbm>>) target(%arg11 : memref<4000xi32, #tpu.memory_space<vmem>>) target_semaphore(%arg19 : memref<!tpu.dma_semaphore, #tpu.memory_space<semaphore_mem>>)
      } else {
      }
      %mul3A_84 = arith.constant 4 : i32
      %mul3A_85 = arith.muli %scan3A_29, %mul3A_84 : i32
      %add3A_86 = arith.constant 3 : i32
      %add3A_87 = arith.addi %mul3A_85, %add3A_86 : i32
      %dma_wait3A_88 = arith.constant 0 : i32
      %dma_wait3A_89 = tpu.memref_slice %arg2[%dma_wait3A_88] : memref<3200000xi32, #tpu.memory_space<hbm>> -> memref<4000xi32, #tpu.memory_space<hbm>>
      %dma_wait3A_90 = arith.constant 0 : i32
      %dma_wait3A_91 = tpu.memref_slice %arg2[%dma_wait3A_90] : memref<3200000xi32, #tpu.memory_space<hbm>> -> memref<4000xi32, #tpu.memory_space<hbm>>
      tpu.wait_dma2 semaphore(%arg22 : memref<!tpu.dma_semaphore, #tpu.memory_space<semaphore_mem>>) src(%dma_wait3A_91 : memref<4000xi32, #tpu.memory_space<hbm>>) dst(%arg10 : memref<4000xi32, #tpu.memory_space<vmem>>)
      %dma_wait3A_92 = arith.constant 0 : i32
      %dma_wait3A_93 = tpu.memref_slice %arg3[%dma_wait3A_92] : memref<3200000xi32, #tpu.memory_space<hbm>> -> memref<4000xi32, #tpu.memory_space<hbm>>
      %dma_wait3A_94 = arith.constant 0 : i32
      %dma_wait3A_95 = tpu.memref_slice %arg3[%dma_wait3A_94] : memref<3200000xi32, #tpu.memory_space<hbm>> -> memref<4000xi32, #tpu.memory_space<hbm>>
      tpu.wait_dma2 semaphore(%arg22 : memref<!tpu.dma_semaphore, #tpu.memory_space<semaphore_mem>>) src(%dma_wait3A_95 : memref<4000xi32, #tpu.memory_space<hbm>>) dst(%arg14 : memref<4000xi32, #tpu.memory_space<vmem>>)
      "tpu.region"() ({
        %run_scoped3A_103 = tpu.sem_alloc : memref<!tpu.dma_semaphore, #tpu.memory_space<semaphore_mem>>
        %dma_start3A_104 = arith.constant 0 : i32
        %dma_start3A_105 = tpu.memref_slice %arg17[%dma_start3A_104] : memref<100352xf32, #tpu.memory_space<vmem_shared>> -> memref<100352xf32, #tpu.memory_space<vmem_shared>>
        tpu.enqueue_indirect_dma source(%dma_start3A_105 : memref<100352xf32, #tpu.memory_space<vmem_shared>>) target(%arg16 : memref<4000xf32, #tpu.memory_space<vmem>>) offsets(%arg10 : memref<4000xi32, #tpu.memory_space<vmem>>) semaphore(%run_scoped3A_103 : memref<!tpu.dma_semaphore, #tpu.memory_space<semaphore_mem>>)
        %dma_wait3A_106 = arith.constant 0 : i32
        %dma_wait3A_107 = tpu.memref_slice %arg17[%dma_wait3A_106] : memref<100352xf32, #tpu.memory_space<vmem_shared>> -> memref<100352xf32, #tpu.memory_space<vmem_shared>>
        tpu.wait_indirect_dma semaphore(%run_scoped3A_103 : memref<!tpu.dma_semaphore, #tpu.memory_space<semaphore_mem>>) src(%dma_wait3A_107 : memref<100352xf32, #tpu.memory_space<vmem_shared>>) dst(%arg16 : memref<4000xf32, #tpu.memory_space<vmem>>)
        tpu.yield
      }) : () -> ()
      "tpu.region"() ({
        %run_scoped3A_103 = tpu.sem_alloc : memref<!tpu.dma_semaphore, #tpu.memory_space<semaphore_mem>>
        %dma_start3A_104 = arith.constant 0 : i32
        %dma_start3A_105 = tpu.memref_slice %arg18[%dma_start3A_104] : memref<100352xf32, #tpu.memory_space<vmem_shared>> -> memref<100352xf32, #tpu.memory_space<vmem_shared>>
        tpu.enqueue_indirect_dma source(%arg16 : memref<4000xf32, #tpu.memory_space<vmem>>) target(%dma_start3A_105 : memref<100352xf32, #tpu.memory_space<vmem_shared>>) offsets(%arg14 : memref<4000xi32, #tpu.memory_space<vmem>>) semaphore(%run_scoped3A_103 : memref<!tpu.dma_semaphore, #tpu.memory_space<semaphore_mem>>) {add = true}
        %dma_wait3A_106 = arith.constant 0 : i32
        %dma_wait3A_107 = tpu.memref_slice %arg18[%dma_wait3A_106] : memref<100352xf32, #tpu.memory_space<vmem_shared>> -> memref<100352xf32, #tpu.memory_space<vmem_shared>>
        tpu.wait_indirect_dma semaphore(%run_scoped3A_103 : memref<!tpu.dma_semaphore, #tpu.memory_space<semaphore_mem>>) src(%arg16 : memref<4000xf32, #tpu.memory_space<vmem>>) dst(%dma_wait3A_107 : memref<100352xf32, #tpu.memory_space<vmem_shared>>)
        tpu.yield
      }) : () -> ()
      %add3A_96 = arith.constant 2 : i32
      %add3A_97 = arith.addi %add3A_87, %add3A_96 : i32
      %lt3A_98 = arith.constant 25 : i32
      %lt3A_99 = arith.cmpi slt, %add3A_97, %lt3A_98 : i32
      %convert_element_type3A_100 = arith.extui %lt3A_99 : i1 to i32
      %cond3A_101 = arith.constant 0 : i32
      %cond3A_102 = arith.cmpi ne, %convert_element_type3A_100, %cond3A_101 : i32
      scf.if %cond3A_102 {
        %add3A_103 = arith.constant 2 : i32
        %add3A_104 = arith.addi %add3A_87, %add3A_103 : i32
        %mul3A_105 = arith.constant 4000 : i32
        %mul3A_106 = arith.muli %add3A_104, %mul3A_105 : i32
        %add3A_107 = arith.addi %mul3A_4, %mul3A_106 : i32
        %dma_start3A_108 = tpu.memref_slice %arg2[%add3A_107] : memref<3200000xi32, #tpu.memory_space<hbm>> -> memref<4000xi32, #tpu.memory_space<hbm>>
        %dma_start3A_109 = tpu.memref_slice %arg2[%add3A_107] : memref<3200000xi32, #tpu.memory_space<hbm>> -> memref<4000xi32, #tpu.memory_space<hbm>>
        tpu.enqueue_dma source(%dma_start3A_109 : memref<4000xi32, #tpu.memory_space<hbm>>) target(%arg8 : memref<4000xi32, #tpu.memory_space<vmem>>) target_semaphore(%arg20 : memref<!tpu.dma_semaphore, #tpu.memory_space<semaphore_mem>>)
        %dma_start3A_110 = tpu.memref_slice %arg3[%add3A_107] : memref<3200000xi32, #tpu.memory_space<hbm>> -> memref<4000xi32, #tpu.memory_space<hbm>>
        %dma_start3A_111 = tpu.memref_slice %arg3[%add3A_107] : memref<3200000xi32, #tpu.memory_space<hbm>> -> memref<4000xi32, #tpu.memory_space<hbm>>
        tpu.enqueue_dma source(%dma_start3A_111 : memref<4000xi32, #tpu.memory_space<hbm>>) target(%arg12 : memref<4000xi32, #tpu.memory_space<vmem>>) target_semaphore(%arg20 : memref<!tpu.dma_semaphore, #tpu.memory_space<semaphore_mem>>)
      } else {
      }
    }
    %scan3A_20 = arith.constant 6 : i32
    %dma_wait3A = arith.constant 0 : i32
    %dma_wait3A_21 = tpu.memref_slice %arg2[%dma_wait3A] : memref<3200000xi32, #tpu.memory_space<hbm>> -> memref<4000xi32, #tpu.memory_space<hbm>>
    %dma_wait3A_22 = arith.constant 0 : i32
    %dma_wait3A_23 = tpu.memref_slice %arg2[%dma_wait3A_22] : memref<3200000xi32, #tpu.memory_space<hbm>> -> memref<4000xi32, #tpu.memory_space<hbm>>
    tpu.wait_dma2 semaphore(%arg19 : memref<!tpu.dma_semaphore, #tpu.memory_space<semaphore_mem>>) src(%dma_wait3A_23 : memref<4000xi32, #tpu.memory_space<hbm>>) dst(%arg7 : memref<4000xi32, #tpu.memory_space<vmem>>)
    %dma_wait3A_24 = arith.constant 0 : i32
    %dma_wait3A_25 = tpu.memref_slice %arg3[%dma_wait3A_24] : memref<3200000xi32, #tpu.memory_space<hbm>> -> memref<4000xi32, #tpu.memory_space<hbm>>
    %dma_wait3A_26 = arith.constant 0 : i32
    %dma_wait3A_27 = tpu.memref_slice %arg3[%dma_wait3A_26] : memref<3200000xi32, #tpu.memory_space<hbm>> -> memref<4000xi32, #tpu.memory_space<hbm>>
    tpu.wait_dma2 semaphore(%arg19 : memref<!tpu.dma_semaphore, #tpu.memory_space<semaphore_mem>>) src(%dma_wait3A_27 : memref<4000xi32, #tpu.memory_space<hbm>>) dst(%arg11 : memref<4000xi32, #tpu.memory_space<vmem>>)
    "tpu.region"() ({
      %run_scoped3A_29 = tpu.sem_alloc : memref<!tpu.dma_semaphore, #tpu.memory_space<semaphore_mem>>
      %dma_start3A_30 = arith.constant 0 : i32
      %dma_start3A_31 = tpu.memref_slice %arg17[%dma_start3A_30] : memref<100352xf32, #tpu.memory_space<vmem_shared>> -> memref<100352xf32, #tpu.memory_space<vmem_shared>>
      tpu.enqueue_indirect_dma source(%dma_start3A_31 : memref<100352xf32, #tpu.memory_space<vmem_shared>>) target(%arg15 : memref<4000xf32, #tpu.memory_space<vmem>>) offsets(%arg7 : memref<4000xi32, #tpu.memory_space<vmem>>) semaphore(%run_scoped3A_29 : memref<!tpu.dma_semaphore, #tpu.memory_space<semaphore_mem>>)
      %dma_wait3A_32 = arith.constant 0 : i32
      %dma_wait3A_33 = tpu.memref_slice %arg17[%dma_wait3A_32] : memref<100352xf32, #tpu.memory_space<vmem_shared>> -> memref<100352xf32, #tpu.memory_space<vmem_shared>>
      tpu.wait_indirect_dma semaphore(%run_scoped3A_29 : memref<!tpu.dma_semaphore, #tpu.memory_space<semaphore_mem>>) src(%dma_wait3A_33 : memref<100352xf32, #tpu.memory_space<vmem_shared>>) dst(%arg15 : memref<4000xf32, #tpu.memory_space<vmem>>)
      tpu.yield
    }) : () -> ()
    "tpu.region"() ({
      %run_scoped3A_29 = tpu.sem_alloc : memref<!tpu.dma_semaphore, #tpu.memory_space<semaphore_mem>>
      %dma_start3A_30 = arith.constant 0 : i32
      %dma_start3A_31 = tpu.memref_slice %arg18[%dma_start3A_30] : memref<100352xf32, #tpu.memory_space<vmem_shared>> -> memref<100352xf32, #tpu.memory_space<vmem_shared>>
      tpu.enqueue_indirect_dma source(%arg15 : memref<4000xf32, #tpu.memory_space<vmem>>) target(%dma_start3A_31 : memref<100352xf32, #tpu.memory_space<vmem_shared>>) offsets(%arg11 : memref<4000xi32, #tpu.memory_space<vmem>>) semaphore(%run_scoped3A_29 : memref<!tpu.dma_semaphore, #tpu.memory_space<semaphore_mem>>) {add = true}
      %dma_wait3A_32 = arith.constant 0 : i32
      %dma_wait3A_33 = tpu.memref_slice %arg18[%dma_wait3A_32] : memref<100352xf32, #tpu.memory_space<vmem_shared>> -> memref<100352xf32, #tpu.memory_space<vmem_shared>>
      tpu.wait_indirect_dma semaphore(%run_scoped3A_29 : memref<!tpu.dma_semaphore, #tpu.memory_space<semaphore_mem>>) src(%arg15 : memref<4000xf32, #tpu.memory_space<vmem>>) dst(%dma_wait3A_33 : memref<100352xf32, #tpu.memory_space<vmem_shared>>)
      tpu.yield
    }) : () -> ()
    %barrier3A_28 = arith.constant 0 : index
    tpu.barrier barrier_id(%barrier3A_28)
    %run_scoped3A = arith.constant 0 : i32
    "tpu.region"() ({
      %run_scoped3A_29 = tpu.sem_alloc : memref<!tpu.dma_semaphore, #tpu.memory_space<semaphore_mem>>
      %dma_start3A_30 = tpu.memref_slice %arg6[%arg0, %run_scoped3A, %mul3A_2] : memref<2x1x100352xf32, #tpu.memory_space<hbm>> -> memref<1x1x6272xf32, #tpu.memory_space<hbm>>
      %dma_start3A_31 = tpu.memref_squeeze %dma_start3A_30 : memref<1x1x6272xf32, #tpu.memory_space<hbm>> -> memref<6272xf32, #tpu.memory_space<hbm>>
      %dma_start3A_32 = tpu.memref_slice %arg18[%mul3A_2] : memref<100352xf32, #tpu.memory_space<vmem_shared>> -> memref<6272xf32, #tpu.memory_space<vmem_shared>>
      tpu.enqueue_dma source(%dma_start3A_32 : memref<6272xf32, #tpu.memory_space<vmem_shared>>) target(%dma_start3A_31 : memref<6272xf32, #tpu.memory_space<hbm>>) target_semaphore(%run_scoped3A_29 : memref<!tpu.dma_semaphore, #tpu.memory_space<semaphore_mem>>)
      %dma_wait3A_33 = tpu.memref_slice %arg6[%arg0, %run_scoped3A, %mul3A_2] : memref<2x1x100352xf32, #tpu.memory_space<hbm>> -> memref<1x1x6272xf32, #tpu.memory_space<hbm>>
      %dma_wait3A_34 = tpu.memref_squeeze %dma_wait3A_33 : memref<1x1x6272xf32, #tpu.memory_space<hbm>> -> memref<6272xf32, #tpu.memory_space<hbm>>
      %dma_wait3A_35 = tpu.memref_slice %arg18[%mul3A_2] : memref<100352xf32, #tpu.memory_space<vmem_shared>> -> memref<6272xf32, #tpu.memory_space<vmem_shared>>
      tpu.wait_dma2 semaphore(%run_scoped3A_29 : memref<!tpu.dma_semaphore, #tpu.memory_space<semaphore_mem>>) src(%dma_wait3A_35 : memref<6272xf32, #tpu.memory_space<vmem_shared>>) dst(%dma_wait3A_34 : memref<6272xf32, #tpu.memory_space<hbm>>)
      tpu.yield
    }) : () -> ()
    return
  }
}

#map = affine_map<(d0, d1) -> (0)>
#map1 = affine_map<(d0, d1) -> (0, 0, 0)>
module attributes {stable_mosaic.version = 14 : i64} {
  func.func @_prop(%arg0: i32, %arg1: i32, %arg2: memref<3200000xi32, #tpu.memory_space<hbm>>, %arg3: memref<3200000xi32, #tpu.memory_space<hbm>>, %arg4: memref<100352xf32, #tpu.memory_space<hbm>>, %arg5: memref<100352xf32, #tpu.memory_space<hbm>>, %arg6: memref<2x1x100352xf32, #tpu.memory_space<hbm>>, %arg7: memref<4000xi32, #tpu.memory_space<vmem>>, %arg8: memref<4000xi32, #tpu.memory_space<vmem>>, %arg9: memref<4000xi32, #tpu.memory_space<vmem>>, %arg10: memref<4000xi32, #tpu.memory_space<vmem>>, %arg11: memref<4000xi32, #tpu.memory_space<vmem>>, %arg12: memref<4000xi32, #tpu.memory_space<vmem>>, %arg13: memref<4000xi32, #tpu.memory_space<vmem>>, %arg14: memref<4000xi32, #tpu.memory_space<vmem>>, %arg15: memref<4000xf32, #tpu.memory_space<vmem>>, %arg16: memref<4000xf32, #tpu.memory_space<vmem>>, %arg17: memref<100352xf32, #tpu.memory_space<vmem_shared>>, %arg18: memref<100352xf32, #tpu.memory_space<vmem_shared>>, %arg19: memref<!tpu.dma_semaphore, #tpu.memory_space<semaphore_mem>>, %arg20: memref<!tpu.dma_semaphore, #tpu.memory_space<semaphore_mem>>, %arg21: memref<!tpu.dma_semaphore, #tpu.memory_space<semaphore_mem>>, %arg22: memref<!tpu.dma_semaphore, #tpu.memory_space<semaphore_mem>>) attributes {dimension_semantics = [#tpu.dimension_semantics<core_parallel>, #tpu.dimension_semantics<subcore_parallel>], iteration_bounds = array<i64: 2, 16>, scalar_prefetch = 0 : i64, scratch_operands = 16 : i64, tpu.core_type = #tpu.core_type<sc_vector_subcore>, window_params = [{transform_indices = #map}, {transform_indices = #map}, {transform_indices = #map}, {transform_indices = #map}, {transform_indices = #map1}]} {
    %mul3A = arith.constant 2 : i32
    %mul3A_0 = arith.muli %arg1, %mul3A : i32
    %add3A = arith.addi %mul3A_0, %arg0 : i32
    %mul3A_1 = arith.constant 6272 : i32
    %mul3A_2 = arith.muli %arg1, %mul3A_1 : i32
    "tpu.region"() ({
      %run_scoped3A_29 = tpu.sem_alloc : memref<!tpu.dma_semaphore, #tpu.memory_space<semaphore_mem>>
      %dma_start3A_30 = tpu.memref_slice %arg17[%mul3A_2] : memref<100352xf32, #tpu.memory_space<vmem_shared>> -> memref<6272xf32, #tpu.memory_space<vmem_shared>>
      %dma_start3A_31 = tpu.memref_slice %arg5[%mul3A_2] : memref<100352xf32, #tpu.memory_space<hbm>> -> memref<6272xf32, #tpu.memory_space<hbm>>
      tpu.enqueue_dma source(%dma_start3A_31 : memref<6272xf32, #tpu.memory_space<hbm>>) target(%dma_start3A_30 : memref<6272xf32, #tpu.memory_space<vmem_shared>>) target_semaphore(%run_scoped3A_29 : memref<!tpu.dma_semaphore, #tpu.memory_space<semaphore_mem>>)
      %dma_wait3A_32 = tpu.memref_slice %arg17[%mul3A_2] : memref<100352xf32, #tpu.memory_space<vmem_shared>> -> memref<6272xf32, #tpu.memory_space<vmem_shared>>
      %dma_wait3A_33 = tpu.memref_slice %arg5[%mul3A_2] : memref<100352xf32, #tpu.memory_space<hbm>> -> memref<6272xf32, #tpu.memory_space<hbm>>
      tpu.wait_dma2 semaphore(%run_scoped3A_29 : memref<!tpu.dma_semaphore, #tpu.memory_space<semaphore_mem>>) src(%dma_wait3A_33 : memref<6272xf32, #tpu.memory_space<hbm>>) dst(%dma_wait3A_32 : memref<6272xf32, #tpu.memory_space<vmem_shared>>)
      tpu.yield
    }) : () -> ()
    "tpu.region"() ({
      %run_scoped3A_29 = tpu.sem_alloc : memref<!tpu.dma_semaphore, #tpu.memory_space<semaphore_mem>>
      %dma_start3A_30 = tpu.memref_slice %arg18[%mul3A_2] : memref<100352xf32, #tpu.memory_space<vmem_shared>> -> memref<6272xf32, #tpu.memory_space<vmem_shared>>
      %dma_start3A_31 = tpu.memref_slice %arg4[%mul3A_2] : memref<100352xf32, #tpu.memory_space<hbm>> -> memref<6272xf32, #tpu.memory_space<hbm>>
      tpu.enqueue_dma source(%dma_start3A_31 : memref<6272xf32, #tpu.memory_space<hbm>>) target(%dma_start3A_30 : memref<6272xf32, #tpu.memory_space<vmem_shared>>) target_semaphore(%run_scoped3A_29 : memref<!tpu.dma_semaphore, #tpu.memory_space<semaphore_mem>>)
      %dma_wait3A_32 = tpu.memref_slice %arg18[%mul3A_2] : memref<100352xf32, #tpu.memory_space<vmem_shared>> -> memref<6272xf32, #tpu.memory_space<vmem_shared>>
      %dma_wait3A_33 = tpu.memref_slice %arg4[%mul3A_2] : memref<100352xf32, #tpu.memory_space<hbm>> -> memref<6272xf32, #tpu.memory_space<hbm>>
      tpu.wait_dma2 semaphore(%run_scoped3A_29 : memref<!tpu.dma_semaphore, #tpu.memory_space<semaphore_mem>>) src(%dma_wait3A_33 : memref<6272xf32, #tpu.memory_space<hbm>>) dst(%dma_wait3A_32 : memref<6272xf32, #tpu.memory_space<vmem_shared>>)
      tpu.yield
    }) : () -> ()
    %barrier3A = arith.constant 0 : index
    tpu.barrier barrier_id(%barrier3A)
    %mul3A_3 = arith.constant 100000 : i32
    %mul3A_4 = arith.muli %add3A, %mul3A_3 : i32
    %add3A_5 = arith.constant 0 : i32
    %add3A_6 = arith.addi %mul3A_4, %add3A_5 : i32
    %dma_start3A = tpu.memref_slice %arg2[%add3A_6] : memref<3200000xi32, #tpu.memory_space<hbm>> -> memref<4000xi32, #tpu.memory_space<hbm>>
    %dma_start3A_7 = tpu.memref_slice %arg2[%add3A_6] : memref<3200000xi32, #tpu.memory_space<hbm>> -> memref<4000xi32, #tpu.memory_space<hbm>>
    tpu.enqueue_dma source(%dma_start3A_7 : memref<4000xi32, #tpu.memory_space<hbm>>) target(%arg7 : memref<4000xi32, #tpu.memory_space<vmem>>) target_semaphore(%arg19 : memref<!tpu.dma_semaphore, #tpu.memory_space<semaphore_mem>>)
    %dma_start3A_8 = tpu.memref_slice %arg3[%add3A_6] : memref<3200000xi32, #tpu.memory_space<hbm>> -> memref<4000xi32, #tpu.memory_space<hbm>>
    %dma_start3A_9 = tpu.memref_slice %arg3[%add3A_6] : memref<3200000xi32, #tpu.memory_space<hbm>> -> memref<4000xi32, #tpu.memory_space<hbm>>
    tpu.enqueue_dma source(%dma_start3A_9 : memref<4000xi32, #tpu.memory_space<hbm>>) target(%arg11 : memref<4000xi32, #tpu.memory_space<vmem>>) target_semaphore(%arg19 : memref<!tpu.dma_semaphore, #tpu.memory_space<semaphore_mem>>)
    %add3A_10 = arith.constant 4000 : i32
    %add3A_11 = arith.addi %mul3A_4, %add3A_10 : i32
    %dma_start3A_12 = tpu.memref_slice %arg2[%add3A_11] : memref<3200000xi32, #tpu.memory_space<hbm>> -> memref<4000xi32, #tpu.memory_space<hbm>>
    %dma_start3A_13 = tpu.memref_slice %arg2[%add3A_11] : memref<3200000xi32, #tpu.memory_space<hbm>> -> memref<4000xi32, #tpu.memory_space<hbm>>
    tpu.enqueue_dma source(%dma_start3A_13 : memref<4000xi32, #tpu.memory_space<hbm>>) target(%arg8 : memref<4000xi32, #tpu.memory_space<vmem>>) target_semaphore(%arg20 : memref<!tpu.dma_semaphore, #tpu.memory_space<semaphore_mem>>)
    %dma_start3A_14 = tpu.memref_slice %arg3[%add3A_11] : memref<3200000xi32, #tpu.memory_space<hbm>> -> memref<4000xi32, #tpu.memory_space<hbm>>
    %dma_start3A_15 = tpu.memref_slice %arg3[%add3A_11] : memref<3200000xi32, #tpu.memory_space<hbm>> -> memref<4000xi32, #tpu.memory_space<hbm>>
    tpu.enqueue_dma source(%dma_start3A_15 : memref<4000xi32, #tpu.memory_space<hbm>>) target(%arg12 : memref<4000xi32, #tpu.memory_space<vmem>>) target_semaphore(%arg20 : memref<!tpu.dma_semaphore, #tpu.memory_space<semaphore_mem>>)
    %scan3A = arith.constant 0 : i32
    %scan3A_16 = arith.constant 0 : i32
    %scan3A_17 = arith.constant 6 : i32
    %scan3A_18 = arith.addi %scan3A_16, %scan3A_17 : i32
    %scan3A_19 = arith.constant 1 : i32
    scf.for %scan3A_29 = %scan3A_16 to %scan3A_18 step %scan3A_19  : i32 {
      %mul3A_30 = arith.constant 4 : i32
      %mul3A_31 = arith.muli %scan3A_29, %mul3A_30 : i32
      %add3A_32 = arith.constant 0 : i32
      %add3A_33 = arith.addi %mul3A_31, %add3A_32 : i32
      %dma_wait3A_34 = arith.constant 0 : i32
      %dma_wait3A_35 = tpu.memref_slice %arg2[%dma_wait3A_34] : memref<3200000xi32, #tpu.memory_space<hbm>> -> memref<4000xi32, #tpu.memory_space<hbm>>
      %dma_wait3A_36 = arith.constant 0 : i32
      %dma_wait3A_37 = tpu.memref_slice %arg2[%dma_wait3A_36] : memref<3200000xi32, #tpu.memory_space<hbm>> -> memref<4000xi32, #tpu.memory_space<hbm>>
      tpu.wait_dma2 semaphore(%arg19 : memref<!tpu.dma_semaphore, #tpu.memory_space<semaphore_mem>>) src(%dma_wait3A_37 : memref<4000xi32, #tpu.memory_space<hbm>>) dst(%arg7 : memref<4000xi32, #tpu.memory_space<vmem>>)
      %dma_wait3A_38 = arith.constant 0 : i32
      %dma_wait3A_39 = tpu.memref_slice %arg3[%dma_wait3A_38] : memref<3200000xi32, #tpu.memory_space<hbm>> -> memref<4000xi32, #tpu.memory_space<hbm>>
      %dma_wait3A_40 = arith.constant 0 : i32
      %dma_wait3A_41 = tpu.memref_slice %arg3[%dma_wait3A_40] : memref<3200000xi32, #tpu.memory_space<hbm>> -> memref<4000xi32, #tpu.memory_space<hbm>>
      tpu.wait_dma2 semaphore(%arg19 : memref<!tpu.dma_semaphore, #tpu.memory_space<semaphore_mem>>) src(%dma_wait3A_41 : memref<4000xi32, #tpu.memory_space<hbm>>) dst(%arg11 : memref<4000xi32, #tpu.memory_space<vmem>>)
      "tpu.region"() ({
        %run_scoped3A_103 = tpu.sem_alloc : memref<!tpu.dma_semaphore, #tpu.memory_space<semaphore_mem>>
        %dma_start3A_104 = arith.constant 0 : i32
        %dma_start3A_105 = tpu.memref_slice %arg17[%dma_start3A_104] : memref<100352xf32, #tpu.memory_space<vmem_shared>> -> memref<100352xf32, #tpu.memory_space<vmem_shared>>
        tpu.enqueue_indirect_dma source(%dma_start3A_105 : memref<100352xf32, #tpu.memory_space<vmem_shared>>) target(%arg15 : memref<4000xf32, #tpu.memory_space<vmem>>) offsets(%arg7 : memref<4000xi32, #tpu.memory_space<vmem>>) semaphore(%run_scoped3A_103 : memref<!tpu.dma_semaphore, #tpu.memory_space<semaphore_mem>>)
        %dma_wait3A_106 = arith.constant 0 : i32
        %dma_wait3A_107 = tpu.memref_slice %arg17[%dma_wait3A_106] : memref<100352xf32, #tpu.memory_space<vmem_shared>> -> memref<100352xf32, #tpu.memory_space<vmem_shared>>
        tpu.wait_indirect_dma semaphore(%run_scoped3A_103 : memref<!tpu.dma_semaphore, #tpu.memory_space<semaphore_mem>>) src(%dma_wait3A_107 : memref<100352xf32, #tpu.memory_space<vmem_shared>>) dst(%arg15 : memref<4000xf32, #tpu.memory_space<vmem>>)
        tpu.yield
      }) : () -> ()
      "tpu.region"() ({
        %run_scoped3A_103 = tpu.sem_alloc : memref<!tpu.dma_semaphore, #tpu.memory_space<semaphore_mem>>
        %dma_start3A_104 = arith.constant 0 : i32
        %dma_start3A_105 = tpu.memref_slice %arg18[%dma_start3A_104] : memref<100352xf32, #tpu.memory_space<vmem_shared>> -> memref<100352xf32, #tpu.memory_space<vmem_shared>>
        tpu.enqueue_indirect_dma source(%arg15 : memref<4000xf32, #tpu.memory_space<vmem>>) target(%dma_start3A_105 : memref<100352xf32, #tpu.memory_space<vmem_shared>>) offsets(%arg11 : memref<4000xi32, #tpu.memory_space<vmem>>) semaphore(%run_scoped3A_103 : memref<!tpu.dma_semaphore, #tpu.memory_space<semaphore_mem>>) {add = true}
        %dma_wait3A_106 = arith.constant 0 : i32
        %dma_wait3A_107 = tpu.memref_slice %arg18[%dma_wait3A_106] : memref<100352xf32, #tpu.memory_space<vmem_shared>> -> memref<100352xf32, #tpu.memory_space<vmem_shared>>
        tpu.wait_indirect_dma semaphore(%run_scoped3A_103 : memref<!tpu.dma_semaphore, #tpu.memory_space<semaphore_mem>>) src(%arg15 : memref<4000xf32, #tpu.memory_space<vmem>>) dst(%dma_wait3A_107 : memref<100352xf32, #tpu.memory_space<vmem_shared>>)
        tpu.yield
      }) : () -> ()
      %add3A_42 = arith.constant 2 : i32
      %add3A_43 = arith.addi %add3A_33, %add3A_42 : i32
      %lt3A = arith.constant 25 : i32
      %lt3A_44 = arith.cmpi slt, %add3A_43, %lt3A : i32
      %convert_element_type3A = arith.extui %lt3A_44 : i1 to i32
      %cond3A = arith.constant 0 : i32
      %cond3A_45 = arith.cmpi ne, %convert_element_type3A, %cond3A : i32
      scf.if %cond3A_45 {
        %add3A_103 = arith.constant 2 : i32
        %add3A_104 = arith.addi %add3A_33, %add3A_103 : i32
        %mul3A_105 = arith.constant 4000 : i32
        %mul3A_106 = arith.muli %add3A_104, %mul3A_105 : i32
        %add3A_107 = arith.addi %mul3A_4, %mul3A_106 : i32
        %dma_start3A_108 = tpu.memref_slice %arg2[%add3A_107] : memref<3200000xi32, #tpu.memory_space<hbm>> -> memref<4000xi32, #tpu.memory_space<hbm>>
        %dma_start3A_109 = tpu.memref_slice %arg2[%add3A_107] : memref<3200000xi32, #tpu.memory_space<hbm>> -> memref<4000xi32, #tpu.memory_space<hbm>>
        tpu.enqueue_dma source(%dma_start3A_109 : memref<4000xi32, #tpu.memory_space<hbm>>) target(%arg9 : memref<4000xi32, #tpu.memory_space<vmem>>) target_semaphore(%arg21 : memref<!tpu.dma_semaphore, #tpu.memory_space<semaphore_mem>>)
        %dma_start3A_110 = tpu.memref_slice %arg3[%add3A_107] : memref<3200000xi32, #tpu.memory_space<hbm>> -> memref<4000xi32, #tpu.memory_space<hbm>>
        %dma_start3A_111 = tpu.memref_slice %arg3[%add3A_107] : memref<3200000xi32, #tpu.memory_space<hbm>> -> memref<4000xi32, #tpu.memory_space<hbm>>
        tpu.enqueue_dma source(%dma_start3A_111 : memref<4000xi32, #tpu.memory_space<hbm>>) target(%arg13 : memref<4000xi32, #tpu.memory_space<vmem>>) target_semaphore(%arg21 : memref<!tpu.dma_semaphore, #tpu.memory_space<semaphore_mem>>)
      } else {
      }
      %mul3A_46 = arith.constant 4 : i32
      %mul3A_47 = arith.muli %scan3A_29, %mul3A_46 : i32
      %add3A_48 = arith.constant 1 : i32
      %add3A_49 = arith.addi %mul3A_47, %add3A_48 : i32
      %dma_wait3A_50 = arith.constant 0 : i32
      %dma_wait3A_51 = tpu.memref_slice %arg2[%dma_wait3A_50] : memref<3200000xi32, #tpu.memory_space<hbm>> -> memref<4000xi32, #tpu.memory_space<hbm>>
      %dma_wait3A_52 = arith.constant 0 : i32
      %dma_wait3A_53 = tpu.memref_slice %arg2[%dma_wait3A_52] : memref<3200000xi32, #tpu.memory_space<hbm>> -> memref<4000xi32, #tpu.memory_space<hbm>>
      tpu.wait_dma2 semaphore(%arg20 : memref<!tpu.dma_semaphore, #tpu.memory_space<semaphore_mem>>) src(%dma_wait3A_53 : memref<4000xi32, #tpu.memory_space<hbm>>) dst(%arg8 : memref<4000xi32, #tpu.memory_space<vmem>>)
      %dma_wait3A_54 = arith.constant 0 : i32
      %dma_wait3A_55 = tpu.memref_slice %arg3[%dma_wait3A_54] : memref<3200000xi32, #tpu.memory_space<hbm>> -> memref<4000xi32, #tpu.memory_space<hbm>>
      %dma_wait3A_56 = arith.constant 0 : i32
      %dma_wait3A_57 = tpu.memref_slice %arg3[%dma_wait3A_56] : memref<3200000xi32, #tpu.memory_space<hbm>> -> memref<4000xi32, #tpu.memory_space<hbm>>
      tpu.wait_dma2 semaphore(%arg20 : memref<!tpu.dma_semaphore, #tpu.memory_space<semaphore_mem>>) src(%dma_wait3A_57 : memref<4000xi32, #tpu.memory_space<hbm>>) dst(%arg12 : memref<4000xi32, #tpu.memory_space<vmem>>)
      "tpu.region"() ({
        %run_scoped3A_103 = tpu.sem_alloc : memref<!tpu.dma_semaphore, #tpu.memory_space<semaphore_mem>>
        %dma_start3A_104 = arith.constant 0 : i32
        %dma_start3A_105 = tpu.memref_slice %arg17[%dma_start3A_104] : memref<100352xf32, #tpu.memory_space<vmem_shared>> -> memref<100352xf32, #tpu.memory_space<vmem_shared>>
        tpu.enqueue_indirect_dma source(%dma_start3A_105 : memref<100352xf32, #tpu.memory_space<vmem_shared>>) target(%arg16 : memref<4000xf32, #tpu.memory_space<vmem>>) offsets(%arg8 : memref<4000xi32, #tpu.memory_space<vmem>>) semaphore(%run_scoped3A_103 : memref<!tpu.dma_semaphore, #tpu.memory_space<semaphore_mem>>)
        %dma_wait3A_106 = arith.constant 0 : i32
        %dma_wait3A_107 = tpu.memref_slice %arg17[%dma_wait3A_106] : memref<100352xf32, #tpu.memory_space<vmem_shared>> -> memref<100352xf32, #tpu.memory_space<vmem_shared>>
        tpu.wait_indirect_dma semaphore(%run_scoped3A_103 : memref<!tpu.dma_semaphore, #tpu.memory_space<semaphore_mem>>) src(%dma_wait3A_107 : memref<100352xf32, #tpu.memory_space<vmem_shared>>) dst(%arg16 : memref<4000xf32, #tpu.memory_space<vmem>>)
        tpu.yield
      }) : () -> ()
      "tpu.region"() ({
        %run_scoped3A_103 = tpu.sem_alloc : memref<!tpu.dma_semaphore, #tpu.memory_space<semaphore_mem>>
        %dma_start3A_104 = arith.constant 0 : i32
        %dma_start3A_105 = tpu.memref_slice %arg18[%dma_start3A_104] : memref<100352xf32, #tpu.memory_space<vmem_shared>> -> memref<100352xf32, #tpu.memory_space<vmem_shared>>
        tpu.enqueue_indirect_dma source(%arg16 : memref<4000xf32, #tpu.memory_space<vmem>>) target(%dma_start3A_105 : memref<100352xf32, #tpu.memory_space<vmem_shared>>) offsets(%arg12 : memref<4000xi32, #tpu.memory_space<vmem>>) semaphore(%run_scoped3A_103 : memref<!tpu.dma_semaphore, #tpu.memory_space<semaphore_mem>>) {add = true}
        %dma_wait3A_106 = arith.constant 0 : i32
        %dma_wait3A_107 = tpu.memref_slice %arg18[%dma_wait3A_106] : memref<100352xf32, #tpu.memory_space<vmem_shared>> -> memref<100352xf32, #tpu.memory_space<vmem_shared>>
        tpu.wait_indirect_dma semaphore(%run_scoped3A_103 : memref<!tpu.dma_semaphore, #tpu.memory_space<semaphore_mem>>) src(%arg16 : memref<4000xf32, #tpu.memory_space<vmem>>) dst(%dma_wait3A_107 : memref<100352xf32, #tpu.memory_space<vmem_shared>>)
        tpu.yield
      }) : () -> ()
      %add3A_58 = arith.constant 2 : i32
      %add3A_59 = arith.addi %add3A_49, %add3A_58 : i32
      %lt3A_60 = arith.constant 25 : i32
      %lt3A_61 = arith.cmpi slt, %add3A_59, %lt3A_60 : i32
      %convert_element_type3A_62 = arith.extui %lt3A_61 : i1 to i32
      %cond3A_63 = arith.constant 0 : i32
      %cond3A_64 = arith.cmpi ne, %convert_element_type3A_62, %cond3A_63 : i32
      scf.if %cond3A_64 {
        %add3A_103 = arith.constant 2 : i32
        %add3A_104 = arith.addi %add3A_49, %add3A_103 : i32
        %mul3A_105 = arith.constant 4000 : i32
        %mul3A_106 = arith.muli %add3A_104, %mul3A_105 : i32
        %add3A_107 = arith.addi %mul3A_4, %mul3A_106 : i32
        %dma_start3A_108 = tpu.memref_slice %arg2[%add3A_107] : memref<3200000xi32, #tpu.memory_space<hbm>> -> memref<4000xi32, #tpu.memory_space<hbm>>
        %dma_start3A_109 = tpu.memref_slice %arg2[%add3A_107] : memref<3200000xi32, #tpu.memory_space<hbm>> -> memref<4000xi32, #tpu.memory_space<hbm>>
        tpu.enqueue_dma source(%dma_start3A_109 : memref<4000xi32, #tpu.memory_space<hbm>>) target(%arg10 : memref<4000xi32, #tpu.memory_space<vmem>>) target_semaphore(%arg22 : memref<!tpu.dma_semaphore, #tpu.memory_space<semaphore_mem>>)
        %dma_start3A_110 = tpu.memref_slice %arg3[%add3A_107] : memref<3200000xi32, #tpu.memory_space<hbm>> -> memref<4000xi32, #tpu.memory_space<hbm>>
        %dma_start3A_111 = tpu.memref_slice %arg3[%add3A_107] : memref<3200000xi32, #tpu.memory_space<hbm>> -> memref<4000xi32, #tpu.memory_space<hbm>>
        tpu.enqueue_dma source(%dma_start3A_111 : memref<4000xi32, #tpu.memory_space<hbm>>) target(%arg14 : memref<4000xi32, #tpu.memory_space<vmem>>) target_semaphore(%arg22 : memref<!tpu.dma_semaphore, #tpu.memory_space<semaphore_mem>>)
      } else {
      }
      %mul3A_65 = arith.constant 4 : i32
      %mul3A_66 = arith.muli %scan3A_29, %mul3A_65 : i32
      %add3A_67 = arith.constant 2 : i32
      %add3A_68 = arith.addi %mul3A_66, %add3A_67 : i32
      %dma_wait3A_69 = arith.constant 0 : i32
      %dma_wait3A_70 = tpu.memref_slice %arg2[%dma_wait3A_69] : memref<3200000xi32, #tpu.memory_space<hbm>> -> memref<4000xi32, #tpu.memory_space<hbm>>
      %dma_wait3A_71 = arith.constant 0 : i32
      %dma_wait3A_72 = tpu.memref_slice %arg2[%dma_wait3A_71] : memref<3200000xi32, #tpu.memory_space<hbm>> -> memref<4000xi32, #tpu.memory_space<hbm>>
      tpu.wait_dma2 semaphore(%arg21 : memref<!tpu.dma_semaphore, #tpu.memory_space<semaphore_mem>>) src(%dma_wait3A_72 : memref<4000xi32, #tpu.memory_space<hbm>>) dst(%arg9 : memref<4000xi32, #tpu.memory_space<vmem>>)
      %dma_wait3A_73 = arith.constant 0 : i32
      %dma_wait3A_74 = tpu.memref_slice %arg3[%dma_wait3A_73] : memref<3200000xi32, #tpu.memory_space<hbm>> -> memref<4000xi32, #tpu.memory_space<hbm>>
      %dma_wait3A_75 = arith.constant 0 : i32
      %dma_wait3A_76 = tpu.memref_slice %arg3[%dma_wait3A_75] : memref<3200000xi32, #tpu.memory_space<hbm>> -> memref<4000xi32, #tpu.memory_space<hbm>>
      tpu.wait_dma2 semaphore(%arg21 : memref<!tpu.dma_semaphore, #tpu.memory_space<semaphore_mem>>) src(%dma_wait3A_76 : memref<4000xi32, #tpu.memory_space<hbm>>) dst(%arg13 : memref<4000xi32, #tpu.memory_space<vmem>>)
      "tpu.region"() ({
        %run_scoped3A_103 = tpu.sem_alloc : memref<!tpu.dma_semaphore, #tpu.memory_space<semaphore_mem>>
        %dma_start3A_104 = arith.constant 0 : i32
        %dma_start3A_105 = tpu.memref_slice %arg17[%dma_start3A_104] : memref<100352xf32, #tpu.memory_space<vmem_shared>> -> memref<100352xf32, #tpu.memory_space<vmem_shared>>
        tpu.enqueue_indirect_dma source(%dma_start3A_105 : memref<100352xf32, #tpu.memory_space<vmem_shared>>) target(%arg15 : memref<4000xf32, #tpu.memory_space<vmem>>) offsets(%arg9 : memref<4000xi32, #tpu.memory_space<vmem>>) semaphore(%run_scoped3A_103 : memref<!tpu.dma_semaphore, #tpu.memory_space<semaphore_mem>>)
        %dma_wait3A_106 = arith.constant 0 : i32
        %dma_wait3A_107 = tpu.memref_slice %arg17[%dma_wait3A_106] : memref<100352xf32, #tpu.memory_space<vmem_shared>> -> memref<100352xf32, #tpu.memory_space<vmem_shared>>
        tpu.wait_indirect_dma semaphore(%run_scoped3A_103 : memref<!tpu.dma_semaphore, #tpu.memory_space<semaphore_mem>>) src(%dma_wait3A_107 : memref<100352xf32, #tpu.memory_space<vmem_shared>>) dst(%arg15 : memref<4000xf32, #tpu.memory_space<vmem>>)
        tpu.yield
      }) : () -> ()
      "tpu.region"() ({
        %run_scoped3A_103 = tpu.sem_alloc : memref<!tpu.dma_semaphore, #tpu.memory_space<semaphore_mem>>
        %dma_start3A_104 = arith.constant 0 : i32
        %dma_start3A_105 = tpu.memref_slice %arg18[%dma_start3A_104] : memref<100352xf32, #tpu.memory_space<vmem_shared>> -> memref<100352xf32, #tpu.memory_space<vmem_shared>>
        tpu.enqueue_indirect_dma source(%arg15 : memref<4000xf32, #tpu.memory_space<vmem>>) target(%dma_start3A_105 : memref<100352xf32, #tpu.memory_space<vmem_shared>>) offsets(%arg13 : memref<4000xi32, #tpu.memory_space<vmem>>) semaphore(%run_scoped3A_103 : memref<!tpu.dma_semaphore, #tpu.memory_space<semaphore_mem>>) {add = true}
        %dma_wait3A_106 = arith.constant 0 : i32
        %dma_wait3A_107 = tpu.memref_slice %arg18[%dma_wait3A_106] : memref<100352xf32, #tpu.memory_space<vmem_shared>> -> memref<100352xf32, #tpu.memory_space<vmem_shared>>
        tpu.wait_indirect_dma semaphore(%run_scoped3A_103 : memref<!tpu.dma_semaphore, #tpu.memory_space<semaphore_mem>>) src(%arg15 : memref<4000xf32, #tpu.memory_space<vmem>>) dst(%dma_wait3A_107 : memref<100352xf32, #tpu.memory_space<vmem_shared>>)
        tpu.yield
      }) : () -> ()
      %add3A_77 = arith.constant 2 : i32
      %add3A_78 = arith.addi %add3A_68, %add3A_77 : i32
      %lt3A_79 = arith.constant 25 : i32
      %lt3A_80 = arith.cmpi slt, %add3A_78, %lt3A_79 : i32
      %convert_element_type3A_81 = arith.extui %lt3A_80 : i1 to i32
      %cond3A_82 = arith.constant 0 : i32
      %cond3A_83 = arith.cmpi ne, %convert_element_type3A_81, %cond3A_82 : i32
      scf.if %cond3A_83 {
        %add3A_103 = arith.constant 2 : i32
        %add3A_104 = arith.addi %add3A_68, %add3A_103 : i32
        %mul3A_105 = arith.constant 4000 : i32
        %mul3A_106 = arith.muli %add3A_104, %mul3A_105 : i32
        %add3A_107 = arith.addi %mul3A_4, %mul3A_106 : i32
        %dma_start3A_108 = tpu.memref_slice %arg2[%add3A_107] : memref<3200000xi32, #tpu.memory_space<hbm>> -> memref<4000xi32, #tpu.memory_space<hbm>>
        %dma_start3A_109 = tpu.memref_slice %arg2[%add3A_107] : memref<3200000xi32, #tpu.memory_space<hbm>> -> memref<4000xi32, #tpu.memory_space<hbm>>
        tpu.enqueue_dma source(%dma_start3A_109 : memref<4000xi32, #tpu.memory_space<hbm>>) target(%arg7 : memref<4000xi32, #tpu.memory_space<vmem>>) target_semaphore(%arg19 : memref<!tpu.dma_semaphore, #tpu.memory_space<semaphore_mem>>)
        %dma_start3A_110 = tpu.memref_slice %arg3[%add3A_107] : memref<3200000xi32, #tpu.memory_space<hbm>> -> memref<4000xi32, #tpu.memory_space<hbm>>
        %dma_start3A_111 = tpu.memref_slice %arg3[%add3A_107] : memref<3200000xi32, #tpu.memory_space<hbm>> -> memref<4000xi32, #tpu.memory_space<hbm>>
        tpu.enqueue_dma source(%dma_start3A_111 : memref<4000xi32, #tpu.memory_space<hbm>>) target(%arg11 : memref<4000xi32, #tpu.memory_space<vmem>>) target_semaphore(%arg19 : memref<!tpu.dma_semaphore, #tpu.memory_space<semaphore_mem>>)
      } else {
      }
      %mul3A_84 = arith.constant 4 : i32
      %mul3A_85 = arith.muli %scan3A_29, %mul3A_84 : i32
      %add3A_86 = arith.constant 3 : i32
      %add3A_87 = arith.addi %mul3A_85, %add3A_86 : i32
      %dma_wait3A_88 = arith.constant 0 : i32
      %dma_wait3A_89 = tpu.memref_slice %arg2[%dma_wait3A_88] : memref<3200000xi32, #tpu.memory_space<hbm>> -> memref<4000xi32, #tpu.memory_space<hbm>>
      %dma_wait3A_90 = arith.constant 0 : i32
      %dma_wait3A_91 = tpu.memref_slice %arg2[%dma_wait3A_90] : memref<3200000xi32, #tpu.memory_space<hbm>> -> memref<4000xi32, #tpu.memory_space<hbm>>
      tpu.wait_dma2 semaphore(%arg22 : memref<!tpu.dma_semaphore, #tpu.memory_space<semaphore_mem>>) src(%dma_wait3A_91 : memref<4000xi32, #tpu.memory_space<hbm>>) dst(%arg10 : memref<4000xi32, #tpu.memory_space<vmem>>)
      %dma_wait3A_92 = arith.constant 0 : i32
      %dma_wait3A_93 = tpu.memref_slice %arg3[%dma_wait3A_92] : memref<3200000xi32, #tpu.memory_space<hbm>> -> memref<4000xi32, #tpu.memory_space<hbm>>
      %dma_wait3A_94 = arith.constant 0 : i32
      %dma_wait3A_95 = tpu.memref_slice %arg3[%dma_wait3A_94] : memref<3200000xi32, #tpu.memory_space<hbm>> -> memref<4000xi32, #tpu.memory_space<hbm>>
      tpu.wait_dma2 semaphore(%arg22 : memref<!tpu.dma_semaphore, #tpu.memory_space<semaphore_mem>>) src(%dma_wait3A_95 : memref<4000xi32, #tpu.memory_space<hbm>>) dst(%arg14 : memref<4000xi32, #tpu.memory_space<vmem>>)
      "tpu.region"() ({
        %run_scoped3A_103 = tpu.sem_alloc : memref<!tpu.dma_semaphore, #tpu.memory_space<semaphore_mem>>
        %dma_start3A_104 = arith.constant 0 : i32
        %dma_start3A_105 = tpu.memref_slice %arg17[%dma_start3A_104] : memref<100352xf32, #tpu.memory_space<vmem_shared>> -> memref<100352xf32, #tpu.memory_space<vmem_shared>>
        tpu.enqueue_indirect_dma source(%dma_start3A_105 : memref<100352xf32, #tpu.memory_space<vmem_shared>>) target(%arg16 : memref<4000xf32, #tpu.memory_space<vmem>>) offsets(%arg10 : memref<4000xi32, #tpu.memory_space<vmem>>) semaphore(%run_scoped3A_103 : memref<!tpu.dma_semaphore, #tpu.memory_space<semaphore_mem>>)
        %dma_wait3A_106 = arith.constant 0 : i32
        %dma_wait3A_107 = tpu.memref_slice %arg17[%dma_wait3A_106] : memref<100352xf32, #tpu.memory_space<vmem_shared>> -> memref<100352xf32, #tpu.memory_space<vmem_shared>>
        tpu.wait_indirect_dma semaphore(%run_scoped3A_103 : memref<!tpu.dma_semaphore, #tpu.memory_space<semaphore_mem>>) src(%dma_wait3A_107 : memref<100352xf32, #tpu.memory_space<vmem_shared>>) dst(%arg16 : memref<4000xf32, #tpu.memory_space<vmem>>)
        tpu.yield
      }) : () -> ()
      "tpu.region"() ({
        %run_scoped3A_103 = tpu.sem_alloc : memref<!tpu.dma_semaphore, #tpu.memory_space<semaphore_mem>>
        %dma_start3A_104 = arith.constant 0 : i32
        %dma_start3A_105 = tpu.memref_slice %arg18[%dma_start3A_104] : memref<100352xf32, #tpu.memory_space<vmem_shared>> -> memref<100352xf32, #tpu.memory_space<vmem_shared>>
        tpu.enqueue_indirect_dma source(%arg16 : memref<4000xf32, #tpu.memory_space<vmem>>) target(%dma_start3A_105 : memref<100352xf32, #tpu.memory_space<vmem_shared>>) offsets(%arg14 : memref<4000xi32, #tpu.memory_space<vmem>>) semaphore(%run_scoped3A_103 : memref<!tpu.dma_semaphore, #tpu.memory_space<semaphore_mem>>) {add = true}
        %dma_wait3A_106 = arith.constant 0 : i32
        %dma_wait3A_107 = tpu.memref_slice %arg18[%dma_wait3A_106] : memref<100352xf32, #tpu.memory_space<vmem_shared>> -> memref<100352xf32, #tpu.memory_space<vmem_shared>>
        tpu.wait_indirect_dma semaphore(%run_scoped3A_103 : memref<!tpu.dma_semaphore, #tpu.memory_space<semaphore_mem>>) src(%arg16 : memref<4000xf32, #tpu.memory_space<vmem>>) dst(%dma_wait3A_107 : memref<100352xf32, #tpu.memory_space<vmem_shared>>)
        tpu.yield
      }) : () -> ()
      %add3A_96 = arith.constant 2 : i32
      %add3A_97 = arith.addi %add3A_87, %add3A_96 : i32
      %lt3A_98 = arith.constant 25 : i32
      %lt3A_99 = arith.cmpi slt, %add3A_97, %lt3A_98 : i32
      %convert_element_type3A_100 = arith.extui %lt3A_99 : i1 to i32
      %cond3A_101 = arith.constant 0 : i32
      %cond3A_102 = arith.cmpi ne, %convert_element_type3A_100, %cond3A_101 : i32
      scf.if %cond3A_102 {
        %add3A_103 = arith.constant 2 : i32
        %add3A_104 = arith.addi %add3A_87, %add3A_103 : i32
        %mul3A_105 = arith.constant 4000 : i32
        %mul3A_106 = arith.muli %add3A_104, %mul3A_105 : i32
        %add3A_107 = arith.addi %mul3A_4, %mul3A_106 : i32
        %dma_start3A_108 = tpu.memref_slice %arg2[%add3A_107] : memref<3200000xi32, #tpu.memory_space<hbm>> -> memref<4000xi32, #tpu.memory_space<hbm>>
        %dma_start3A_109 = tpu.memref_slice %arg2[%add3A_107] : memref<3200000xi32, #tpu.memory_space<hbm>> -> memref<4000xi32, #tpu.memory_space<hbm>>
        tpu.enqueue_dma source(%dma_start3A_109 : memref<4000xi32, #tpu.memory_space<hbm>>) target(%arg8 : memref<4000xi32, #tpu.memory_space<vmem>>) target_semaphore(%arg20 : memref<!tpu.dma_semaphore, #tpu.memory_space<semaphore_mem>>)
        %dma_start3A_110 = tpu.memref_slice %arg3[%add3A_107] : memref<3200000xi32, #tpu.memory_space<hbm>> -> memref<4000xi32, #tpu.memory_space<hbm>>
        %dma_start3A_111 = tpu.memref_slice %arg3[%add3A_107] : memref<3200000xi32, #tpu.memory_space<hbm>> -> memref<4000xi32, #tpu.memory_space<hbm>>
        tpu.enqueue_dma source(%dma_start3A_111 : memref<4000xi32, #tpu.memory_space<hbm>>) target(%arg12 : memref<4000xi32, #tpu.memory_space<vmem>>) target_semaphore(%arg20 : memref<!tpu.dma_semaphore, #tpu.memory_space<semaphore_mem>>)
      } else {
      }
    }
    %scan3A_20 = arith.constant 6 : i32
    %dma_wait3A = arith.constant 0 : i32
    %dma_wait3A_21 = tpu.memref_slice %arg2[%dma_wait3A] : memref<3200000xi32, #tpu.memory_space<hbm>> -> memref<4000xi32, #tpu.memory_space<hbm>>
    %dma_wait3A_22 = arith.constant 0 : i32
    %dma_wait3A_23 = tpu.memref_slice %arg2[%dma_wait3A_22] : memref<3200000xi32, #tpu.memory_space<hbm>> -> memref<4000xi32, #tpu.memory_space<hbm>>
    tpu.wait_dma2 semaphore(%arg19 : memref<!tpu.dma_semaphore, #tpu.memory_space<semaphore_mem>>) src(%dma_wait3A_23 : memref<4000xi32, #tpu.memory_space<hbm>>) dst(%arg7 : memref<4000xi32, #tpu.memory_space<vmem>>)
    %dma_wait3A_24 = arith.constant 0 : i32
    %dma_wait3A_25 = tpu.memref_slice %arg3[%dma_wait3A_24] : memref<3200000xi32, #tpu.memory_space<hbm>> -> memref<4000xi32, #tpu.memory_space<hbm>>
    %dma_wait3A_26 = arith.constant 0 : i32
    %dma_wait3A_27 = tpu.memref_slice %arg3[%dma_wait3A_26] : memref<3200000xi32, #tpu.memory_space<hbm>> -> memref<4000xi32, #tpu.memory_space<hbm>>
    tpu.wait_dma2 semaphore(%arg19 : memref<!tpu.dma_semaphore, #tpu.memory_space<semaphore_mem>>) src(%dma_wait3A_27 : memref<4000xi32, #tpu.memory_space<hbm>>) dst(%arg11 : memref<4000xi32, #tpu.memory_space<vmem>>)
    "tpu.region"() ({
      %run_scoped3A_29 = tpu.sem_alloc : memref<!tpu.dma_semaphore, #tpu.memory_space<semaphore_mem>>
      %dma_start3A_30 = arith.constant 0 : i32
      %dma_start3A_31 = tpu.memref_slice %arg17[%dma_start3A_30] : memref<100352xf32, #tpu.memory_space<vmem_shared>> -> memref<100352xf32, #tpu.memory_space<vmem_shared>>
      tpu.enqueue_indirect_dma source(%dma_start3A_31 : memref<100352xf32, #tpu.memory_space<vmem_shared>>) target(%arg15 : memref<4000xf32, #tpu.memory_space<vmem>>) offsets(%arg7 : memref<4000xi32, #tpu.memory_space<vmem>>) semaphore(%run_scoped3A_29 : memref<!tpu.dma_semaphore, #tpu.memory_space<semaphore_mem>>)
      %dma_wait3A_32 = arith.constant 0 : i32
      %dma_wait3A_33 = tpu.memref_slice %arg17[%dma_wait3A_32] : memref<100352xf32, #tpu.memory_space<vmem_shared>> -> memref<100352xf32, #tpu.memory_space<vmem_shared>>
      tpu.wait_indirect_dma semaphore(%run_scoped3A_29 : memref<!tpu.dma_semaphore, #tpu.memory_space<semaphore_mem>>) src(%dma_wait3A_33 : memref<100352xf32, #tpu.memory_space<vmem_shared>>) dst(%arg15 : memref<4000xf32, #tpu.memory_space<vmem>>)
      tpu.yield
    }) : () -> ()
    "tpu.region"() ({
      %run_scoped3A_29 = tpu.sem_alloc : memref<!tpu.dma_semaphore, #tpu.memory_space<semaphore_mem>>
      %dma_start3A_30 = arith.constant 0 : i32
      %dma_start3A_31 = tpu.memref_slice %arg18[%dma_start3A_30] : memref<100352xf32, #tpu.memory_space<vmem_shared>> -> memref<100352xf32, #tpu.memory_space<vmem_shared>>
      tpu.enqueue_indirect_dma source(%arg15 : memref<4000xf32, #tpu.memory_space<vmem>>) target(%dma_start3A_31 : memref<100352xf32, #tpu.memory_space<vmem_shared>>) offsets(%arg11 : memref<4000xi32, #tpu.memory_space<vmem>>) semaphore(%run_scoped3A_29 : memref<!tpu.dma_semaphore, #tpu.memory_space<semaphore_mem>>) {add = true}
      %dma_wait3A_32 = arith.constant 0 : i32
      %dma_wait3A_33 = tpu.memref_slice %arg18[%dma_wait3A_32] : memref<100352xf32, #tpu.memory_space<vmem_shared>> -> memref<100352xf32, #tpu.memory_space<vmem_shared>>
      tpu.wait_indirect_dma semaphore(%run_scoped3A_29 : memref<!tpu.dma_semaphore, #tpu.memory_space<semaphore_mem>>) src(%arg15 : memref<4000xf32, #tpu.memory_space<vmem>>) dst(%dma_wait3A_33 : memref<100352xf32, #tpu.memory_space<vmem_shared>>)
      tpu.yield
    }) : () -> ()
    %barrier3A_28 = arith.constant 0 : index
    tpu.barrier barrier_id(%barrier3A_28)
    %run_scoped3A = arith.constant 0 : i32
    "tpu.region"() ({
      %run_scoped3A_29 = tpu.sem_alloc : memref<!tpu.dma_semaphore, #tpu.memory_space<semaphore_mem>>
      %dma_start3A_30 = tpu.memref_slice %arg6[%arg0, %run_scoped3A, %mul3A_2] : memref<2x1x100352xf32, #tpu.memory_space<hbm>> -> memref<1x1x6272xf32, #tpu.memory_space<hbm>>
      %dma_start3A_31 = tpu.memref_squeeze %dma_start3A_30 : memref<1x1x6272xf32, #tpu.memory_space<hbm>> -> memref<6272xf32, #tpu.memory_space<hbm>>
      %dma_start3A_32 = tpu.memref_slice %arg18[%mul3A_2] : memref<100352xf32, #tpu.memory_space<vmem_shared>> -> memref<6272xf32, #tpu.memory_space<vmem_shared>>
      tpu.enqueue_dma source(%dma_start3A_32 : memref<6272xf32, #tpu.memory_space<vmem_shared>>) target(%dma_start3A_31 : memref<6272xf32, #tpu.memory_space<hbm>>) target_semaphore(%run_scoped3A_29 : memref<!tpu.dma_semaphore, #tpu.memory_space<semaphore_mem>>)
      %dma_wait3A_33 = tpu.memref_slice %arg6[%arg0, %run_scoped3A, %mul3A_2] : memref<2x1x100352xf32, #tpu.memory_space<hbm>> -> memref<1x1x6272xf32, #tpu.memory_space<hbm>>
      %dma_wait3A_34 = tpu.memref_squeeze %dma_wait3A_33 : memref<1x1x6272xf32, #tpu.memory_space<hbm>> -> memref<6272xf32, #tpu.memory_space<hbm>>
      %dma_wait3A_35 = tpu.memref_slice %arg18[%mul3A_2] : memref<100352xf32, #tpu.memory_space<vmem_shared>> -> memref<6272xf32, #tpu.memory_space<vmem_shared>>
      tpu.wait_dma2 semaphore(%run_scoped3A_29 : memref<!tpu.dma_semaphore, #tpu.memory_space<semaphore_mem>>) src(%dma_wait3A_35 : memref<6272xf32, #tpu.memory_space<vmem_shared>>) dst(%dma_wait3A_34 : memref<6272xf32, #tpu.memory_space<hbm>>)
      tpu.yield
    }) : () -> ()
    return
  }
}

module attributes {stable_mosaic.version = 14 : i64} {
  func.func @_tc1_body(%arg0: memref<2x784x128xf32, #tpu.memory_space<vmem>>, %arg1: memref<784x128xf32, #tpu.memory_space<vmem>>, %arg2: memref<784x128xf32, #tpu.memory_space<vmem>>, %arg3: memref<784x128xf32, #tpu.memory_space<vmem>>, %arg4: memref<784x128xf32, #tpu.memory_space<vmem>>, %arg5: memref<784x128xf32, #tpu.memory_space<vmem>>) attributes {dimension_semantics = [], scalar_prefetch = 0 : i64, scratch_operands = 0 : i64, tpu.core_type = #tpu.core_type<tc>} {
    %get3A = arith.constant 0 : index
    %get3A_0 = arith.constant 0 : index
    %get3A_1 = arith.constant 0 : index
    %get3A_2 = vector.load %arg0[%get3A, %get3A_0, %get3A_1] : memref<2x784x128xf32, #tpu.memory_space<vmem>>, vector<1x784x128xf32>
    %get3A_3 = vector.shape_cast %get3A_2 : vector<1x784x128xf32> to vector<784x128xf32>
    %get3A_4 = arith.constant 1 : index
    %get3A_5 = arith.constant 0 : index
    %get3A_6 = arith.constant 0 : index
    %get3A_7 = vector.load %arg0[%get3A_4, %get3A_5, %get3A_6] : memref<2x784x128xf32, #tpu.memory_space<vmem>>, vector<1x784x128xf32>
    %get3A_8 = vector.shape_cast %get3A_7 : vector<1x784x128xf32> to vector<784x128xf32>
    %add3A = arith.addf %get3A_3, %get3A_8 : vector<784x128xf32>
    %add3A_9 = arith.constant 1.000000e+00 : f32
    %add3A_10 = vector.broadcast %add3A_9 : f32 to vector<784x128xf32>
    %add3A_11 = arith.addf %add3A, %add3A_10 : vector<784x128xf32>
    %sqrt3A = math.sqrt %add3A_11 : vector<784x128xf32>
    %div3A = arith.constant 1.000000e+00 : f32
    %div3A_12 = vector.broadcast %div3A : f32 to vector<784x128xf32>
    %div3A_13 = arith.divf %div3A_12, %sqrt3A : vector<784x128xf32>
    %swap3A = arith.constant 0 : index
    %swap3A_14 = arith.constant 0 : index
    %swap3A_15 = vector.load %arg3[%swap3A, %swap3A_14] : memref<784x128xf32, #tpu.memory_space<vmem>>, vector<784x128xf32>
    tpu.vector_store %arg3[%swap3A, %swap3A_14], %div3A_13 {strides = array<i32>} : memref<784x128xf32, #tpu.memory_space<vmem>>, vector<784x128xf32>,
    %get3A_16 = arith.constant 0 : index
    %get3A_17 = arith.constant 0 : index
    %get3A_18 = vector.load %arg1[%get3A_16, %get3A_17] : memref<784x128xf32, #tpu.memory_space<vmem>>, vector<784x128xf32>
    %mul3A = arith.constant 2.000000e+00 : f32
    %mul3A_19 = vector.broadcast %mul3A : f32 to vector<784x128xf32>
    %mul3A_20 = arith.mulf %mul3A_19, %get3A_18 : vector<784x128xf32>
    %convert_element_type3A = arith.truncf %mul3A_20 : vector<784x128xf32> to vector<784x128xbf16>
    %convert_element_type3A_21 = arith.extf %convert_element_type3A : vector<784x128xbf16> to vector<784x128xf32>
    %mul3A_22 = arith.mulf %div3A_13, %convert_element_type3A_21 : vector<784x128xf32>
    %swap3A_23 = arith.constant 0 : index
    %swap3A_24 = arith.constant 0 : index
    %swap3A_25 = vector.load %arg4[%swap3A_23, %swap3A_24] : memref<784x128xf32, #tpu.memory_space<vmem>>, vector<784x128xf32>
    tpu.vector_store %arg4[%swap3A_23, %swap3A_24], %mul3A_22 {strides = array<i32>} : memref<784x128xf32, #tpu.memory_space<vmem>>, vector<784x128xf32>,
    %get3A_26 = arith.constant 0 : index
    %get3A_27 = arith.constant 0 : index
    %get3A_28 = vector.load %arg2[%get3A_26, %get3A_27] : memref<784x128xf32, #tpu.memory_space<vmem>>, vector<784x128xf32>
    %convert_element_type3A_29 = arith.truncf %get3A_28 : vector<784x128xf32> to vector<784x128xbf16>
    %convert_element_type3A_30 = arith.extf %convert_element_type3A_29 : vector<784x128xbf16> to vector<784x128xf32>
    %mul3A_31 = arith.mulf %div3A_13, %convert_element_type3A_30 : vector<784x128xf32>
    %swap3A_32 = arith.constant 0 : index
    %swap3A_33 = arith.constant 0 : index
    %swap3A_34 = vector.load %arg5[%swap3A_32, %swap3A_33] : memref<784x128xf32, #tpu.memory_space<vmem>>, vector<784x128xf32>
    tpu.vector_store %arg5[%swap3A_32, %swap3A_33], %mul3A_31 {strides = array<i32>} : memref<784x128xf32, #tpu.memory_space<vmem>>, vector<784x128xf32>,
    return
  }
}

module attributes {stable_mosaic.version = 14 : i64} {
  func.func @_tc2_body(%arg0: memref<784x128xf32, #tpu.memory_space<vmem>>, %arg1: memref<784x128xf32, #tpu.memory_space<vmem>>, %arg2: memref<784x128xf32, #tpu.memory_space<vmem>>, %arg3: memref<2x784x128xf32, #tpu.memory_space<vmem>>, %arg4: memref<2x784x128xf32, #tpu.memory_space<vmem>>, %arg5: memref<2x16xf32, #tpu.memory_space<smem>>, %arg6: memref<16xf32, #tpu.memory_space<smem>>, %arg7: memref<16x1xf32, #tpu.memory_space<smem>>, %arg8: memref<784x128xf32, #tpu.memory_space<vmem>>, %arg9: memref<784x128xf32, #tpu.memory_space<vmem>>) attributes {dimension_semantics = [], scalar_prefetch = 0 : i64, scratch_operands = 0 : i64, tpu.core_type = #tpu.core_type<tc>} {
    %get3A = arith.constant 0 : index
    %get3A_0 = arith.constant 0 : index
    %get3A_1 = vector.load %arg0[%get3A, %get3A_0] : memref<784x128xf32, #tpu.memory_space<vmem>>, vector<784x128xf32>
    %mul3A = arith.mulf %get3A_1, %get3A_1 : vector<784x128xf32>
    %get3A_2 = arith.constant 0 : index
    %get3A_3 = arith.constant 0 : index
    %get3A_4 = vector.load %arg1[%get3A_2, %get3A_3] : memref<784x128xf32, #tpu.memory_space<vmem>>, vector<784x128xf32>
    %mul3A_5 = arith.constant 2.000000e+00 : f32
    %mul3A_6 = vector.broadcast %mul3A_5 : f32 to vector<784x128xf32>
    %mul3A_7 = arith.mulf %mul3A_6, %get3A_4 : vector<784x128xf32>
    %convert_element_type3A = arith.truncf %mul3A_7 : vector<784x128xf32> to vector<784x128xbf16>
    %convert_element_type3A_8 = arith.extf %convert_element_type3A : vector<784x128xbf16> to vector<784x128xf32>
    %get3A_9 = arith.constant 0 : index
    %get3A_10 = arith.constant 0 : index
    %get3A_11 = vector.load %arg2[%get3A_9, %get3A_10] : memref<784x128xf32, #tpu.memory_space<vmem>>, vector<784x128xf32>
    %convert_element_type3A_12 = arith.truncf %get3A_11 : vector<784x128xf32> to vector<784x128xbf16>
    %convert_element_type3A_13 = arith.extf %convert_element_type3A_12 : vector<784x128xbf16> to vector<784x128xf32>
    %get3A_14 = arith.constant 0 : index
    %get3A_15 = arith.constant 0 : index
    %get3A_16 = arith.constant 0 : index
    %get3A_17 = vector.load %arg3[%get3A_14, %get3A_15, %get3A_16] : memref<2x784x128xf32, #tpu.memory_space<vmem>>, vector<1x784x128xf32>
    %get3A_18 = vector.shape_cast %get3A_17 : vector<1x784x128xf32> to vector<784x128xf32>
    %get3A_19 = arith.constant 1 : index
    %get3A_20 = arith.constant 0 : index
    %get3A_21 = arith.constant 0 : index
    %get3A_22 = vector.load %arg3[%get3A_19, %get3A_20, %get3A_21] : memref<2x784x128xf32, #tpu.memory_space<vmem>>, vector<1x784x128xf32>
    %get3A_23 = vector.shape_cast %get3A_22 : vector<1x784x128xf32> to vector<784x128xf32>
    %add3A = arith.addf %get3A_18, %get3A_23 : vector<784x128xf32>
    %mul3A_24 = arith.mulf %get3A_1, %add3A : vector<784x128xf32>
    %mul3A_25 = arith.mulf %mul3A, %convert_element_type3A_8 : vector<784x128xf32>
    %add3A_26 = arith.addf %mul3A_24, %mul3A_25 : vector<784x128xf32>
    %get3A_27 = arith.constant 0 : index
    %get3A_28 = arith.constant 0 : index
    %get3A_29 = arith.constant 0 : index
    %get3A_30 = vector.load %arg4[%get3A_27, %get3A_28, %get3A_29] : memref<2x784x128xf32, #tpu.memory_space<vmem>>, vector<1x784x128xf32>
    %get3A_31 = vector.shape_cast %get3A_30 : vector<1x784x128xf32> to vector<784x128xf32>
    %get3A_32 = arith.constant 1 : index
    %get3A_33 = arith.constant 0 : index
    %get3A_34 = arith.constant 0 : index
    %get3A_35 = vector.load %arg4[%get3A_32, %get3A_33, %get3A_34] : memref<2x784x128xf32, #tpu.memory_space<vmem>>, vector<1x784x128xf32>
    %get3A_36 = vector.shape_cast %get3A_35 : vector<1x784x128xf32> to vector<784x128xf32>
    %add3A_37 = arith.addf %get3A_31, %get3A_36 : vector<784x128xf32>
    %mul3A_38 = arith.mulf %get3A_1, %add3A_37 : vector<784x128xf32>
    %mul3A_39 = arith.mulf %mul3A, %convert_element_type3A_13 : vector<784x128xf32>
    %add3A_40 = arith.addf %mul3A_38, %mul3A_39 : vector<784x128xf32>
    %broadcast_in_dim3A = arith.constant 0.000000e+00 : f32
    %broadcast_in_dim3A_41 = vector.broadcast %broadcast_in_dim3A : f32 to vector<784x128xf32>
    %get3A_42 = arith.constant 0 : index
    %get3A_43 = arith.constant 0 : index
    %get3A_44 = memref.load %arg5[%get3A_42, %get3A_43] : memref<2x16xf32, #tpu.memory_space<smem>>
    %convert_element_type3A_45 = arith.truncf %get3A_44 : f32 to bf16
    %convert_element_type3A_46 = arith.extf %convert_element_type3A_45 : bf16 to f32
    %mul3A_47 = vector.broadcast %convert_element_type3A_46 : f32 to vector<784x128xf32>
    %mul3A_48 = arith.mulf %add3A_26, %mul3A_47 : vector<784x128xf32>
    %get3A_49 = arith.constant 1 : index
    %get3A_50 = arith.constant 0 : index
    %get3A_51 = memref.load %arg5[%get3A_49, %get3A_50] : memref<2x16xf32, #tpu.memory_space<smem>>
    %convert_element_type3A_52 = arith.truncf %get3A_51 : f32 to bf16
    %convert_element_type3A_53 = arith.extf %convert_element_type3A_52 : bf16 to f32
    %mul3A_54 = vector.broadcast %convert_element_type3A_53 : f32 to vector<784x128xf32>
    %mul3A_55 = arith.mulf %add3A_40, %mul3A_54 : vector<784x128xf32>
    %add3A_56 = arith.addf %mul3A_48, %mul3A_55 : vector<784x128xf32>
    %get3A_57 = arith.constant 0 : index
    %get3A_58 = memref.load %arg6[%get3A_57] : memref<16xf32, #tpu.memory_space<smem>>
    %add3A_59 = vector.broadcast %get3A_58 : f32 to vector<784x128xf32>
    %add3A_60 = arith.addf %add3A_56, %add3A_59 : vector<784x128xf32>
    %max3A = arith.constant 0.000000e+00 : f32
    %max3A_61 = vector.broadcast %max3A : f32 to vector<784x128xf32>
    %max3A_62 = arith.maximumf %add3A_60, %max3A_61 : vector<784x128xf32>
    %convert_element_type3A_63 = arith.truncf %max3A_62 : vector<784x128xf32> to vector<784x128xbf16>
    %convert_element_type3A_64 = arith.extf %convert_element_type3A_63 : vector<784x128xbf16> to vector<784x128xf32>
    %get3A_65 = arith.constant 0 : index
    %get3A_66 = arith.constant 0 : index
    %get3A_67 = memref.load %arg7[%get3A_65, %get3A_66] : memref<16x1xf32, #tpu.memory_space<smem>>
    %convert_element_type3A_68 = arith.truncf %get3A_67 : f32 to bf16
    %convert_element_type3A_69 = arith.extf %convert_element_type3A_68 : bf16 to f32
    %mul3A_70 = vector.broadcast %convert_element_type3A_69 : f32 to vector<784x128xf32>
    %mul3A_71 = arith.mulf %convert_element_type3A_64, %mul3A_70 : vector<784x128xf32>
    %add3A_72 = arith.addf %broadcast_in_dim3A_41, %mul3A_71 : vector<784x128xf32>
    %get3A_73 = arith.constant 0 : index
    %get3A_74 = arith.constant 1 : index
    %get3A_75 = memref.load %arg5[%get3A_73, %get3A_74] : memref<2x16xf32, #tpu.memory_space<smem>>
    %convert_element_type3A_76 = arith.truncf %get3A_75 : f32 to bf16
    %convert_element_type3A_77 = arith.extf %convert_element_type3A_76 : bf16 to f32
    %mul3A_78 = vector.broadcast %convert_element_type3A_77 : f32 to vector<784x128xf32>
    %mul3A_79 = arith.mulf %add3A_26, %mul3A_78 : vector<784x128xf32>
    %get3A_80 = arith.constant 1 : index
    %get3A_81 = arith.constant 1 : index
    %get3A_82 = memref.load %arg5[%get3A_80, %get3A_81] : memref<2x16xf32, #tpu.memory_space<smem>>
    %convert_element_type3A_83 = arith.truncf %get3A_82 : f32 to bf16
    %convert_element_type3A_84 = arith.extf %convert_element_type3A_83 : bf16 to f32
    %mul3A_85 = vector.broadcast %convert_element_type3A_84 : f32 to vector<784x128xf32>
    %mul3A_86 = arith.mulf %add3A_40, %mul3A_85 : vector<784x128xf32>
    %add3A_87 = arith.addf %mul3A_79, %mul3A_86 : vector<784x128xf32>
    %get3A_88 = arith.constant 1 : index
    %get3A_89 = memref.load %arg6[%get3A_88] : memref<16xf32, #tpu.memory_space<smem>>
    %add3A_90 = vector.broadcast %get3A_89 : f32 to vector<784x128xf32>
    %add3A_91 = arith.addf %add3A_87, %add3A_90 : vector<784x128xf32>
    %max3A_92 = arith.constant 0.000000e+00 : f32
    %max3A_93 = vector.broadcast %max3A_92 : f32 to vector<784x128xf32>
    %max3A_94 = arith.maximumf %add3A_91, %max3A_93 : vector<784x128xf32>
    %convert_element_type3A_95 = arith.truncf %max3A_94 : vector<784x128xf32> to vector<784x128xbf16>
    %convert_element_type3A_96 = arith.extf %convert_element_type3A_95 : vector<784x128xbf16> to vector<784x128xf32>
    %get3A_97 = arith.constant 1 : index
    %get3A_98 = arith.constant 0 : index
    %get3A_99 = memref.load %arg7[%get3A_97, %get3A_98] : memref<16x1xf32, #tpu.memory_space<smem>>
    %convert_element_type3A_100 = arith.truncf %get3A_99 : f32 to bf16
    %convert_element_type3A_101 = arith.extf %convert_element_type3A_100 : bf16 to f32
    %mul3A_102 = vector.broadcast %convert_element_type3A_101 : f32 to vector<784x128xf32>
    %mul3A_103 = arith.mulf %convert_element_type3A_96, %mul3A_102 : vector<784x128xf32>
    %add3A_104 = arith.addf %add3A_72, %mul3A_103 : vector<784x128xf32>
    %get3A_105 = arith.constant 0 : index
    %get3A_106 = arith.constant 2 : index
    %get3A_107 = memref.load %arg5[%get3A_105, %get3A_106] : memref<2x16xf32, #tpu.memory_space<smem>>
    %convert_element_type3A_108 = arith.truncf %get3A_107 : f32 to bf16
    %convert_element_type3A_109 = arith.extf %convert_element_type3A_108 : bf16 to f32
    %mul3A_110 = vector.broadcast %convert_element_type3A_109 : f32 to vector<784x128xf32>
    %mul3A_111 = arith.mulf %add3A_26, %mul3A_110 : vector<784x128xf32>
    %get3A_112 = arith.constant 1 : index
    %get3A_113 = arith.constant 2 : index
    %get3A_114 = memref.load %arg5[%get3A_112, %get3A_113] : memref<2x16xf32, #tpu.memory_space<smem>>
    %convert_element_type3A_115 = arith.truncf %get3A_114 : f32 to bf16
    %convert_element_type3A_116 = arith.extf %convert_element_type3A_115 : bf16 to f32
    %mul3A_117 = vector.broadcast %convert_element_type3A_116 : f32 to vector<784x128xf32>
    %mul3A_118 = arith.mulf %add3A_40, %mul3A_117 : vector<784x128xf32>
    %add3A_119 = arith.addf %mul3A_111, %mul3A_118 : vector<784x128xf32>
    %get3A_120 = arith.constant 2 : index
    %get3A_121 = memref.load %arg6[%get3A_120] : memref<16xf32, #tpu.memory_space<smem>>
    %add3A_122 = vector.broadcast %get3A_121 : f32 to vector<784x128xf32>
    %add3A_123 = arith.addf %add3A_119, %add3A_122 : vector<784x128xf32>
    %max3A_124 = arith.constant 0.000000e+00 : f32
    %max3A_125 = vector.broadcast %max3A_124 : f32 to vector<784x128xf32>
    %max3A_126 = arith.maximumf %add3A_123, %max3A_125 : vector<784x128xf32>
    %convert_element_type3A_127 = arith.truncf %max3A_126 : vector<784x128xf32> to vector<784x128xbf16>
    %convert_element_type3A_128 = arith.extf %convert_element_type3A_127 : vector<784x128xbf16> to vector<784x128xf32>
    %get3A_129 = arith.constant 2 : index
    %get3A_130 = arith.constant 0 : index
    %get3A_131 = memref.load %arg7[%get3A_129, %get3A_130] : memref<16x1xf32, #tpu.memory_space<smem>>
    %convert_element_type3A_132 = arith.truncf %get3A_131 : f32 to bf16
    %convert_element_type3A_133 = arith.extf %convert_element_type3A_132 : bf16 to f32
    %mul3A_134 = vector.broadcast %convert_element_type3A_133 : f32 to vector<784x128xf32>
    %mul3A_135 = arith.mulf %convert_element_type3A_128, %mul3A_134 : vector<784x128xf32>
    %add3A_136 = arith.addf %add3A_104, %mul3A_135 : vector<784x128xf32>
    %get3A_137 = arith.constant 0 : index
    %get3A_138 = arith.constant 3 : index
    %get3A_139 = memref.load %arg5[%get3A_137, %get3A_138] : memref<2x16xf32, #tpu.memory_space<smem>>
    %convert_element_type3A_140 = arith.truncf %get3A_139 : f32 to bf16
    %convert_element_type3A_141 = arith.extf %convert_element_type3A_140 : bf16 to f32
    %mul3A_142 = vector.broadcast %convert_element_type3A_141 : f32 to vector<784x128xf32>
    %mul3A_143 = arith.mulf %add3A_26, %mul3A_142 : vector<784x128xf32>
    %get3A_144 = arith.constant 1 : index
    %get3A_145 = arith.constant 3 : index
    %get3A_146 = memref.load %arg5[%get3A_144, %get3A_145] : memref<2x16xf32, #tpu.memory_space<smem>>
    %convert_element_type3A_147 = arith.truncf %get3A_146 : f32 to bf16
    %convert_element_type3A_148 = arith.extf %convert_element_type3A_147 : bf16 to f32
    %mul3A_149 = vector.broadcast %convert_element_type3A_148 : f32 to vector<784x128xf32>
    %mul3A_150 = arith.mulf %add3A_40, %mul3A_149 : vector<784x128xf32>
    %add3A_151 = arith.addf %mul3A_143, %mul3A_150 : vector<784x128xf32>
    %get3A_152 = arith.constant 3 : index
    %get3A_153 = memref.load %arg6[%get3A_152] : memref<16xf32, #tpu.memory_space<smem>>
    %add3A_154 = vector.broadcast %get3A_153 : f32 to vector<784x128xf32>
    %add3A_155 = arith.addf %add3A_151, %add3A_154 : vector<784x128xf32>
    %max3A_156 = arith.constant 0.000000e+00 : f32
    %max3A_157 = vector.broadcast %max3A_156 : f32 to vector<784x128xf32>
    %max3A_158 = arith.maximumf %add3A_155, %max3A_157 : vector<784x128xf32>
    %convert_element_type3A_159 = arith.truncf %max3A_158 : vector<784x128xf32> to vector<784x128xbf16>
    %convert_element_type3A_160 = arith.extf %convert_element_type3A_159 : vector<784x128xbf16> to vector<784x128xf32>
    %get3A_161 = arith.constant 3 : index
    %get3A_162 = arith.constant 0 : index
    %get3A_163 = memref.load %arg7[%get3A_161, %get3A_162] : memref<16x1xf32, #tpu.memory_space<smem>>
    %convert_element_type3A_164 = arith.truncf %get3A_163 : f32 to bf16
    %convert_element_type3A_165 = arith.extf %convert_element_type3A_164 : bf16 to f32
    %mul3A_166 = vector.broadcast %convert_element_type3A_165 : f32 to vector<784x128xf32>
    %mul3A_167 = arith.mulf %convert_element_type3A_160, %mul3A_166 : vector<784x128xf32>
    %add3A_168 = arith.addf %add3A_136, %mul3A_167 : vector<784x128xf32>
    %get3A_169 = arith.constant 0 : index
    %get3A_170 = arith.constant 4 : index
    %get3A_171 = memref.load %arg5[%get3A_169, %get3A_170] : memref<2x16xf32, #tpu.memory_space<smem>>
    %convert_element_type3A_172 = arith.truncf %get3A_171 : f32 to bf16
    %convert_element_type3A_173 = arith.extf %convert_element_type3A_172 : bf16 to f32
    %mul3A_174 = vector.broadcast %convert_element_type3A_173 : f32 to vector<784x128xf32>
    %mul3A_175 = arith.mulf %add3A_26, %mul3A_174 : vector<784x128xf32>
    %get3A_176 = arith.constant 1 : index
    %get3A_177 = arith.constant 4 : index
    %get3A_178 = memref.load %arg5[%get3A_176, %get3A_177] : memref<2x16xf32, #tpu.memory_space<smem>>
    %convert_element_type3A_179 = arith.truncf %get3A_178 : f32 to bf16
    %convert_element_type3A_180 = arith.extf %convert_element_type3A_179 : bf16 to f32
    %mul3A_181 = vector.broadcast %convert_element_type3A_180 : f32 to vector<784x128xf32>
    %mul3A_182 = arith.mulf %add3A_40, %mul3A_181 : vector<784x128xf32>
    %add3A_183 = arith.addf %mul3A_175, %mul3A_182 : vector<784x128xf32>
    %get3A_184 = arith.constant 4 : index
    %get3A_185 = memref.load %arg6[%get3A_184] : memref<16xf32, #tpu.memory_space<smem>>
    %add3A_186 = vector.broadcast %get3A_185 : f32 to vector<784x128xf32>
    %add3A_187 = arith.addf %add3A_183, %add3A_186 : vector<784x128xf32>
    %max3A_188 = arith.constant 0.000000e+00 : f32
    %max3A_189 = vector.broadcast %max3A_188 : f32 to vector<784x128xf32>
    %max3A_190 = arith.maximumf %add3A_187, %max3A_189 : vector<784x128xf32>
    %convert_element_type3A_191 = arith.truncf %max3A_190 : vector<784x128xf32> to vector<784x128xbf16>
    %convert_element_type3A_192 = arith.extf %convert_element_type3A_191 : vector<784x128xbf16> to vector<784x128xf32>
    %get3A_193 = arith.constant 4 : index
    %get3A_194 = arith.constant 0 : index
    %get3A_195 = memref.load %arg7[%get3A_193, %get3A_194] : memref<16x1xf32, #tpu.memory_space<smem>>
    %convert_element_type3A_196 = arith.truncf %get3A_195 : f32 to bf16
    %convert_element_type3A_197 = arith.extf %convert_element_type3A_196 : bf16 to f32
    %mul3A_198 = vector.broadcast %convert_element_type3A_197 : f32 to vector<784x128xf32>
    %mul3A_199 = arith.mulf %convert_element_type3A_192, %mul3A_198 : vector<784x128xf32>
    %add3A_200 = arith.addf %add3A_168, %mul3A_199 : vector<784x128xf32>
    %get3A_201 = arith.constant 0 : index
    %get3A_202 = arith.constant 5 : index
    %get3A_203 = memref.load %arg5[%get3A_201, %get3A_202] : memref<2x16xf32, #tpu.memory_space<smem>>
    %convert_element_type3A_204 = arith.truncf %get3A_203 : f32 to bf16
    %convert_element_type3A_205 = arith.extf %convert_element_type3A_204 : bf16 to f32
    %mul3A_206 = vector.broadcast %convert_element_type3A_205 : f32 to vector<784x128xf32>
    %mul3A_207 = arith.mulf %add3A_26, %mul3A_206 : vector<784x128xf32>
    %get3A_208 = arith.constant 1 : index
    %get3A_209 = arith.constant 5 : index
    %get3A_210 = memref.load %arg5[%get3A_208, %get3A_209] : memref<2x16xf32, #tpu.memory_space<smem>>
    %convert_element_type3A_211 = arith.truncf %get3A_210 : f32 to bf16
    %convert_element_type3A_212 = arith.extf %convert_element_type3A_211 : bf16 to f32
    %mul3A_213 = vector.broadcast %convert_element_type3A_212 : f32 to vector<784x128xf32>
    %mul3A_214 = arith.mulf %add3A_40, %mul3A_213 : vector<784x128xf32>
    %add3A_215 = arith.addf %mul3A_207, %mul3A_214 : vector<784x128xf32>
    %get3A_216 = arith.constant 5 : index
    %get3A_217 = memref.load %arg6[%get3A_216] : memref<16xf32, #tpu.memory_space<smem>>
    %add3A_218 = vector.broadcast %get3A_217 : f32 to vector<784x128xf32>
    %add3A_219 = arith.addf %add3A_215, %add3A_218 : vector<784x128xf32>
    %max3A_220 = arith.constant 0.000000e+00 : f32
    %max3A_221 = vector.broadcast %max3A_220 : f32 to vector<784x128xf32>
    %max3A_222 = arith.maximumf %add3A_219, %max3A_221 : vector<784x128xf32>
    %convert_element_type3A_223 = arith.truncf %max3A_222 : vector<784x128xf32> to vector<784x128xbf16>
    %convert_element_type3A_224 = arith.extf %convert_element_type3A_223 : vector<784x128xbf16> to vector<784x128xf32>
    %get3A_225 = arith.constant 5 : index
    %get3A_226 = arith.constant 0 : index
    %get3A_227 = memref.load %arg7[%get3A_225, %get3A_226] : memref<16x1xf32, #tpu.memory_space<smem>>
    %convert_element_type3A_228 = arith.truncf %get3A_227 : f32 to bf16
    %convert_element_type3A_229 = arith.extf %convert_element_type3A_228 : bf16 to f32
    %mul3A_230 = vector.broadcast %convert_element_type3A_229 : f32 to vector<784x128xf32>
    %mul3A_231 = arith.mulf %convert_element_type3A_224, %mul3A_230 : vector<784x128xf32>
    %add3A_232 = arith.addf %add3A_200, %mul3A_231 : vector<784x128xf32>
    %get3A_233 = arith.constant 0 : index
    %get3A_234 = arith.constant 6 : index
    %get3A_235 = memref.load %arg5[%get3A_233, %get3A_234] : memref<2x16xf32, #tpu.memory_space<smem>>
    %convert_element_type3A_236 = arith.truncf %get3A_235 : f32 to bf16
    %convert_element_type3A_237 = arith.extf %convert_element_type3A_236 : bf16 to f32
    %mul3A_238 = vector.broadcast %convert_element_type3A_237 : f32 to vector<784x128xf32>
    %mul3A_239 = arith.mulf %add3A_26, %mul3A_238 : vector<784x128xf32>
    %get3A_240 = arith.constant 1 : index
    %get3A_241 = arith.constant 6 : index
    %get3A_242 = memref.load %arg5[%get3A_240, %get3A_241] : memref<2x16xf32, #tpu.memory_space<smem>>
    %convert_element_type3A_243 = arith.truncf %get3A_242 : f32 to bf16
    %convert_element_type3A_244 = arith.extf %convert_element_type3A_243 : bf16 to f32
    %mul3A_245 = vector.broadcast %convert_element_type3A_244 : f32 to vector<784x128xf32>
    %mul3A_246 = arith.mulf %add3A_40, %mul3A_245 : vector<784x128xf32>
    %add3A_247 = arith.addf %mul3A_239, %mul3A_246 : vector<784x128xf32>
    %get3A_248 = arith.constant 6 : index
    %get3A_249 = memref.load %arg6[%get3A_248] : memref<16xf32, #tpu.memory_space<smem>>
    %add3A_250 = vector.broadcast %get3A_249 : f32 to vector<784x128xf32>
    %add3A_251 = arith.addf %add3A_247, %add3A_250 : vector<784x128xf32>
    %max3A_252 = arith.constant 0.000000e+00 : f32
    %max3A_253 = vector.broadcast %max3A_252 : f32 to vector<784x128xf32>
    %max3A_254 = arith.maximumf %add3A_251, %max3A_253 : vector<784x128xf32>
    %convert_element_type3A_255 = arith.truncf %max3A_254 : vector<784x128xf32> to vector<784x128xbf16>
    %convert_element_type3A_256 = arith.extf %convert_element_type3A_255 : vector<784x128xbf16> to vector<784x128xf32>
    %get3A_257 = arith.constant 6 : index
    %get3A_258 = arith.constant 0 : index
    %get3A_259 = memref.load %arg7[%get3A_257, %get3A_258] : memref<16x1xf32, #tpu.memory_space<smem>>
    %convert_element_type3A_260 = arith.truncf %get3A_259 : f32 to bf16
    %convert_element_type3A_261 = arith.extf %convert_element_type3A_260 : bf16 to f32
    %mul3A_262 = vector.broadcast %convert_element_type3A_261 : f32 to vector<784x128xf32>
    %mul3A_263 = arith.mulf %convert_element_type3A_256, %mul3A_262 : vector<784x128xf32>
    %add3A_264 = arith.addf %add3A_232, %mul3A_263 : vector<784x128xf32>
    %get3A_265 = arith.constant 0 : index
    %get3A_266 = arith.constant 7 : index
    %get3A_267 = memref.load %arg5[%get3A_265, %get3A_266] : memref<2x16xf32, #tpu.memory_space<smem>>
    %convert_element_type3A_268 = arith.truncf %get3A_267 : f32 to bf16
    %convert_element_type3A_269 = arith.extf %convert_element_type3A_268 : bf16 to f32
    %mul3A_270 = vector.broadcast %convert_element_type3A_269 : f32 to vector<784x128xf32>
    %mul3A_271 = arith.mulf %add3A_26, %mul3A_270 : vector<784x128xf32>
    %get3A_272 = arith.constant 1 : index
    %get3A_273 = arith.constant 7 : index
    %get3A_274 = memref.load %arg5[%get3A_272, %get3A_273] : memref<2x16xf32, #tpu.memory_space<smem>>
    %convert_element_type3A_275 = arith.truncf %get3A_274 : f32 to bf16
    %convert_element_type3A_276 = arith.extf %convert_element_type3A_275 : bf16 to f32
    %mul3A_277 = vector.broadcast %convert_element_type3A_276 : f32 to vector<784x128xf32>
    %mul3A_278 = arith.mulf %add3A_40, %mul3A_277 : vector<784x128xf32>
    %add3A_279 = arith.addf %mul3A_271, %mul3A_278 : vector<784x128xf32>
    %get3A_280 = arith.constant 7 : index
    %get3A_281 = memref.load %arg6[%get3A_280] : memref<16xf32, #tpu.memory_space<smem>>
    %add3A_282 = vector.broadcast %get3A_281 : f32 to vector<784x128xf32>
    %add3A_283 = arith.addf %add3A_279, %add3A_282 : vector<784x128xf32>
    %max3A_284 = arith.constant 0.000000e+00 : f32
    %max3A_285 = vector.broadcast %max3A_284 : f32 to vector<784x128xf32>
    %max3A_286 = arith.maximumf %add3A_283, %max3A_285 : vector<784x128xf32>
    %convert_element_type3A_287 = arith.truncf %max3A_286 : vector<784x128xf32> to vector<784x128xbf16>
    %convert_element_type3A_288 = arith.extf %convert_element_type3A_287 : vector<784x128xbf16> to vector<784x128xf32>
    %get3A_289 = arith.constant 7 : index
    %get3A_290 = arith.constant 0 : index
    %get3A_291 = memref.load %arg7[%get3A_289, %get3A_290] : memref<16x1xf32, #tpu.memory_space<smem>>
    %convert_element_type3A_292 = arith.truncf %get3A_291 : f32 to bf16
    %convert_element_type3A_293 = arith.extf %convert_element_type3A_292 : bf16 to f32
    %mul3A_294 = vector.broadcast %convert_element_type3A_293 : f32 to vector<784x128xf32>
    %mul3A_295 = arith.mulf %convert_element_type3A_288, %mul3A_294 : vector<784x128xf32>
    %add3A_296 = arith.addf %add3A_264, %mul3A_295 : vector<784x128xf32>
    %get3A_297 = arith.constant 0 : index
    %get3A_298 = arith.constant 8 : index
    %get3A_299 = memref.load %arg5[%get3A_297, %get3A_298] : memref<2x16xf32, #tpu.memory_space<smem>>
    %convert_element_type3A_300 = arith.truncf %get3A_299 : f32 to bf16
    %convert_element_type3A_301 = arith.extf %convert_element_type3A_300 : bf16 to f32
    %mul3A_302 = vector.broadcast %convert_element_type3A_301 : f32 to vector<784x128xf32>
    %mul3A_303 = arith.mulf %add3A_26, %mul3A_302 : vector<784x128xf32>
    %get3A_304 = arith.constant 1 : index
    %get3A_305 = arith.constant 8 : index
    %get3A_306 = memref.load %arg5[%get3A_304, %get3A_305] : memref<2x16xf32, #tpu.memory_space<smem>>
    %convert_element_type3A_307 = arith.truncf %get3A_306 : f32 to bf16
    %convert_element_type3A_308 = arith.extf %convert_element_type3A_307 : bf16 to f32
    %mul3A_309 = vector.broadcast %convert_element_type3A_308 : f32 to vector<784x128xf32>
    %mul3A_310 = arith.mulf %add3A_40, %mul3A_309 : vector<784x128xf32>
    %add3A_311 = arith.addf %mul3A_303, %mul3A_310 : vector<784x128xf32>
    %get3A_312 = arith.constant 8 : index
    %get3A_313 = memref.load %arg6[%get3A_312] : memref<16xf32, #tpu.memory_space<smem>>
    %add3A_314 = vector.broadcast %get3A_313 : f32 to vector<784x128xf32>
    %add3A_315 = arith.addf %add3A_311, %add3A_314 : vector<784x128xf32>
    %max3A_316 = arith.constant 0.000000e+00 : f32
    %max3A_317 = vector.broadcast %max3A_316 : f32 to vector<784x128xf32>
    %max3A_318 = arith.maximumf %add3A_315, %max3A_317 : vector<784x128xf32>
    %convert_element_type3A_319 = arith.truncf %max3A_318 : vector<784x128xf32> to vector<784x128xbf16>
    %convert_element_type3A_320 = arith.extf %convert_element_type3A_319 : vector<784x128xbf16> to vector<784x128xf32>
    %get3A_321 = arith.constant 8 : index
    %get3A_322 = arith.constant 0 : index
    %get3A_323 = memref.load %arg7[%get3A_321, %get3A_322] : memref<16x1xf32, #tpu.memory_space<smem>>
    %convert_element_type3A_324 = arith.truncf %get3A_323 : f32 to bf16
    %convert_element_type3A_325 = arith.extf %convert_element_type3A_324 : bf16 to f32
    %mul3A_326 = vector.broadcast %convert_element_type3A_325 : f32 to vector<784x128xf32>
    %mul3A_327 = arith.mulf %convert_element_type3A_320, %mul3A_326 : vector<784x128xf32>
    %add3A_328 = arith.addf %add3A_296, %mul3A_327 : vector<784x128xf32>
    %get3A_329 = arith.constant 0 : index
    %get3A_330 = arith.constant 9 : index
    %get3A_331 = memref.load %arg5[%get3A_329, %get3A_330] : memref<2x16xf32, #tpu.memory_space<smem>>
    %convert_element_type3A_332 = arith.truncf %get3A_331 : f32 to bf16
    %convert_element_type3A_333 = arith.extf %convert_element_type3A_332 : bf16 to f32
    %mul3A_334 = vector.broadcast %convert_element_type3A_333 : f32 to vector<784x128xf32>
    %mul3A_335 = arith.mulf %add3A_26, %mul3A_334 : vector<784x128xf32>
    %get3A_336 = arith.constant 1 : index
    %get3A_337 = arith.constant 9 : index
    %get3A_338 = memref.load %arg5[%get3A_336, %get3A_337] : memref<2x16xf32, #tpu.memory_space<smem>>
    %convert_element_type3A_339 = arith.truncf %get3A_338 : f32 to bf16
    %convert_element_type3A_340 = arith.extf %convert_element_type3A_339 : bf16 to f32
    %mul3A_341 = vector.broadcast %convert_element_type3A_340 : f32 to vector<784x128xf32>
    %mul3A_342 = arith.mulf %add3A_40, %mul3A_341 : vector<784x128xf32>
    %add3A_343 = arith.addf %mul3A_335, %mul3A_342 : vector<784x128xf32>
    %get3A_344 = arith.constant 9 : index
    %get3A_345 = memref.load %arg6[%get3A_344] : memref<16xf32, #tpu.memory_space<smem>>
    %add3A_346 = vector.broadcast %get3A_345 : f32 to vector<784x128xf32>
    %add3A_347 = arith.addf %add3A_343, %add3A_346 : vector<784x128xf32>
    %max3A_348 = arith.constant 0.000000e+00 : f32
    %max3A_349 = vector.broadcast %max3A_348 : f32 to vector<784x128xf32>
    %max3A_350 = arith.maximumf %add3A_347, %max3A_349 : vector<784x128xf32>
    %convert_element_type3A_351 = arith.truncf %max3A_350 : vector<784x128xf32> to vector<784x128xbf16>
    %convert_element_type3A_352 = arith.extf %convert_element_type3A_351 : vector<784x128xbf16> to vector<784x128xf32>
    %get3A_353 = arith.constant 9 : index
    %get3A_354 = arith.constant 0 : index
    %get3A_355 = memref.load %arg7[%get3A_353, %get3A_354] : memref<16x1xf32, #tpu.memory_space<smem>>
    %convert_element_type3A_356 = arith.truncf %get3A_355 : f32 to bf16
    %convert_element_type3A_357 = arith.extf %convert_element_type3A_356 : bf16 to f32
    %mul3A_358 = vector.broadcast %convert_element_type3A_357 : f32 to vector<784x128xf32>
    %mul3A_359 = arith.mulf %convert_element_type3A_352, %mul3A_358 : vector<784x128xf32>
    %add3A_360 = arith.addf %add3A_328, %mul3A_359 : vector<784x128xf32>
    %get3A_361 = arith.constant 0 : index
    %get3A_362 = arith.constant 10 : index
    %get3A_363 = memref.load %arg5[%get3A_361, %get3A_362] : memref<2x16xf32, #tpu.memory_space<smem>>
    %convert_element_type3A_364 = arith.truncf %get3A_363 : f32 to bf16
    %convert_element_type3A_365 = arith.extf %convert_element_type3A_364 : bf16 to f32
    %mul3A_366 = vector.broadcast %convert_element_type3A_365 : f32 to vector<784x128xf32>
    %mul3A_367 = arith.mulf %add3A_26, %mul3A_366 : vector<784x128xf32>
    %get3A_368 = arith.constant 1 : index
    %get3A_369 = arith.constant 10 : index
    %get3A_370 = memref.load %arg5[%get3A_368, %get3A_369] : memref<2x16xf32, #tpu.memory_space<smem>>
    %convert_element_type3A_371 = arith.truncf %get3A_370 : f32 to bf16
    %convert_element_type3A_372 = arith.extf %convert_element_type3A_371 : bf16 to f32
    %mul3A_373 = vector.broadcast %convert_element_type3A_372 : f32 to vector<784x128xf32>
    %mul3A_374 = arith.mulf %add3A_40, %mul3A_373 : vector<784x128xf32>
    %add3A_375 = arith.addf %mul3A_367, %mul3A_374 : vector<784x128xf32>
    %get3A_376 = arith.constant 10 : index
    %get3A_377 = memref.load %arg6[%get3A_376] : memref<16xf32, #tpu.memory_space<smem>>
    %add3A_378 = vector.broadcast %get3A_377 : f32 to vector<784x128xf32>
    %add3A_379 = arith.addf %add3A_375, %add3A_378 : vector<784x128xf32>
    %max3A_380 = arith.constant 0.000000e+00 : f32
    %max3A_381 = vector.broadcast %max3A_380 : f32 to vector<784x128xf32>
    %max3A_382 = arith.maximumf %add3A_379, %max3A_381 : vector<784x128xf32>
    %convert_element_type3A_383 = arith.truncf %max3A_382 : vector<784x128xf32> to vector<784x128xbf16>
    %convert_element_type3A_384 = arith.extf %convert_element_type3A_383 : vector<784x128xbf16> to vector<784x128xf32>
    %get3A_385 = arith.constant 10 : index
    %get3A_386 = arith.constant 0 : index
    %get3A_387 = memref.load %arg7[%get3A_385, %get3A_386] : memref<16x1xf32, #tpu.memory_space<smem>>
    %convert_element_type3A_388 = arith.truncf %get3A_387 : f32 to bf16
    %convert_element_type3A_389 = arith.extf %convert_element_type3A_388 : bf16 to f32
    %mul3A_390 = vector.broadcast %convert_element_type3A_389 : f32 to vector<784x128xf32>
    %mul3A_391 = arith.mulf %convert_element_type3A_384, %mul3A_390 : vector<784x128xf32>
    %add3A_392 = arith.addf %add3A_360, %mul3A_391 : vector<784x128xf32>
    %get3A_393 = arith.constant 0 : index
    %get3A_394 = arith.constant 11 : index
    %get3A_395 = memref.load %arg5[%get3A_393, %get3A_394] : memref<2x16xf32, #tpu.memory_space<smem>>
    %convert_element_type3A_396 = arith.truncf %get3A_395 : f32 to bf16
    %convert_element_type3A_397 = arith.extf %convert_element_type3A_396 : bf16 to f32
    %mul3A_398 = vector.broadcast %convert_element_type3A_397 : f32 to vector<784x128xf32>
    %mul3A_399 = arith.mulf %add3A_26, %mul3A_398 : vector<784x128xf32>
    %get3A_400 = arith.constant 1 : index
    %get3A_401 = arith.constant 11 : index
    %get3A_402 = memref.load %arg5[%get3A_400, %get3A_401] : memref<2x16xf32, #tpu.memory_space<smem>>
    %convert_element_type3A_403 = arith.truncf %get3A_402 : f32 to bf16
    %convert_element_type3A_404 = arith.extf %convert_element_type3A_403 : bf16 to f32
    %mul3A_405 = vector.broadcast %convert_element_type3A_404 : f32 to vector<784x128xf32>
    %mul3A_406 = arith.mulf %add3A_40, %mul3A_405 : vector<784x128xf32>
    %add3A_407 = arith.addf %mul3A_399, %mul3A_406 : vector<784x128xf32>
    %get3A_408 = arith.constant 11 : index
    %get3A_409 = memref.load %arg6[%get3A_408] : memref<16xf32, #tpu.memory_space<smem>>
    %add3A_410 = vector.broadcast %get3A_409 : f32 to vector<784x128xf32>
    %add3A_411 = arith.addf %add3A_407, %add3A_410 : vector<784x128xf32>
    %max3A_412 = arith.constant 0.000000e+00 : f32
    %max3A_413 = vector.broadcast %max3A_412 : f32 to vector<784x128xf32>
    %max3A_414 = arith.maximumf %add3A_411, %max3A_413 : vector<784x128xf32>
    %convert_element_type3A_415 = arith.truncf %max3A_414 : vector<784x128xf32> to vector<784x128xbf16>
    %convert_element_type3A_416 = arith.extf %convert_element_type3A_415 : vector<784x128xbf16> to vector<784x128xf32>
    %get3A_417 = arith.constant 11 : index
    %get3A_418 = arith.constant 0 : index
    %get3A_419 = memref.load %arg7[%get3A_417, %get3A_418] : memref<16x1xf32, #tpu.memory_space<smem>>
    %convert_element_type3A_420 = arith.truncf %get3A_419 : f32 to bf16
    %convert_element_type3A_421 = arith.extf %convert_element_type3A_420 : bf16 to f32
    %mul3A_422 = vector.broadcast %convert_element_type3A_421 : f32 to vector<784x128xf32>
    %mul3A_423 = arith.mulf %convert_element_type3A_416, %mul3A_422 : vector<784x128xf32>
    %add3A_424 = arith.addf %add3A_392, %mul3A_423 : vector<784x128xf32>
    %get3A_425 = arith.constant 0 : index
    %get3A_426 = arith.constant 12 : index
    %get3A_427 = memref.load %arg5[%get3A_425, %get3A_426] : memref<2x16xf32, #tpu.memory_space<smem>>
    %convert_element_type3A_428 = arith.truncf %get3A_427 : f32 to bf16
    %convert_element_type3A_429 = arith.extf %convert_element_type3A_428 : bf16 to f32
    %mul3A_430 = vector.broadcast %convert_element_type3A_429 : f32 to vector<784x128xf32>
    %mul3A_431 = arith.mulf %add3A_26, %mul3A_430 : vector<784x128xf32>
    %get3A_432 = arith.constant 1 : index
    %get3A_433 = arith.constant 12 : index
    %get3A_434 = memref.load %arg5[%get3A_432, %get3A_433] : memref<2x16xf32, #tpu.memory_space<smem>>
    %convert_element_type3A_435 = arith.truncf %get3A_434 : f32 to bf16
    %convert_element_type3A_436 = arith.extf %convert_element_type3A_435 : bf16 to f32
    %mul3A_437 = vector.broadcast %convert_element_type3A_436 : f32 to vector<784x128xf32>
    %mul3A_438 = arith.mulf %add3A_40, %mul3A_437 : vector<784x128xf32>
    %add3A_439 = arith.addf %mul3A_431, %mul3A_438 : vector<784x128xf32>
    %get3A_440 = arith.constant 12 : index
    %get3A_441 = memref.load %arg6[%get3A_440] : memref<16xf32, #tpu.memory_space<smem>>
    %add3A_442 = vector.broadcast %get3A_441 : f32 to vector<784x128xf32>
    %add3A_443 = arith.addf %add3A_439, %add3A_442 : vector<784x128xf32>
    %max3A_444 = arith.constant 0.000000e+00 : f32
    %max3A_445 = vector.broadcast %max3A_444 : f32 to vector<784x128xf32>
    %max3A_446 = arith.maximumf %add3A_443, %max3A_445 : vector<784x128xf32>
    %convert_element_type3A_447 = arith.truncf %max3A_446 : vector<784x128xf32> to vector<784x128xbf16>
    %convert_element_type3A_448 = arith.extf %convert_element_type3A_447 : vector<784x128xbf16> to vector<784x128xf32>
    %get3A_449 = arith.constant 12 : index
    %get3A_450 = arith.constant 0 : index
    %get3A_451 = memref.load %arg7[%get3A_449, %get3A_450] : memref<16x1xf32, #tpu.memory_space<smem>>
    %convert_element_type3A_452 = arith.truncf %get3A_451 : f32 to bf16
    %convert_element_type3A_453 = arith.extf %convert_element_type3A_452 : bf16 to f32
    %mul3A_454 = vector.broadcast %convert_element_type3A_453 : f32 to vector<784x128xf32>
    %mul3A_455 = arith.mulf %convert_element_type3A_448, %mul3A_454 : vector<784x128xf32>
    %add3A_456 = arith.addf %add3A_424, %mul3A_455 : vector<784x128xf32>
    %get3A_457 = arith.constant 0 : index
    %get3A_458 = arith.constant 13 : index
    %get3A_459 = memref.load %arg5[%get3A_457, %get3A_458] : memref<2x16xf32, #tpu.memory_space<smem>>
    %convert_element_type3A_460 = arith.truncf %get3A_459 : f32 to bf16
    %convert_element_type3A_461 = arith.extf %convert_element_type3A_460 : bf16 to f32
    %mul3A_462 = vector.broadcast %convert_element_type3A_461 : f32 to vector<784x128xf32>
    %mul3A_463 = arith.mulf %add3A_26, %mul3A_462 : vector<784x128xf32>
    %get3A_464 = arith.constant 1 : index
    %get3A_465 = arith.constant 13 : index
    %get3A_466 = memref.load %arg5[%get3A_464, %get3A_465] : memref<2x16xf32, #tpu.memory_space<smem>>
    %convert_element_type3A_467 = arith.truncf %get3A_466 : f32 to bf16
    %convert_element_type3A_468 = arith.extf %convert_element_type3A_467 : bf16 to f32
    %mul3A_469 = vector.broadcast %convert_element_type3A_468 : f32 to vector<784x128xf32>
    %mul3A_470 = arith.mulf %add3A_40, %mul3A_469 : vector<784x128xf32>
    %add3A_471 = arith.addf %mul3A_463, %mul3A_470 : vector<784x128xf32>
    %get3A_472 = arith.constant 13 : index
    %get3A_473 = memref.load %arg6[%get3A_472] : memref<16xf32, #tpu.memory_space<smem>>
    %add3A_474 = vector.broadcast %get3A_473 : f32 to vector<784x128xf32>
    %add3A_475 = arith.addf %add3A_471, %add3A_474 : vector<784x128xf32>
    %max3A_476 = arith.constant 0.000000e+00 : f32
    %max3A_477 = vector.broadcast %max3A_476 : f32 to vector<784x128xf32>
    %max3A_478 = arith.maximumf %add3A_475, %max3A_477 : vector<784x128xf32>
    %convert_element_type3A_479 = arith.truncf %max3A_478 : vector<784x128xf32> to vector<784x128xbf16>
    %convert_element_type3A_480 = arith.extf %convert_element_type3A_479 : vector<784x128xbf16> to vector<784x128xf32>
    %get3A_481 = arith.constant 13 : index
    %get3A_482 = arith.constant 0 : index
    %get3A_483 = memref.load %arg7[%get3A_481, %get3A_482] : memref<16x1xf32, #tpu.memory_space<smem>>
    %convert_element_type3A_484 = arith.truncf %get3A_483 : f32 to bf16
    %convert_element_type3A_485 = arith.extf %convert_element_type3A_484 : bf16 to f32
    %mul3A_486 = vector.broadcast %convert_element_type3A_485 : f32 to vector<784x128xf32>
    %mul3A_487 = arith.mulf %convert_element_type3A_480, %mul3A_486 : vector<784x128xf32>
    %add3A_488 = arith.addf %add3A_456, %mul3A_487 : vector<784x128xf32>
    %get3A_489 = arith.constant 0 : index
    %get3A_490 = arith.constant 14 : index
    %get3A_491 = memref.load %arg5[%get3A_489, %get3A_490] : memref<2x16xf32, #tpu.memory_space<smem>>
    %convert_element_type3A_492 = arith.truncf %get3A_491 : f32 to bf16
    %convert_element_type3A_493 = arith.extf %convert_element_type3A_492 : bf16 to f32
    %mul3A_494 = vector.broadcast %convert_element_type3A_493 : f32 to vector<784x128xf32>
    %mul3A_495 = arith.mulf %add3A_26, %mul3A_494 : vector<784x128xf32>
    %get3A_496 = arith.constant 1 : index
    %get3A_497 = arith.constant 14 : index
    %get3A_498 = memref.load %arg5[%get3A_496, %get3A_497] : memref<2x16xf32, #tpu.memory_space<smem>>
    %convert_element_type3A_499 = arith.truncf %get3A_498 : f32 to bf16
    %convert_element_type3A_500 = arith.extf %convert_element_type3A_499 : bf16 to f32
    %mul3A_501 = vector.broadcast %convert_element_type3A_500 : f32 to vector<784x128xf32>
    %mul3A_502 = arith.mulf %add3A_40, %mul3A_501 : vector<784x128xf32>
    %add3A_503 = arith.addf %mul3A_495, %mul3A_502 : vector<784x128xf32>
    %get3A_504 = arith.constant 14 : index
    %get3A_505 = memref.load %arg6[%get3A_504] : memref<16xf32, #tpu.memory_space<smem>>
    %add3A_506 = vector.broadcast %get3A_505 : f32 to vector<784x128xf32>
    %add3A_507 = arith.addf %add3A_503, %add3A_506 : vector<784x128xf32>
    %max3A_508 = arith.constant 0.000000e+00 : f32
    %max3A_509 = vector.broadcast %max3A_508 : f32 to vector<784x128xf32>
    %max3A_510 = arith.maximumf %add3A_507, %max3A_509 : vector<784x128xf32>
    %convert_element_type3A_511 = arith.truncf %max3A_510 : vector<784x128xf32> to vector<784x128xbf16>
    %convert_element_type3A_512 = arith.extf %convert_element_type3A_511 : vector<784x128xbf16> to vector<784x128xf32>
    %get3A_513 = arith.constant 14 : index
    %get3A_514 = arith.constant 0 : index
    %get3A_515 = memref.load %arg7[%get3A_513, %get3A_514] : memref<16x1xf32, #tpu.memory_space<smem>>
    %convert_element_type3A_516 = arith.truncf %get3A_515 : f32 to bf16
    %convert_element_type3A_517 = arith.extf %convert_element_type3A_516 : bf16 to f32
    %mul3A_518 = vector.broadcast %convert_element_type3A_517 : f32 to vector<784x128xf32>
    %mul3A_519 = arith.mulf %convert_element_type3A_512, %mul3A_518 : vector<784x128xf32>
    %add3A_520 = arith.addf %add3A_488, %mul3A_519 : vector<784x128xf32>
    %get3A_521 = arith.constant 0 : index
    %get3A_522 = arith.constant 15 : index
    %get3A_523 = memref.load %arg5[%get3A_521, %get3A_522] : memref<2x16xf32, #tpu.memory_space<smem>>
    %convert_element_type3A_524 = arith.truncf %get3A_523 : f32 to bf16
    %convert_element_type3A_525 = arith.extf %convert_element_type3A_524 : bf16 to f32
    %mul3A_526 = vector.broadcast %convert_element_type3A_525 : f32 to vector<784x128xf32>
    %mul3A_527 = arith.mulf %add3A_26, %mul3A_526 : vector<784x128xf32>
    %get3A_528 = arith.constant 1 : index
    %get3A_529 = arith.constant 15 : index
    %get3A_530 = memref.load %arg5[%get3A_528, %get3A_529] : memref<2x16xf32, #tpu.memory_space<smem>>
    %convert_element_type3A_531 = arith.truncf %get3A_530 : f32 to bf16
    %convert_element_type3A_532 = arith.extf %convert_element_type3A_531 : bf16 to f32
    %mul3A_533 = vector.broadcast %convert_element_type3A_532 : f32 to vector<784x128xf32>
    %mul3A_534 = arith.mulf %add3A_40, %mul3A_533 : vector<784x128xf32>
    %add3A_535 = arith.addf %mul3A_527, %mul3A_534 : vector<784x128xf32>
    %get3A_536 = arith.constant 15 : index
    %get3A_537 = memref.load %arg6[%get3A_536] : memref<16xf32, #tpu.memory_space<smem>>
    %add3A_538 = vector.broadcast %get3A_537 : f32 to vector<784x128xf32>
    %add3A_539 = arith.addf %add3A_535, %add3A_538 : vector<784x128xf32>
    %max3A_540 = arith.constant 0.000000e+00 : f32
    %max3A_541 = vector.broadcast %max3A_540 : f32 to vector<784x128xf32>
    %max3A_542 = arith.maximumf %add3A_539, %max3A_541 : vector<784x128xf32>
    %convert_element_type3A_543 = arith.truncf %max3A_542 : vector<784x128xf32> to vector<784x128xbf16>
    %convert_element_type3A_544 = arith.extf %convert_element_type3A_543 : vector<784x128xbf16> to vector<784x128xf32>
    %get3A_545 = arith.constant 15 : index
    %get3A_546 = arith.constant 0 : index
    %get3A_547 = memref.load %arg7[%get3A_545, %get3A_546] : memref<16x1xf32, #tpu.memory_space<smem>>
    %convert_element_type3A_548 = arith.truncf %get3A_547 : f32 to bf16
    %convert_element_type3A_549 = arith.extf %convert_element_type3A_548 : bf16 to f32
    %mul3A_550 = vector.broadcast %convert_element_type3A_549 : f32 to vector<784x128xf32>
    %mul3A_551 = arith.mulf %convert_element_type3A_544, %mul3A_550 : vector<784x128xf32>
    %add3A_552 = arith.addf %add3A_520, %mul3A_551 : vector<784x128xf32>
    %swap3A = arith.constant 0 : index
    %swap3A_553 = arith.constant 0 : index
    %swap3A_554 = vector.load %arg8[%swap3A, %swap3A_553] : memref<784x128xf32, #tpu.memory_space<vmem>>, vector<784x128xf32>
    tpu.vector_store %arg8[%swap3A, %swap3A_553], %add3A_552 {strides = array<i32>} : memref<784x128xf32, #tpu.memory_space<vmem>>, vector<784x128xf32>,
    %mul3A_555 = arith.mulf %get3A_1, %add3A_552 : vector<784x128xf32>
    %swap3A_556 = arith.constant 0 : index
    %swap3A_557 = arith.constant 0 : index
    %swap3A_558 = vector.load %arg9[%swap3A_556, %swap3A_557] : memref<784x128xf32, #tpu.memory_space<vmem>>, vector<784x128xf32>
    tpu.vector_store %arg9[%swap3A_556, %swap3A_557], %mul3A_555 {strides = array<i32>} : memref<784x128xf32, #tpu.memory_space<vmem>>, vector<784x128xf32>,
    return
  }
}

module attributes {stable_mosaic.version = 14 : i64} {
  func.func @_tc3_body(%arg0: memref<784x128xf32, #tpu.memory_space<vmem>>, %arg1: memref<784x128xf32, #tpu.memory_space<vmem>>, %arg2: memref<2x784x128xf32, #tpu.memory_space<vmem>>, %arg3: memref<1xf32, #tpu.memory_space<smem>>, %arg4: memref<784x128xf32, #tpu.memory_space<vmem>>) attributes {dimension_semantics = [], scalar_prefetch = 0 : i64, scratch_operands = 0 : i64, tpu.core_type = #tpu.core_type<tc>} {
    %get3A = arith.constant 0 : index
    %get3A_0 = arith.constant 0 : index
    %get3A_1 = vector.load %arg0[%get3A, %get3A_0] : memref<784x128xf32, #tpu.memory_space<vmem>>, vector<784x128xf32>
    %get3A_2 = arith.constant 0 : index
    %get3A_3 = arith.constant 0 : index
    %get3A_4 = arith.constant 0 : index
    %get3A_5 = vector.load %arg2[%get3A_2, %get3A_3, %get3A_4] : memref<2x784x128xf32, #tpu.memory_space<vmem>>, vector<1x784x128xf32>
    %get3A_6 = vector.shape_cast %get3A_5 : vector<1x784x128xf32> to vector<784x128xf32>
    %get3A_7 = arith.constant 1 : index
    %get3A_8 = arith.constant 0 : index
    %get3A_9 = arith.constant 0 : index
    %get3A_10 = vector.load %arg2[%get3A_7, %get3A_8, %get3A_9] : memref<2x784x128xf32, #tpu.memory_space<vmem>>, vector<1x784x128xf32>
    %get3A_11 = vector.shape_cast %get3A_10 : vector<1x784x128xf32> to vector<784x128xf32>
    %add3A = arith.addf %get3A_6, %get3A_11 : vector<784x128xf32>
    %mul3A = arith.mulf %get3A_1, %add3A : vector<784x128xf32>
    %mul3A_12 = arith.mulf %get3A_1, %get3A_1 : vector<784x128xf32>
    %get3A_13 = arith.constant 0 : index
    %get3A_14 = arith.constant 0 : index
    %get3A_15 = vector.load %arg1[%get3A_13, %get3A_14] : memref<784x128xf32, #tpu.memory_space<vmem>>, vector<784x128xf32>
    %mul3A_16 = arith.mulf %mul3A_12, %get3A_15 : vector<784x128xf32>
    %add3A_17 = arith.addf %mul3A, %mul3A_16 : vector<784x128xf32>
    %get3A_18 = arith.constant 0 : index
    %get3A_19 = memref.load %arg3[%get3A_18] : memref<1xf32, #tpu.memory_space<smem>>
    %add3A_20 = vector.broadcast %get3A_19 : f32 to vector<784x128xf32>
    %add3A_21 = arith.addf %add3A_17, %add3A_20 : vector<784x128xf32>
    %swap3A = arith.constant 0 : index
    %swap3A_22 = arith.constant 0 : index
    %swap3A_23 = vector.load %arg4[%swap3A, %swap3A_22] : memref<784x128xf32, #tpu.memory_space<vmem>>, vector<784x128xf32>
    tpu.vector_store %arg4[%swap3A, %swap3A_22], %add3A_21 {strides = array<i32>} : memref<784x128xf32, #tpu.memory_space<vmem>>, vector<784x128xf32>,
    return
  }
}

</mosaic_0001>

<sc_bundles>
// kernel: kernel.11.cloned.1.call-start
scs
__scs_entry_jumppad:
0x0: {  	(pc) =	sbr.rel $0x88, $3  }
0x1: {  	(tag) =	ssettag $0x0;
	lr =	simm.s32 $0x1  }
0x2: {  	[smem:$0x3F9B] =	sst lr;
	_ =	strace $0xD0000000  }
0x3: {  	_ = 	snop  }
0x4: {  	_ = 	snop  }
0x5: {  	_ = 	snop  }
0x6: {  	_ = 	snop  }
0x7: {  	_ = 	snop  }
__scs_overlays_trampoline_lowered:
0x8: {  	[smem:$0x3FAA] =	sst s0  }
0x9: {  	[smem:$0x3FAB] =	sst s1  }
0xa: {  	[smem:$0x3FAC] =	sst s2  }
0xb: {  	[smem:$0x3FAD] =	sst s3  }
0xc: {  	[smem:$0x3FAE] =	sst s4  }
0xd: {  	[smem:$0x3FAF] =	sst s5  }
0xe: {  	[smem:$0x3FB0] =	sst s6  }
0xf: {  	[smem:$0x3FB1] =	sst s7  }
0x10: {  	[smem:$0x3FB2] =	sst s8  }
0x11: {  	[smem:$0x3FB3] =	sst s9;
	s0 =	simm.s32 @!p0 $0x0  }
0x12: {  	s1 =	sld [smem:$0x3F99];
	s0 =	simm.s32 @p0 $0x1  }
0x13: {  	[smem:$0x3FB4] =	sst s0;
	s0 =	simm.s32 @!p1 $0x0  }
0x14: {  	s2 =	sld [smem:$0x3F98];
	s0 =	simm.s32 @p1 $0x1  }
0x15: {  	[smem:$0x3FB5] =	sst s0;
	s0 =	simm.s32 @!p2 $0x0  }
0x16: {  	s3 =	sld [smem:$0x3FDB];
	s0 =	simm.s32 @p2 $0x1  }
0x17: {  	s4 =	simm.s32 $0x1BF5;
	[smem:$0x3FB7] =	sst s0  }
0x18: {  	s0 =	sld [smem:$0x3F9A];
	_ =	swait.ge [sflag:s4], $0x0  }
0x19: {  	s7 =	sld [smem:$0x3F9B]  }
0x1a: {  	s8 =	sadd.s32 $0xFFFFE003, lr  }
0x1b: {  	s9 =	sadd.s32 $0xFFFFFEF7, lr;
	s5 =	simm.s32 $0xFFFFFFFF;
	p2 =	slt.u32 s8, $0xFFFFF086  }
0x1c: {  	p1 =	slt.u32 s9, $0xF7A;
	s5 =	simm.s32 @!p2 $0x0  }
0x1d: {  	s5 =	simm.s32 @p1 $0x1;
	p0 =	seq.s32 s7, s2  }
0x1e: {  	s7 =	smul.u32 @!p0 $0xF7A, s2;
	p2 =	seq.s32 @!p0 s5, $0x0  }
0x1f: {  	s9 =	smul.u32 $0xF7A, s1;
	s8 =	simm.s32 @!p0 $0x1BF5;
	p2 =	por !p2, p0  }
0x20: {  	[sflag:s8] =	ssyncset.s32 @!p0 $0xFFFFF086;
	s6 =	sadd.s32 @!p0 s3, s7;
	s7 =	simm.s32 @!p0 $0x108  }
0x21: {  	s3 =	sadd.s32 s3, s9;
	s6 =	sadd.s32 @!p0 $0x88, s6;
	s7 =	simm.s32 @p2 $0x1082  }
0x22: {  	[simem:s7], [sflag:s8] =	dma.local @!p0 [hbm:s6], $0xF7A  }
0x23: {  	s9 =	sor.u32 $0xD0000000, s2;
	s6 =	simm.s32 $0x108;
	_ =	swait.ge @!p0 [sflag:s8], $0x0  }
0x24: {  	s3 =	sadd.s32 $0x88, s3;
	s6 =	simm.s32 @!p1 $0x1082;
	[sflag:s4] =	ssyncset.s32 $0xFFFFF086  }
0x25: {  	[simem:s6], [sflag:s4] =	dma.local [hbm:s3], $0xF7A  }
0x26: {  	[smem:$0x3F9B] =	sst s1;
	(tag) =	ssettag s2;
	_ =	strace s9  }
0x27: {  	s1 =	sld [smem:$0x3FAB]  }
0x28: {  	s2 =	sld [smem:$0x3FAC]  }
0x29: {  	s4 =	sld [smem:$0x3FAE]  }
0x2a: {  	p0 =	seq.s32 s5, $0x0;
	s5 =	sld [smem:$0x3FAF]  }
0x2b: {  	s6 =	sld [smem:$0x3FB0]  }
0x2c: {  	s7 =	sld [smem:$0x3FB1]  }
0x2d: {  	s3 =	simm.s32 $0x108;
	s8 =	sld [smem:$0x3FB2]  }
0x2e: {  	s3 =	simm.s32 @!p0 $0x1082;
	s9 =	sld [smem:$0x3FB3]  }
0x2f: {  	lr =	sadd.s32 s0, s3;
	s0 =	sld [smem:$0x3FAA]  }
0x30: {  	s3 =	sld [smem:$0x3FAD]  }
0x31: {  	[smem:$0x3FB6] =	sst s10  }
0x32: {  	s10 =	sld [smem:$0x3FB4];
	_ =	sdelay $0x3  }
0x33: {  	p0 =	seq.s32 s10, $0x1;
	s10 =	sld [smem:$0x3FB6];
	_ =	sdelay $0x3  }
0x34: {  	[smem:$0x3FB6] =	sst s10  }
0x35: {  	s10 =	sld [smem:$0x3FB5];
	_ =	sdelay $0x3  }
0x36: {  	p1 =	seq.s32 s10, $0x1;
	s10 =	sld [smem:$0x3FB6];
	_ =	sdelay $0x3  }
0x37: {  	[smem:$0x3FB6] =	sst s10  }
0x38: {  	s10 =	sld [smem:$0x3FB7]  }
0x39: {  	_ = 	snop;
	(pc) =	sbr.ind lr, $3  }
0x3a: {  	_ = 	snop  }
0x3b: {  	_ = 	snop  }
0x3c: {  	p2 =	seq.s32 s10, $0x1;
	s10 =	sld [smem:$0x3FB6]  }
0x3d: {  	_ =	shalt  }
0x3e: {  	_ =	shalt  }
0x3f: {  	_ =	shalt  }
0x40: {  	_ =	shalt  }
0x41: {  	_ =	shalt  }
0x42: {  	_ =	shalt  }
0x43: {  	_ =	shalt  }
0x44: {  	_ =	shalt  }
0x45: {  	_ =	shalt  }
0x46: {  	_ =	shalt  }
0x47: {  	_ =	shalt  }
0x48: {  	_ =	shalt  }
0x49: {  	_ =	shalt  }
0x4a: {  	_ =	shalt  }
0x4b: {  	_ =	shalt  }
0x4c: {  	_ =	shalt  }
0x4d: {  	_ =	shalt  }
0x4e: {  	_ =	shalt  }
0x4f: {  	_ =	shalt  }
0x50: {  	_ =	shalt  }
0x51: {  	_ =	shalt  }
0x52: {  	_ =	shalt  }
0x53: {  	_ =	shalt  }
0x54: {  	_ =	shalt  }
0x55: {  	_ =	shalt  }
0x56: {  	_ =	shalt  }
0x57: {  	_ =	shalt  }
0x58: {  	_ =	shalt  }
0x59: {  	_ =	shalt  }
0x5a: {  	_ =	shalt  }
0x5b: {  	_ =	shalt  }
0x5c: {  	_ =	shalt  }
0x5d: {  	_ =	shalt  }
0x5e: {  	_ =	shalt  }
0x5f: {  	_ =	shalt  }
0x60: {  	_ =	shalt  }
0x61: {  	_ =	shalt  }
0x62: {  	_ =	shalt  }
0x63: {  	_ =	shalt  }
0x64: {  	_ =	shalt  }
0x65: {  	_ =	shalt  }
0x66: {  	_ =	shalt  }
0x67: {  	_ =	shalt  }
0x68: {  	_ =	shalt  }
0x69: {  	_ =	shalt  }
0x6a: {  	_ =	shalt  }
0x6b: {  	_ =	shalt  }
0x6c: {  	_ =	shalt  }
0x6d: {  	_ =	shalt  }
0x6e: {  	_ =	shalt  }
0x6f: {  	_ =	shalt  }
0x70: {  	_ =	shalt  }
0x71: {  	_ =	shalt  }
0x72: {  	_ =	shalt  }
0x73: {  	_ =	shalt  }
0x74: {  	_ =	shalt  }
0x75: {  	_ =	shalt  }
0x76: {  	_ =	shalt  }
0x77: {  	_ =	shalt  }
0x78: {  	_ =	shalt  }
0x79: {  	_ =	shalt  }
0x7a: {  	_ =	shalt  }
0x7b: {  	_ =	shalt  }
0x7c: {  	_ =	shalt  }
0x7d: {  	_ =	shalt  }
0x7e: {  	_ =	shalt  }
0x7f: {  	_ =	shalt  }
0x80: {  	_ =	shalt  }
0x81: {  	_ =	shalt  }
0x82: {  	_ =	shalt  }
0x83: {  	_ =	shalt  }
0x84: {  	_ =	shalt  }
0x85: {  	_ =	shalt  }
0x86: {  	_ =	shalt  }
0x87: {  	_ =	shalt  }
.Lfunc_end0:
.L_simem_size_0:
called_computation.1_lowered:
.L_overlay_start_0:
0x88: {  	s2 =	sld [smem:$0x3FD9]  }
0x89: {  	s3 =	sld [smem:$0x3FFE];
	_ =	sdelay $0x1  }
0x8a: {  	s1 =	srdreg.scid  }
0x8b: {  	s0 =	sand.u32 $0x1, s1  }
0x8c: {  	s16 =	sshll.u32 s0, $0xA;
	s2 =	sadd.s32 s3, s2  }
0x8d: {  	s2 =	sadd.s32 s2, s16  }
0x8e: {  	[smem:$0x3FC2] =	sst s2  }
0x8f: {  	_ = 	snop  }
0x90: {  	(tm) =	ssettm $0x1  }
0x91: {  	s17 =	sld [smem:$0x3FFB];
	_ =	sdelay $0x3  }
0x92: {  	_ =	strace s17  }
0x93: {  	s2 =	sld [smem:$0x3FFC];
	_ =	sdelay $0x3  }
0x94: {  	_ =	strace s2  }
0x95: {  	s2 =	sld [smem:$0x3FFD];
	_ =	sdelay $0x3  }
0x96: {  	_ =	strace s2  }
0x97: {  	_ =	strace $0x8FFFFFFF  }
0x98: {  	s18 =	sld [smem:$0x3FDB];
	_ =	sdelay $0x1  }
0x99: {  	s19 =	simm.s32 $_scs_section_size  }
0x9a: {  	s4 =	simm.s32 $_size__tile_overlayer_lowered;
	s5 =	simm.s32 $_tile_overlayer_lowered  }
0x9b: {  	s22 =	simm.s32 $0x1BFF;
	s21 =	sshll.u32 s5, $0x1;
	s2 =	sadd.s32 s19, s18  }
0x9c: {  	s6 =	simm.s32 $0x0;
	s20 =	sshll.u32 s4, $0x1;
	s4 =	sadd.s32 s21, s2  }
0x9d: {  	[timem:s6], [sflag:s22] =	dma.local [hbm:s4], s20  }
0x9e: {  	_ =	swait.ge [sflag:s22], s20  }
0x9f: {  	s3 =	ssub.s32 $0x0, s20;
	[sflag:s22] =	ssyncset.done $0x0  }
0xa0: {  	[sflag:s22] =	ssyncadd.s32 s3;
	_ =	sdelay $0x1  }
0xa1: {  	s23 =	simm.s32 $0x1B8B  }
0xa2: {  	_ =	swait.ge [sflag:s23], $0x1  }
0xa3: {  	[sflag:s23] =	ssyncset.done $0x0  }
0xa4: {  	s25 =	simm.s32 $0x1B8E;
	s24 =	sld [smem:$0x3FFE];
	[sflag:s23] =	ssyncadd.s32 $0xFFFFFFFF  }
0xa5: {  	s26 =	simm.s32 $execute0_lowered;
	[smem:$0x3FD2] =	sst s25  }
0xa6: {  	s4 =	sshll.u32 s26, $0x1;
	_ =	strace $0x80000049;
	[dreg:$0x1] =	wrdreg $0xFFFFFFFF  }
0xa7: {  	s28 =	simm.s32 $_size_execute0_lowered;
	s2 =	sadd.s32 s2, s4;
	[dreg:$0x0] =	wrdreg $0x0  }
0xa8: {  	s4 =	sshll.u32 s28, $0x1;
	[dreg:$0x2] =	wrdreg s2  }
0xa9: {  	[dreg:$0x3] =	wrdreg s4  }
0xaa: {  	[dreg:$0x4] =	wrdreg $0xC0  }
0xab: {  	_ =	task [dreg:s6], $0x5FFFF  }
0xac: {  	[dreg:$0x1] =	wrdreg $0xFFFFFFFF  }
0xad: {  	[dreg:$0x0] =	wrdreg $0x60  }
0xae: {  	[dreg:$0x2] =	wrdreg s24  }
0xaf: {  	[dreg:$0x3] =	wrdreg $0xC0000  }
0xb0: {  	[dreg:$0x4] =	wrdreg $0xF1000  }
0xb1: {  	[dreg:$0x5] =	wrdreg $0xD8800  }
0xb2: {  	[dreg:$0x6] =	wrdreg $0x109800  }
0xb3: {  	[dreg:$0x7] =	wrdreg $0x9  }
0xb4: {  	_ =	task.clear_ibuf [dreg:s6], $0x8FFFF;
	_ =	strace $0x90000049  }
0xb5: {  	s29 =	simm.s32 $0x9;
	_ =	strace $0x8000004B  }
0xb6: {  	_ =	swait.ge [sflag:s29], $0x1  }
0xb7: {  	[sflag:s29] =	ssyncadd.s32 $0xFFFFFFFF  }
0xb8: {  	_ =	strace $0x9000004B  }
0xb9: {  	_ =	sfence  }
0xba: {  	s30 =	sld [smem:$0x0];
	_ =	sdelay $0x2  }
0xbb: {  	s31 =	sshll.u32 s1, $0xD;
	s1 =	sshrl.u32 s1, $0x2  }
0xbc: {  	s3 =	sand.u32 $0x4000, s31;
	s1 =	sadd.s32 s1, s30  }
0xbd: {  	s0 =	sor.u32 s3, s0;
	s1 =	sshll.u32 s1, $0x11  }
0xbe: {  	s0 =	sor.u32 s1, s0  }
0xbf: {  	s0 =	sadd.s32 $0x8F2B, s0  }
0xc0: {  	[sflag:s0] =	ssyncadd.remote.s32 $0x1  }
0xc1: {  	_ =	sfence.sel $0xFFFF  }
0xc2: {  	[dreg:$0x0] =	wrdreg $0xFFFFFFFF;
	(pc) =	sbr.abs _section_cstart, $3  }
0xc3: {  	[dreg:$0x1] =	wrdreg $0xFFFFFFFF  }
0xc4: {  	_ =	task.clear_ibuf [dreg:s6], $0x2FFFF;
	_ =	strace $0x9FFFFFFF  }
0xc5: {  	(tm) =	ssettm $0x7FFFFFFF  }
tec
execute0_lowered:
.L_overlay_start_1:
0x0: {  	(tag) =	ssettag $0x1  }
0x1: {  	s0 =	rddreg [dreg:$0x0]  }
0x2: {  	s1 =	rddreg [dreg:$0x1]  }
0x3: {  	s3 =	rddreg [dreg:$0x2]  }
0x4: {  	s4 =	rddreg [dreg:$0x3]  }
0x5: {  	s5 =	rddreg [dreg:$0x4];
	s8 =	stileid.u32  }
0x6: {  	s2 =	srdreg.scid;
	s6 =	simm.s32 $0x0;
	s30 =	simm.s32 $0x7000  }
0x7: {  	s31 =	simm.s32 $0x3;
	s7 =	smul.u32 $0x1880, s8;
	s2 =	sand.u32 $0x1, s2  }
0x8: {  	[smem:$0x7FF] =	sst s6;
	s10 =	smul.u32 $0x3100, s8;
	s15 =	sadd.s32 $0x63C00, s0  }
0x9: {  	s16 =	sadd.s32 $0x2000, s0;
	s13 =	sshll.u32 s8, $0x1;
	s18 =	sshll.u32 s8, $0x6  }
0xa: {  	s9 =	smul.u32 $0x31000, s2;
	_ =	strace $0x8000004A;
	s26 =	ssub.s32 $0x2, s2  }
0xb: {  	s14 =	sor.u32 s2, s13;
	s22 =	sor.u32 $0x1C05, s18;
	s2 =	smul.u32 $0x186A0, s2  }
0xc: {  	s11 =	sshrl.u32 s7, $0x3;
	s12 =	sshrl.u32 s26, $0x1;
	s19 =	sadd.s32 s7, s3  }
0xd: {  	s13 =	sadd.s32 s7, s4;
	[dreg:$0x7] =	wrdreg s22;
	s11 =	sadd.s32 s11, s0  }
0xe: {  	s9 =	sadd.s32 s10, s9;
	[dreg:$0x8] =	wrdreg s19;
	s10 =	smul.u32 $0x186A0, s14  }
0xf: {  	s14 =	smul.u32 $0x30D40, s8;
	s9 =	sshrl.u32 s9, $0x3;
	s17 =	sadd.s32 $0xC8A00, s11  }
0x10: {  	s20 =	sadd.s32 $0xC5800, s11;
	s21 =	sadd.s32 $0xCBC00, s11;
	[dreg:$0x6] =	wrdreg s17  }
0x11: {  	s0 =	sadd.s32 s9, s0;
	s9 =	ssub.s32 s26, s12;
	[dreg:$0x9] =	wrdreg s20  }
0x12: {  	s12 =	sadd.s32 s7, s1;
	[dreg:$0xa] =	wrdreg s21;
	s7 =	sadd.s32 s7, s5  }
0x13: {  	s10 =	sshrl.u32 s10, $0x3;
	s2 =	sadd.s32 s2, s14;
	[dreg:$0xb] =	wrdreg s7  }
0x14: {  	s23 =	sadd.s32 s15, s10;
	s24 =	sadd.s32 $0x1F4, s10;
	s25 =	sadd.s32 s16, s10  }
0x15: {  	s8 =	sadd.s32 $0xCEE00, s0;
	s10 =	sadd.s32 $0x4E20, s2;
	s0 =	sadd.s32 $0xCEE10, s0  }
0x16: {  	s11 =	smax.u32 s9, $0x1;
	s17 =	sadd.s32 $0x2EE0, s2;
	[dreg:$0xc] =	wrdreg s23  }
0x17: {  	s18 =	sadd.s32 $0x3E80, s2;
	s2 =	sadd.s32 $0x1F40, s2;
	[dreg:$0xd] =	wrdreg s25  }
0x18: {  	s21 =	sshrl.u32 s12, $0x3;
	s9 =	simm.s32 $0x1000;
	[dreg:$0x10] =	wrdreg s8  }
0x19: {  	s12 =	simm.s32 $0x4;
	s26 =	sadd.s32 s15, s24;
	[dreg:$0x11] =	wrdreg s0  }
0x1a: {  	s7 =	sadd.s32 s16, s24;
	[dreg:$0x12] =	wrdreg s11;
	s14 =	sshrl.u32 s10, $0x3  }
0x1b: {  	[dreg:$0x15] =	wrdreg s18;
	s20 =	sshrl.u32 s2, $0x3;
	s25 =	smov.u32 s16  }
0x1c: {  	s23 =	smov.u32 s15;
	[dreg:$0x17] =	wrdreg s21;
	s24 =	sshrl.u32 s13, $0x3  }
0x1d: {  	s2 =	simm.s32 $0x4000;
	s11 =	simm.s32 $0x5000;
	s13 =	simm.s32 $0x1  }
0x1e: {  	s18 =	simm.s32 $0x6000;
	s21 =	simm.s32 $0xB000;
	[dreg:$0xe] =	wrdreg s26  }
0x1f: {  	s8 =	simm.s32 $0x0;
	[dreg:$0xf] =	wrdreg s7;
	s7 =	sadd.s32 s14, s16  }
0x20: {  	s0 =	sadd.s32 s14, s15;
	s28 =	sadd.s32 s20, s16;
	s29 =	sadd.s32 s20, s15  }
0x21: {  	[dreg:$0x18] =	wrdreg s24;
	s14 =	simm.s32 $0xFA0;
	s20 =	simm.s32 $0xA000  }
.Ltmp0:
0x22: {  	s24 =	simm.s32 $0x3000;
	[dreg:$0x13] =	wrdreg s7;
	(pc) =	sbr.rel .LBB2_1-.Ltmp0, $4  }
0x23: {  	[dreg:$0x14] =	wrdreg s0;
	s0 =	sshrl.u32 s17, $0x3;
	s17 =	simm.s32 $0x2000  }
0x24: {  	[dreg:$0x1d] =	wrdreg s28;
	s19 =	sadd.s32 s0, s16;
	s26 =	sadd.s32 s0, s15  }
0x25: {  	s0 =	simm.s32 $0x5;
	s15 =	simm.s32 $0x8000;
	[dreg:$0x16] =	wrdreg s19  }
0x26: {  	s16 =	simm.s32 $0x9000;
	s19 =	simm.s32 $0x2;
	[dreg:$0x1c] =	wrdreg s26  }
.LBB2_4:
0x27: {  	_ =	swait.ge [sflag:s13], $0xFA0  }
0x28: {  	[sflag:s13] =	ssyncset.done $0x0  }
0x29: {  	[sflag:s13] =	ssyncadd.s32 $0xFFFFF060  }
0x2a: {  	_ =	swait.ge [sflag:s13], $0xFA0  }
0x2b: {  	[sflag:s13] =	ssyncset.done $0x0  }
0x2c: {  	[sflag:s13] =	ssyncadd.s32 $0xFFFFF060  }
0x2d: {  	[tilespmem:s15], [sflag:$0x5] =	stream.indirect.gather [spmem:s1], $0x1, s6, s14, $0xb8;
	[tilespmem:$0x12200] =	vst v63  }
0x2e: {  	_ =	swait.ge [sflag:s0], $0xFA0  }
0x2f: {  	[sflag:s0] =	ssyncset.done $0x0  }
0x30: {  	[sflag:s0] =	ssyncadd.s32 $0xFFFFF060  }
0x31: {  	[spmem:s3] =	stream.indirect.scatter.add.f32 [tilespmem:s15], [sflag:$0x5], $0x1, s2, s14, $0xb8;
	[tilespmem:$0x12200] =	vst v63  }
0x32: {  	_ =	swait.ge [sflag:s0], $0xFA0  }
0x33: {  	[sflag:s0] =	ssyncset.done $0x0  }
0x34: {  	[sflag:s0] =	ssyncadd.s32 $0xFFFFF060  }
0x35: {  	[tilespmem:s16], [sflag:$0x5] =	stream.indirect.gather [spmem:s4], $0x1, s6, s14, $0xb8;
	[tilespmem:$0x12200] =	vst v63  }
0x36: {  	_ =	swait.ge [sflag:s0], $0xFA0  }
0x37: {  	[sflag:s0] =	ssyncset.done $0x0  }
0x38: {  	[sflag:s0] =	ssyncadd.s32 $0xFFFFF060  }
0x39: {  	[spmem:s5] =	stream.indirect.scatter.add.f32 [tilespmem:s16], [sflag:$0x5], $0x1, s2, s14, $0xb8;
	[tilespmem:$0x12200] =	vst v63  }
0x3a: {  	_ =	swait.ge [sflag:s0], $0xFA0  }
0x3b: {  	[sflag:s0] =	ssyncset.done $0x0  }
0x3c: {  	[sflag:s0] =	ssyncadd.s32 $0xFFFFF060  }
0x3d: {  	[bflag:$0x0] =	sbarrier.arrive $0xFFFF  }
0x3e: {  	s7 =	rddreg [dreg:$0x10]  }
0x3f: {  	s10 =	rddreg [dreg:$0x1a]  }
0x40: {  	s8 =	simm.s32 $0x10;
	s22 =	simm.s32 $0x20;
	s26 =	rddreg [dreg:$0x7]  }
0x41: {  	[hbm:s7@s22], [sflag:s26] =	dma.strided [spmem:s10@s8], $0x310, s13, $0x10   }
0x42: {  	s26 =	rddreg [dreg:$0x1c];
	_ =	swait.ge [sflag:s0], $0x310  }
0x43: {  	s7 =	rddreg [dreg:$0x11]  }
0x44: {  	s28 =	simm.s32 $0x10;
	[sflag:s0] =	ssyncset.done $0x0;
	s10 =	rddreg [dreg:$0x1b]  }
0x45: {  	s8 =	simm.s32 $0x20;
	s22 =	rddreg [dreg:$0x7];
	[sflag:s0] =	ssyncadd.s32 $0xFFFFFCF0  }
0x46: {  	[hbm:s7@s8], [sflag:s22] =	dma.strided [spmem:s10@s28], $0x310, s13, $0x10   }
0x47: {  	s28 =	rddreg [dreg:$0x1d];
	_ =	swait.ge [sflag:s0], $0x310  }
0x48: {  	s7 =	rddreg [dreg:$0x19]  }
0x49: {  	s10 =	rddreg [dreg:$0x12];
	s8 =	sadd.s32 $0x1, s7  }
0x4a: {  	p0 =	sne.s32 s8, s10  }
.Ltmp1:
0x4b: {  	_ = 	snop;
	(pc) =	sbr.rel @!p0 .LBB2_5-.Ltmp1, $3  }
0x4c: {  	_ =	sdelay $0x1  }
0x4d: {  	[sflag:s0] =	ssyncset.done $0x0  }
0x4e: {  	[sflag:s0] =	ssyncadd.s32 $0xFFFFFCF0  }
.LBB2_1:
0x4f: {  	[dreg:$0x19] =	wrdreg s8  }
0x50: {  	s7 =	rddreg [dreg:$0x6]  }
0x51: {  	s10 =	rddreg [dreg:$0x17]  }
0x52: {  	[spmem:s10], [sflag:s22] =	dma.local [hbm:s7], $0x310  }
0x53: {  	_ =	swait.ge [sflag:s0], $0x310  }
0x54: {  	s8 =	rddreg [dreg:$0x8]  }
0x55: {  	[sflag:s0] =	ssyncset.done $0x0;
	s7 =	rddreg [dreg:$0x9];
	s10 =	sshrl.u32 s8, $0x3  }
0x56: {  	[sflag:s0] =	ssyncadd.s32 $0xFFFFFCF0;
	[dreg:$0x1a] =	wrdreg s10  }
0x57: {  	[spmem:s10], [sflag:s22] =	dma.local [hbm:s7], $0x310  }
0x58: {  	_ =	swait.ge [sflag:s0], $0x310  }
0x59: {  	[sflag:s0] =	ssyncset.done $0x0;
	s8 =	rddreg [dreg:$0xa]  }
0x5a: {  	s10 =	rddreg [dreg:$0x18];
	[sflag:s0] =	ssyncadd.s32 $0xFFFFFCF0  }
0x5b: {  	[spmem:s10], [sflag:s22] =	dma.local [hbm:s8], $0x310  }
0x5c: {  	_ =	swait.ge [sflag:s0], $0x310  }
0x5d: {  	s10 =	rddreg [dreg:$0xb]  }
0x5e: {  	[sflag:s0] =	ssyncset.done $0x0;
	s8 =	sshrl.u32 s10, $0x3  }
0x5f: {  	[sflag:s0] =	ssyncadd.s32 $0xFFFFFCF0;
	[dreg:$0x1b] =	wrdreg s8  }
0x60: {  	[spmem:s8], [sflag:s22] =	dma.local [hbm:s7], $0x310  }
0x61: {  	_ =	swait.ge [sflag:s0], $0x310  }
0x62: {  	[sflag:s0] =	ssyncset.done $0x0  }
0x63: {  	[sflag:s0] =	ssyncadd.s32 $0xFFFFFCF0  }
0x64: {  	[bflag:$0x0] =	sbarrier.arrive $0xFFFF  }
0x65: {  	s22 =	rddreg [dreg:$0xc]  }
0x66: {  	s8 =	rddreg [dreg:$0xd]  }
0x67: {  	[tilespmem:s6], [sflag:$0x1] =	stream.linear.gather [hbm4b:s22+s6], $0xFA0, $0x38;
	[tilespmem:$0x12200] =	vst v63  }
0x68: {  	s10 =	rddreg [dreg:$0xe]  }
0x69: {  	[tilespmem:s2], [sflag:$0x1] =	stream.linear.gather [hbm4b:s8+s6], $0xFA0, $0x38;
	[tilespmem:$0x12200] =	vst v63  }
0x6a: {  	s22 =	rddreg [dreg:$0xf]  }
0x6b: {  	[tilespmem:s9], [sflag:$0x2] =	stream.linear.gather [hbm4b:s10+s6], $0xFA0, $0x38;
	[tilespmem:$0x12200] =	vst v63  }
0x6c: {  	s7 =	simm.s32 $0x0;
	s10 =	rddreg [dreg:$0x15]  }
0x6d: {  	[tilespmem:s11], [sflag:$0x2] =	stream.linear.gather [hbm4b:s22+s6], $0xFA0, $0x38;
	[tilespmem:$0x12200] =	vst v63  }
.LBB2_2:
0x6e: {  	_ =	swait.ge [sflag:s13], $0xFA0  }
0x6f: {  	[sflag:s13] =	ssyncset.done $0x0  }
0x70: {  	[sflag:s13] =	ssyncadd.s32 $0xFFFFF060  }
0x71: {  	_ =	swait.ge [sflag:s13], $0xFA0  }
0x72: {  	[sflag:s13] =	ssyncset.done $0x0  }
0x73: {  	[sflag:s13] =	ssyncadd.s32 $0xFFFFF060  }
0x74: {  	[tilespmem:s15], [sflag:$0x5] =	stream.indirect.gather [spmem:s1], $0x1, s6, s14, $0xb8;
	[tilespmem:$0x12200] =	vst v63  }
0x75: {  	_ =	swait.ge [sflag:s0], $0xFA0  }
0x76: {  	[sflag:s0] =	ssyncset.done $0x0  }
0x77: {  	[sflag:s0] =	ssyncadd.s32 $0xFFFFF060  }
0x78: {  	[spmem:s3] =	stream.indirect.scatter.add.f32 [tilespmem:s15], [sflag:$0x5], $0x1, s2, s14, $0xb8;
	[tilespmem:$0x12200] =	vst v63  }
0x79: {  	_ =	swait.ge [sflag:s0], $0xFA0  }
0x7a: {  	[sflag:s0] =	ssyncset.done $0x0  }
0x7b: {  	[sflag:s0] =	ssyncadd.s32 $0xFFFFF060  }
0x7c: {  	[tilespmem:s16], [sflag:$0x5] =	stream.indirect.gather [spmem:s4], $0x1, s6, s14, $0xb8;
	[tilespmem:$0x12200] =	vst v63  }
0x7d: {  	_ =	swait.ge [sflag:s0], $0xFA0  }
0x7e: {  	[sflag:s0] =	ssyncset.done $0x0  }
0x7f: {  	[sflag:s0] =	ssyncadd.s32 $0xFFFFF060  }
0x80: {  	[spmem:s5] =	stream.indirect.scatter.add.f32 [tilespmem:s16], [sflag:$0x5], $0x1, s2, s14, $0xb8;
	[tilespmem:$0x12200] =	vst v63  }
0x81: {  	_ =	swait.ge [sflag:s0], $0xFA0  }
0x82: {  	[sflag:s0] =	ssyncset.done $0x0  }
0x83: {  	s8 =	sadd.s32 s7, s29;
	[sflag:s0] =	ssyncadd.s32 $0xFFFFF060  }
0x84: {  	[tilespmem:s17], [sflag:$0x3] =	stream.linear.gather [hbm4b:s8+s6], $0xFA0, $0x38;
	[tilespmem:$0x12200] =	vst v63  }
0x85: {  	s22 =	sadd.s32 s7, s28  }
0x86: {  	[tilespmem:s18], [sflag:$0x3] =	stream.linear.gather [hbm4b:s22+s6], $0xFA0, $0x38;
	[tilespmem:$0x12200] =	vst v63  }
0x87: {  	_ =	swait.ge [sflag:s19], $0xFA0  }
0x88: {  	[sflag:s19] =	ssyncset.done $0x0  }
0x89: {  	[sflag:s19] =	ssyncadd.s32 $0xFFFFF060  }
0x8a: {  	_ =	swait.ge [sflag:s19], $0xFA0  }
0x8b: {  	[sflag:s19] =	ssyncset.done $0x0  }
0x8c: {  	[sflag:s19] =	ssyncadd.s32 $0xFFFFF060  }
0x8d: {  	[tilespmem:s20], [sflag:$0x5] =	stream.indirect.gather [spmem:s1], $0x1, s9, s14, $0xb8;
	[tilespmem:$0x12200] =	vst v63  }
0x8e: {  	_ =	swait.ge [sflag:s0], $0xFA0  }
0x8f: {  	[sflag:s0] =	ssyncset.done $0x0  }
0x90: {  	[sflag:s0] =	ssyncadd.s32 $0xFFFFF060  }
0x91: {  	[spmem:s3] =	stream.indirect.scatter.add.f32 [tilespmem:s20], [sflag:$0x5], $0x1, s11, s14, $0xb8;
	[tilespmem:$0x12200] =	vst v63  }
0x92: {  	_ =	swait.ge [sflag:s0], $0xFA0  }
0x93: {  	[sflag:s0] =	ssyncset.done $0x0  }
0x94: {  	[sflag:s0] =	ssyncadd.s32 $0xFFFFF060  }
0x95: {  	[tilespmem:s21], [sflag:$0x5] =	stream.indirect.gather [spmem:s4], $0x1, s9, s14, $0xb8;
	[tilespmem:$0x12200] =	vst v63  }
0x96: {  	_ =	swait.ge [sflag:s0], $0xFA0  }
0x97: {  	[sflag:s0] =	ssyncset.done $0x0  }
0x98: {  	[sflag:s0] =	ssyncadd.s32 $0xFFFFF060  }
0x99: {  	[spmem:s5] =	stream.indirect.scatter.add.f32 [tilespmem:s21], [sflag:$0x5], $0x1, s11, s14, $0xb8;
	[tilespmem:$0x12200] =	vst v63  }
0x9a: {  	_ =	swait.ge [sflag:s0], $0xFA0  }
0x9b: {  	[sflag:s0] =	ssyncset.done $0x0  }
0x9c: {  	s22 =	sadd.s32 s7, s26;
	[sflag:s0] =	ssyncadd.s32 $0xFFFFF060  }
0x9d: {  	[tilespmem:s24], [sflag:$0x4] =	stream.linear.gather [hbm4b:s22+s6], $0xFA0, $0x38;
	[tilespmem:$0x12200] =	vst v63  }
0x9e: {  	s22 =	rddreg [dreg:$0x16]  }
0x9f: {  	s8 =	sadd.s32 s7, s22  }
0xa0: {  	[tilespmem:s30], [sflag:$0x4] =	stream.linear.gather [hbm4b:s8+s6], $0xFA0, $0x38;
	[tilespmem:$0x12200] =	vst v63  }
0xa1: {  	_ =	swait.ge [sflag:s31], $0xFA0  }
0xa2: {  	[sflag:s31] =	ssyncset.done $0x0  }
0xa3: {  	[sflag:s31] =	ssyncadd.s32 $0xFFFFF060  }
0xa4: {  	_ =	swait.ge [sflag:s31], $0xFA0  }
0xa5: {  	[sflag:s31] =	ssyncset.done $0x0  }
0xa6: {  	[sflag:s31] =	ssyncadd.s32 $0xFFFFF060  }
0xa7: {  	[tilespmem:s15], [sflag:$0x5] =	stream.indirect.gather [spmem:s1], $0x1, s17, s14, $0xb8;
	[tilespmem:$0x12200] =	vst v63  }
0xa8: {  	_ =	swait.ge [sflag:s0], $0xFA0  }
0xa9: {  	[sflag:s0] =	ssyncset.done $0x0  }
0xaa: {  	[sflag:s0] =	ssyncadd.s32 $0xFFFFF060  }
0xab: {  	[spmem:s3] =	stream.indirect.scatter.add.f32 [tilespmem:s15], [sflag:$0x5], $0x1, s18, s14, $0xb8;
	[tilespmem:$0x12200] =	vst v63  }
0xac: {  	_ =	swait.ge [sflag:s0], $0xFA0  }
0xad: {  	[sflag:s0] =	ssyncset.done $0x0  }
0xae: {  	[sflag:s0] =	ssyncadd.s32 $0xFFFFF060  }
0xaf: {  	[tilespmem:s16], [sflag:$0x5] =	stream.indirect.gather [spmem:s4], $0x1, s17, s14, $0xb8;
	[tilespmem:$0x12200] =	vst v63  }
0xb0: {  	_ =	swait.ge [sflag:s0], $0xFA0  }
0xb1: {  	[sflag:s0] =	ssyncset.done $0x0  }
0xb2: {  	[sflag:s0] =	ssyncadd.s32 $0xFFFFF060  }
0xb3: {  	[spmem:s5] =	stream.indirect.scatter.add.f32 [tilespmem:s16], [sflag:$0x5], $0x1, s18, s14, $0xb8;
	[tilespmem:$0x12200] =	vst v63  }
0xb4: {  	_ =	swait.ge [sflag:s0], $0xFA0  }
0xb5: {  	s8 =	sshrl.u32 s10, $0x3;
	[sflag:s0] =	ssyncset.done $0x0  }
0xb6: {  	s22 =	sadd.s32 s23, s8;
	[sflag:s0] =	ssyncadd.s32 $0xFFFFF060  }
0xb7: {  	[tilespmem:s6], [sflag:$0x1] =	stream.linear.gather [hbm4b:s22+s6], $0xFA0, $0x38;
	[tilespmem:$0x12200] =	vst v63  }
0xb8: {  	s8 =	sadd.s32 s25, s8  }
0xb9: {  	[tilespmem:s2], [sflag:$0x1] =	stream.linear.gather [hbm4b:s8+s6], $0xFA0, $0x38;
	[tilespmem:$0x12200] =	vst v63  }
0xba: {  	_ =	swait.ge [sflag:s12], $0xFA0  }
0xbb: {  	[sflag:s12] =	ssyncset.done $0x0  }
0xbc: {  	[sflag:s12] =	ssyncadd.s32 $0xFFFFF060  }
0xbd: {  	_ =	swait.ge [sflag:s12], $0xFA0  }
0xbe: {  	[sflag:s12] =	ssyncset.done $0x0  }
0xbf: {  	[sflag:s12] =	ssyncadd.s32 $0xFFFFF060  }
0xc0: {  	[tilespmem:s20], [sflag:$0x5] =	stream.indirect.gather [spmem:s1], $0x1, s24, s14, $0xb8;
	[tilespmem:$0x12200] =	vst v63  }
0xc1: {  	_ =	swait.ge [sflag:s0], $0xFA0  }
0xc2: {  	[sflag:s0] =	ssyncset.done $0x0  }
0xc3: {  	[sflag:s0] =	ssyncadd.s32 $0xFFFFF060  }
0xc4: {  	[spmem:s3] =	stream.indirect.scatter.add.f32 [tilespmem:s20], [sflag:$0x5], $0x1, s30, s14, $0xb8;
	[tilespmem:$0x12200] =	vst v63  }
0xc5: {  	_ =	swait.ge [sflag:s0], $0xFA0  }
0xc6: {  	[sflag:s0] =	ssyncset.done $0x0  }
0xc7: {  	[sflag:s0] =	ssyncadd.s32 $0xFFFFF060  }
0xc8: {  	[tilespmem:s21], [sflag:$0x5] =	stream.indirect.gather [spmem:s4], $0x1, s24, s14, $0xb8;
	[tilespmem:$0x12200] =	vst v63  }
0xc9: {  	_ =	swait.ge [sflag:s0], $0xFA0  }
0xca: {  	p0 =	seq.s32 s7, $0x2710;
	[sflag:s0] =	ssyncset.done $0x0  }
.Ltmp2:
0xcb: {  	[sflag:s0] =	ssyncadd.s32 $0xFFFFF060;
	(pc) =	sbr.rel @p0 .LBB2_4-.Ltmp2, $4  }
0xcc: {  	[spmem:s5] =	stream.indirect.scatter.add.f32 [tilespmem:s21], [sflag:$0x5], $0x1, s30, s14, $0xb8;
	[tilespmem:$0x12200] =	vst v63  }
0xcd: {  	_ =	swait.ge [sflag:s0], $0xFA0  }
0xce: {  	[sflag:s0] =	ssyncset.done $0x0  }
0xcf: {  	[sflag:s0] =	ssyncadd.s32 $0xFFFFF060  }
.Ltmp3:
0xd0: {  	s8 =	rddreg [dreg:$0x14];
	(pc) =	sbr.rel .LBB2_2-.Ltmp3, $4  }
0xd1: {  	s22 =	rddreg [dreg:$0x13];
	s8 =	sadd.s32 s7, s8  }
0xd2: {  	[tilespmem:s9], [sflag:$0x2] =	stream.linear.gather [hbm4b:s8+s6], $0xFA0, $0x38;
	[tilespmem:$0x12200] =	vst v63  }
0xd3: {  	s10 =	sadd.s32 $0x3E80, s10;
	s8 =	sadd.s32 s7, s22;
	s7 =	sadd.s32 $0x7D0, s7  }
0xd4: {  	[tilespmem:s11], [sflag:$0x2] =	stream.linear.gather [hbm4b:s8+s6], $0xFA0, $0x38;
	[tilespmem:$0x12200] =	vst v63  }
.LBB2_5:
0xd5: {  	_ =	sfence.sel $0x180000  }
0xd6: {  	[bflag:$0x0] =	sbarrier.arrive $0xFFFF  }
0xd7: {  	_ =	strace $0x9000004A  }
0xd8: {  	s0 =	stileid.u32;
	[bflag:$0x2] =	sbarrier.arrive $0xFFFF  }
0xd9: {  	p0 =	sne.s32 s0, $0x0;
	s0 =	rddreg [dreg:$0x5]  }
0xda: {  	s0 =	sadd.s32 @!p0 $0x100000, s0  }
0xdb: {  	[sflag:s0] =	ssyncadd.tile.s32 @!p0 $0x1;
	_ =	shalt  }
.Lfunc_end2:
_tile_overlayer_lowered:
.L_overlay_start_2:
0xdc: {  	(tag) =	ssettag $0x2  }
0xdd: {  	s0 =	rddreg [dreg:$0x0];
	s2 =	stileid.u32  }
0xde: {  	s1 =	rddreg [dreg:$0x1];
	p0 =	sne.s32 s2, $0x0  }
0xdf: {  	s3 =	rddreg [dreg:$0x2];
	[bflag:$0x3] =	sbarrier.arrive $0xFFFF;
	s2 =	simm.s32 @!p0 $0x1C05  }
0xe0: {  	[timem:s3], [sflag:s2] =	dma.local @!p0 [hbm:s0], s1  }
0xe1: {  	s0 =	simm.s32 @!p0 $0x5  }
0xe2: {  	_ =	swait.ge @!p0 [sflag:s0], s1  }
0xe3: {  	s1 =	ssub.s32 @!p0 $0x0, s1;
	[sflag:s0] =	ssyncset.done @!p0 $0x0  }
0xe4: {  	[sflag:s0] =	ssyncadd.s32 @!p0 s1  }
0xe5: {  	[bflag:$0x3] =	sbarrier.arrive $0xFFFF  }
0xe6: {  	_ =	shalt  }

// kernel: kernel.14.cloned.1.call-start
scs
__scs_entry_jumppad:
0x0: {  	(pc) =	sbr.rel $0x88, $3  }
0x1: {  	(tag) =	ssettag $0x0;
	lr =	simm.s32 $0x1  }
0x2: {  	[smem:$0x3F9B] =	sst lr;
	_ =	strace $0xD0000000  }
0x3: {  	_ = 	snop  }
0x4: {  	_ = 	snop  }
0x5: {  	_ = 	snop  }
0x6: {  	_ = 	snop  }
0x7: {  	_ = 	snop  }
__scs_overlays_trampoline_lowered:
0x8: {  	[smem:$0x3FAA] =	sst s0  }
0x9: {  	[smem:$0x3FAB] =	sst s1  }
0xa: {  	[smem:$0x3FAC] =	sst s2  }
0xb: {  	[smem:$0x3FAD] =	sst s3  }
0xc: {  	[smem:$0x3FAE] =	sst s4  }
0xd: {  	[smem:$0x3FAF] =	sst s5  }
0xe: {  	[smem:$0x3FB0] =	sst s6  }
0xf: {  	[smem:$0x3FB1] =	sst s7  }
0x10: {  	[smem:$0x3FB2] =	sst s8  }
0x11: {  	[smem:$0x3FB3] =	sst s9;
	s0 =	simm.s32 @!p0 $0x0  }
0x12: {  	s1 =	sld [smem:$0x3F99];
	s0 =	simm.s32 @p0 $0x1  }
0x13: {  	[smem:$0x3FB4] =	sst s0;
	s0 =	simm.s32 @!p1 $0x0  }
0x14: {  	s2 =	sld [smem:$0x3F98];
	s0 =	simm.s32 @p1 $0x1  }
0x15: {  	[smem:$0x3FB5] =	sst s0;
	s0 =	simm.s32 @!p2 $0x0  }
0x16: {  	s3 =	sld [smem:$0x3FDB];
	s0 =	simm.s32 @p2 $0x1  }
0x17: {  	s4 =	simm.s32 $0x1BF5;
	[smem:$0x3FB7] =	sst s0  }
0x18: {  	s0 =	sld [smem:$0x3F9A];
	_ =	swait.ge [sflag:s4], $0x0  }
0x19: {  	s7 =	sld [smem:$0x3F9B]  }
0x1a: {  	s8 =	sadd.s32 $0xFFFFE003, lr  }
0x1b: {  	s9 =	sadd.s32 $0xFFFFFEF7, lr;
	s5 =	simm.s32 $0xFFFFFFFF;
	p2 =	slt.u32 s8, $0xFFFFF086  }
0x1c: {  	p1 =	slt.u32 s9, $0xF7A;
	s5 =	simm.s32 @!p2 $0x0  }
0x1d: {  	s5 =	simm.s32 @p1 $0x1;
	p0 =	seq.s32 s7, s2  }
0x1e: {  	s7 =	smul.u32 @!p0 $0xF7A, s2;
	p2 =	seq.s32 @!p0 s5, $0x0  }
0x1f: {  	s9 =	smul.u32 $0xF7A, s1;
	s8 =	simm.s32 @!p0 $0x1BF5;
	p2 =	por !p2, p0  }
0x20: {  	[sflag:s8] =	ssyncset.s32 @!p0 $0xFFFFF086;
	s6 =	sadd.s32 @!p0 s3, s7;
	s7 =	simm.s32 @!p0 $0x108  }
0x21: {  	s3 =	sadd.s32 s3, s9;
	s6 =	sadd.s32 @!p0 $0x88, s6;
	s7 =	simm.s32 @p2 $0x1082  }
0x22: {  	[simem:s7], [sflag:s8] =	dma.local @!p0 [hbm:s6], $0xF7A  }
0x23: {  	s9 =	sor.u32 $0xD0000000, s2;
	s6 =	simm.s32 $0x108;
	_ =	swait.ge @!p0 [sflag:s8], $0x0  }
0x24: {  	s3 =	sadd.s32 $0x88, s3;
	s6 =	simm.s32 @!p1 $0x1082;
	[sflag:s4] =	ssyncset.s32 $0xFFFFF086  }
0x25: {  	[simem:s6], [sflag:s4] =	dma.local [hbm:s3], $0xF7A  }
0x26: {  	[smem:$0x3F9B] =	sst s1;
	(tag) =	ssettag s2;
	_ =	strace s9  }
0x27: {  	s1 =	sld [smem:$0x3FAB]  }
0x28: {  	s2 =	sld [smem:$0x3FAC]  }
0x29: {  	s4 =	sld [smem:$0x3FAE]  }
0x2a: {  	p0 =	seq.s32 s5, $0x0;
	s5 =	sld [smem:$0x3FAF]  }
0x2b: {  	s6 =	sld [smem:$0x3FB0]  }
0x2c: {  	s7 =	sld [smem:$0x3FB1]  }
0x2d: {  	s3 =	simm.s32 $0x108;
	s8 =	sld [smem:$0x3FB2]  }
0x2e: {  	s3 =	simm.s32 @!p0 $0x1082;
	s9 =	sld [smem:$0x3FB3]  }
0x2f: {  	lr =	sadd.s32 s0, s3;
	s0 =	sld [smem:$0x3FAA]  }
0x30: {  	s3 =	sld [smem:$0x3FAD]  }
0x31: {  	[smem:$0x3FB6] =	sst s10  }
0x32: {  	s10 =	sld [smem:$0x3FB4];
	_ =	sdelay $0x3  }
0x33: {  	p0 =	seq.s32 s10, $0x1;
	s10 =	sld [smem:$0x3FB6];
	_ =	sdelay $0x3  }
0x34: {  	[smem:$0x3FB6] =	sst s10  }
0x35: {  	s10 =	sld [smem:$0x3FB5];
	_ =	sdelay $0x3  }
0x36: {  	p1 =	seq.s32 s10, $0x1;
	s10 =	sld [smem:$0x3FB6];
	_ =	sdelay $0x3  }
0x37: {  	[smem:$0x3FB6] =	sst s10  }
0x38: {  	s10 =	sld [smem:$0x3FB7]  }
0x39: {  	_ = 	snop;
	(pc) =	sbr.ind lr, $3  }
0x3a: {  	_ = 	snop  }
0x3b: {  	_ = 	snop  }
0x3c: {  	p2 =	seq.s32 s10, $0x1;
	s10 =	sld [smem:$0x3FB6]  }
0x3d: {  	_ =	shalt  }
0x3e: {  	_ =	shalt  }
0x3f: {  	_ =	shalt  }
0x40: {  	_ =	shalt  }
0x41: {  	_ =	shalt  }
0x42: {  	_ =	shalt  }
0x43: {  	_ =	shalt  }
0x44: {  	_ =	shalt  }
0x45: {  	_ =	shalt  }
0x46: {  	_ =	shalt  }
0x47: {  	_ =	shalt  }
0x48: {  	_ =	shalt  }
0x49: {  	_ =	shalt  }
0x4a: {  	_ =	shalt  }
0x4b: {  	_ =	shalt  }
0x4c: {  	_ =	shalt  }
0x4d: {  	_ =	shalt  }
0x4e: {  	_ =	shalt  }
0x4f: {  	_ =	shalt  }
0x50: {  	_ =	shalt  }
0x51: {  	_ =	shalt  }
0x52: {  	_ =	shalt  }
0x53: {  	_ =	shalt  }
0x54: {  	_ =	shalt  }
0x55: {  	_ =	shalt  }
0x56: {  	_ =	shalt  }
0x57: {  	_ =	shalt  }
0x58: {  	_ =	shalt  }
0x59: {  	_ =	shalt  }
0x5a: {  	_ =	shalt  }
0x5b: {  	_ =	shalt  }
0x5c: {  	_ =	shalt  }
0x5d: {  	_ =	shalt  }
0x5e: {  	_ =	shalt  }
0x5f: {  	_ =	shalt  }
0x60: {  	_ =	shalt  }
0x61: {  	_ =	shalt  }
0x62: {  	_ =	shalt  }
0x63: {  	_ =	shalt  }
0x64: {  	_ =	shalt  }
0x65: {  	_ =	shalt  }
0x66: {  	_ =	shalt  }
0x67: {  	_ =	shalt  }
0x68: {  	_ =	shalt  }
0x69: {  	_ =	shalt  }
0x6a: {  	_ =	shalt  }
0x6b: {  	_ =	shalt  }
0x6c: {  	_ =	shalt  }
0x6d: {  	_ =	shalt  }
0x6e: {  	_ =	shalt  }
0x6f: {  	_ =	shalt  }
0x70: {  	_ =	shalt  }
0x71: {  	_ =	shalt  }
0x72: {  	_ =	shalt  }
0x73: {  	_ =	shalt  }
0x74: {  	_ =	shalt  }
0x75: {  	_ =	shalt  }
0x76: {  	_ =	shalt  }
0x77: {  	_ =	shalt  }
0x78: {  	_ =	shalt  }
0x79: {  	_ =	shalt  }
0x7a: {  	_ =	shalt  }
0x7b: {  	_ =	shalt  }
0x7c: {  	_ =	shalt  }
0x7d: {  	_ =	shalt  }
0x7e: {  	_ =	shalt  }
0x7f: {  	_ =	shalt  }
0x80: {  	_ =	shalt  }
0x81: {  	_ =	shalt  }
0x82: {  	_ =	shalt  }
0x83: {  	_ =	shalt  }
0x84: {  	_ =	shalt  }
0x85: {  	_ =	shalt  }
0x86: {  	_ =	shalt  }
0x87: {  	_ =	shalt  }
.Lfunc_end0:
.L_simem_size_0:
called_computation.2_lowered:
.L_overlay_start_0:
0x88: {  	s2 =	sld [smem:$0x3FD9]  }
0x89: {  	s3 =	sld [smem:$0x3FFE];
	_ =	sdelay $0x1  }
0x8a: {  	s1 =	srdreg.scid  }
0x8b: {  	s0 =	sand.u32 $0x1, s1  }
0x8c: {  	s16 =	sshll.u32 s0, $0xA;
	s2 =	sadd.s32 s3, s2  }
0x8d: {  	s2 =	sadd.s32 s2, s16  }
0x8e: {  	[smem:$0x3FC2] =	sst s2  }
0x8f: {  	_ = 	snop  }
0x90: {  	(tm) =	ssettm $0x1  }
0x91: {  	s17 =	sld [smem:$0x3FFB];
	_ =	sdelay $0x3  }
0x92: {  	_ =	strace s17  }
0x93: {  	s2 =	sld [smem:$0x3FFC];
	_ =	sdelay $0x3  }
0x94: {  	_ =	strace s2  }
0x95: {  	s2 =	sld [smem:$0x3FFD];
	_ =	sdelay $0x3  }
0x96: {  	_ =	strace s2  }
0x97: {  	_ =	strace $0x8FFFFFFF  }
0x98: {  	s18 =	sld [smem:$0x3FDB];
	_ =	sdelay $0x1  }
0x99: {  	s19 =	simm.s32 $_scs_section_size  }
0x9a: {  	s4 =	simm.s32 $_size__tile_overlayer_lowered;
	s5 =	simm.s32 $_tile_overlayer_lowered  }
0x9b: {  	s22 =	simm.s32 $0x1BFF;
	s21 =	sshll.u32 s5, $0x1;
	s2 =	sadd.s32 s19, s18  }
0x9c: {  	s6 =	simm.s32 $0x0;
	s20 =	sshll.u32 s4, $0x1;
	s4 =	sadd.s32 s21, s2  }
0x9d: {  	[timem:s6], [sflag:s22] =	dma.local [hbm:s4], s20  }
0x9e: {  	_ =	swait.ge [sflag:s22], s20  }
0x9f: {  	s3 =	ssub.s32 $0x0, s20;
	[sflag:s22] =	ssyncset.done $0x0  }
0xa0: {  	[sflag:s22] =	ssyncadd.s32 s3;
	_ =	sdelay $0x1  }
0xa1: {  	s23 =	simm.s32 $0x1B8B  }
0xa2: {  	_ =	swait.ge [sflag:s23], $0x1  }
0xa3: {  	[sflag:s23] =	ssyncset.done $0x0  }
0xa4: {  	s25 =	simm.s32 $0x1B8E;
	s24 =	sld [smem:$0x3FFE];
	[sflag:s23] =	ssyncadd.s32 $0xFFFFFFFF  }
0xa5: {  	s26 =	simm.s32 $execute0_lowered;
	[smem:$0x3FD2] =	sst s25  }
0xa6: {  	s4 =	sshll.u32 s26, $0x1;
	_ =	strace $0x8000004C;
	[dreg:$0x1] =	wrdreg $0xFFFFFFFF  }
0xa7: {  	s28 =	simm.s32 $_size_execute0_lowered;
	s2 =	sadd.s32 s2, s4;
	[dreg:$0x0] =	wrdreg $0x0  }
0xa8: {  	s4 =	sshll.u32 s28, $0x1;
	[dreg:$0x2] =	wrdreg s2  }
0xa9: {  	[dreg:$0x3] =	wrdreg s4  }
0xaa: {  	[dreg:$0x4] =	wrdreg $0xC0  }
0xab: {  	_ =	task [dreg:s6], $0x5FFFF  }
0xac: {  	[dreg:$0x1] =	wrdreg $0xFFFFFFFF  }
0xad: {  	[dreg:$0x0] =	wrdreg $0x60  }
0xae: {  	[dreg:$0x2] =	wrdreg s24  }
0xaf: {  	[dreg:$0x3] =	wrdreg $0xA0000  }
0xb0: {  	[dreg:$0x4] =	wrdreg $0xB8800  }
0xb1: {  	[dreg:$0x5] =	wrdreg $0x9  }
0xb2: {  	_ =	task.clear_ibuf [dreg:s6], $0x6FFFF;
	_ =	strace $0x9000004C  }
0xb3: {  	s29 =	simm.s32 $0x9;
	_ =	strace $0x8000004E  }
0xb4: {  	_ =	swait.ge [sflag:s29], $0x1  }
0xb5: {  	[sflag:s29] =	ssyncadd.s32 $0xFFFFFFFF  }
0xb6: {  	_ =	strace $0x9000004E  }
0xb7: {  	_ =	sfence  }
0xb8: {  	s30 =	sld [smem:$0x0];
	_ =	sdelay $0x2  }
0xb9: {  	s31 =	sshll.u32 s1, $0xD;
	s1 =	sshrl.u32 s1, $0x2  }
0xba: {  	s3 =	sand.u32 $0x4000, s31;
	s1 =	sadd.s32 s1, s30  }
0xbb: {  	s0 =	sor.u32 s3, s0;
	s1 =	sshll.u32 s1, $0x11  }
0xbc: {  	s0 =	sor.u32 s1, s0  }
0xbd: {  	s0 =	sadd.s32 $0x8F2B, s0  }
0xbe: {  	[sflag:s0] =	ssyncadd.remote.s32 $0x1  }
0xbf: {  	_ =	sfence.sel $0xFFFF  }
0xc0: {  	[dreg:$0x0] =	wrdreg $0xFFFFFFFF;
	(pc) =	sbr.abs _section_cstart, $3  }
0xc1: {  	[dreg:$0x1] =	wrdreg $0xFFFFFFFF  }
0xc2: {  	_ =	task.clear_ibuf [dreg:s6], $0x2FFFF;
	_ =	strace $0x9FFFFFFF  }
0xc3: {  	(tm) =	ssettm $0x7FFFFFFF  }
tec
execute0_lowered:
.L_overlay_start_1:
0x0: {  	(tag) =	ssettag $0x1  }
0x1: {  	s0 =	rddreg [dreg:$0x0]  }
0x2: {  	s2 =	rddreg [dreg:$0x1]  }
0x3: {  	s3 =	rddreg [dreg:$0x2]  }
0x4: {  	s4 =	simm.s32 $0x0;
	s14 =	stileid.u32;
	s1 =	srdreg.scid  }
0x5: {  	s28 =	simm.s32 $0x1000;
	s29 =	simm.s32 $0x5000;
	s30 =	simm.s32 $0x1  }
0x6: {  	s31 =	simm.s32 $0xFA0;
	[smem:$0x7FF] =	sst s4;
	s7 =	smul.u32 $0x1880, s14  }
0x7: {  	s1 =	sand.u32 $0x1, s1;
	s5 =	sadd.s32 $0x63C00, s0;
	s6 =	sadd.s32 $0x2000, s0  }
0x8: {  	s12 =	sshll.u32 s14, $0x1;
	s24 =	sshll.u32 s14, $0x6;
	s26 =	smul.u32 $0x30D40, s14  }
0x9: {  	_ =	strace $0x8000004D;
	s8 =	smul.u32 $0x18800, s1;
	s10 =	ssub.s32 $0x2, s1  }
0xa: {  	s23 =	sor.u32 s1, s12;
	s16 =	sor.u32 $0x1C05, s24;
	s1 =	smul.u32 $0x186A0, s1  }
0xb: {  	s12 =	simm.s32 $0x7000;
	s9 =	sshrl.u32 s7, $0x3;
	s11 =	sshrl.u32 s10, $0x1  }
0xc: {  	s13 =	smul.u32 $0x186A0, s23;
	[dreg:$0x5] =	wrdreg s16;
	s9 =	sadd.s32 s9, s0  }
0xd: {  	s8 =	sadd.s32 s7, s8;
	s10 =	ssub.s32 s10, s11;
	s11 =	sadd.s32 s7, s2  }
0xe: {  	s7 =	sadd.s32 s7, s3;
	s1 =	sadd.s32 s1, s26;
	s8 =	sshrl.u32 s8, $0x3  }
0xf: {  	s25 =	sadd.s32 $0xC8A00, s9;
	[dreg:$0x6] =	wrdreg s7;
	s14 =	sshrl.u32 s13, $0x3  }
0x10: {  	s15 =	sadd.s32 $0xC5800, s9;
	s21 =	sadd.s32 $0x4E20, s1;
	s22 =	smax.u32 s10, $0x1  }
0x11: {  	s23 =	sadd.s32 $0x3E80, s1;
	s24 =	sadd.s32 $0x2EE0, s1;
	s1 =	sadd.s32 $0x1F40, s1  }
0x12: {  	s26 =	sshrl.u32 s11, $0x3;
	s9 =	simm.s32 $0x2;
	[dreg:$0x4] =	wrdreg s25  }
0x13: {  	s10 =	simm.s32 $0x9000;
	s11 =	simm.s32 $0x3000;
	[dreg:$0x7] =	wrdreg s15  }
0x14: {  	s13 =	simm.s32 $0x3;
	s0 =	sadd.s32 s8, s0;
	[dreg:$0xd] =	wrdreg s22  }
0x15: {  	s17 =	sadd.s32 s5, s14;
	s18 =	sadd.s32 $0x1F4, s14;
	[dreg:$0xe] =	wrdreg s23  }
0x16: {  	s7 =	sadd.s32 s6, s14;
	s25 =	sshrl.u32 s24, $0x3;
	[dreg:$0xf] =	wrdreg s26  }
0x17: {  	s1 =	sshrl.u32 s1, $0x3;
	s26 =	simm.s32 $0x4000;
	[dreg:$0x8] =	wrdreg s17  }
0x18: {  	s14 =	simm.s32 $0x4;
	s15 =	simm.s32 $0x0;
	[dreg:$0x9] =	wrdreg s7  }
0x19: {  	s19 =	sadd.s32 s5, s18;
	s20 =	sadd.s32 s6, s18;
	s0 =	sadd.s32 $0xCBC00, s0  }
.Ltmp0:
0x1a: {  	s22 =	sadd.s32 s1, s6;
	[dreg:$0xa] =	wrdreg s19;
	(pc) =	sbr.rel .LBB2_1-.Ltmp0, $4  }
0x1b: {  	s23 =	sadd.s32 s1, s5;
	s1 =	simm.s32 $0x2000;
	[dreg:$0xb] =	wrdreg s20  }
0x1c: {  	s7 =	simm.s32 $0x6000;
	[dreg:$0xc] =	wrdreg s0;
	s0 =	sshrl.u32 s21, $0x3  }
0x1d: {  	s20 =	sadd.s32 s25, s6;
	s21 =	sadd.s32 s25, s5;
	s25 =	simm.s32 $0x5  }
0x1e: {  	s18 =	sadd.s32 s0, s6;
	s19 =	sadd.s32 s0, s5;
	s0 =	simm.s32 $0x8000  }
.LBB2_4:
0x1f: {  	_ =	swait.ge [sflag:s30], $0xFA0  }
0x20: {  	[sflag:s30] =	ssyncset.done $0x0  }
0x21: {  	[sflag:s30] =	ssyncadd.s32 $0xFFFFF060  }
0x22: {  	_ =	swait.ge [sflag:s30], $0xFA0  }
0x23: {  	[sflag:s30] =	ssyncset.done $0x0  }
0x24: {  	[sflag:s30] =	ssyncadd.s32 $0xFFFFF060  }
0x25: {  	[tilespmem:s0], [sflag:$0x5] =	stream.indirect.gather [spmem:s2], $0x1, s4, s31, $0xb8;
	[tilespmem:$0xD100] =	vst v63  }
0x26: {  	_ =	swait.ge [sflag:s25], $0xFA0  }
0x27: {  	[sflag:s25] =	ssyncset.done $0x0  }
0x28: {  	[sflag:s25] =	ssyncadd.s32 $0xFFFFF060  }
0x29: {  	[spmem:s3] =	stream.indirect.scatter.add.f32 [tilespmem:s0], [sflag:$0x5], $0x1, s26, s31, $0xb8;
	[tilespmem:$0xD100] =	vst v63  }
0x2a: {  	_ =	swait.ge [sflag:s25], $0xFA0  }
0x2b: {  	[sflag:s25] =	ssyncset.done $0x0  }
0x2c: {  	[sflag:s25] =	ssyncadd.s32 $0xFFFFF060  }
0x2d: {  	[bflag:$0x0] =	sbarrier.arrive $0xFFFF  }
0x2e: {  	s16 =	rddreg [dreg:$0x5]  }
0x2f: {  	s8 =	rddreg [dreg:$0xc]  }
0x30: {  	s17 =	rddreg [dreg:$0x10]  }
0x31: {  	[hbm:s8], [sflag:s16] =	dma.local [spmem:s17], $0x310  }
0x32: {  	_ =	swait.ge [sflag:s25], $0x310  }
0x33: {  	s15 =	sadd.s32 $0x1, s15;
	s24 =	rddreg [dreg:$0xd]  }
0x34: {  	p0 =	sne.s32 s15, s24  }
.Ltmp1:
0x35: {  	_ = 	snop;
	(pc) =	sbr.rel @!p0 .LBB2_5-.Ltmp1, $3  }
0x36: {  	_ =	sdelay $0x1  }
0x37: {  	[sflag:s25] =	ssyncset.done $0x0  }
0x38: {  	[sflag:s25] =	ssyncadd.s32 $0xFFFFFCF0  }
.LBB2_1:
0x39: {  	s8 =	rddreg [dreg:$0x4]  }
0x3a: {  	s17 =	rddreg [dreg:$0xf]  }
0x3b: {  	[spmem:s17], [sflag:s16] =	dma.local [hbm:s8], $0x310  }
0x3c: {  	_ =	swait.ge [sflag:s25], $0x310  }
0x3d: {  	s24 =	rddreg [dreg:$0x6]  }
0x3e: {  	[sflag:s25] =	ssyncset.done $0x0;
	s8 =	sshrl.u32 s24, $0x3;
	s24 =	rddreg [dreg:$0x7]  }
0x3f: {  	[sflag:s25] =	ssyncadd.s32 $0xFFFFFCF0;
	[dreg:$0x10] =	wrdreg s8  }
0x40: {  	[spmem:s8], [sflag:s16] =	dma.local [hbm:s24], $0x310  }
0x41: {  	_ =	swait.ge [sflag:s25], $0x310  }
0x42: {  	[sflag:s25] =	ssyncset.done $0x0  }
0x43: {  	[sflag:s25] =	ssyncadd.s32 $0xFFFFFCF0  }
0x44: {  	[bflag:$0x0] =	sbarrier.arrive $0xFFFF  }
0x45: {  	s24 =	rddreg [dreg:$0x8]  }
0x46: {  	[tilespmem:s4], [sflag:$0x1] =	stream.linear.gather [hbm4b:s24+s4], $0xFA0, $0x38;
	[tilespmem:$0xD100] =	vst v63  }
0x47: {  	s16 =	rddreg [dreg:$0x9]  }
0x48: {  	[tilespmem:s26], [sflag:$0x1] =	stream.linear.gather [hbm4b:s16+s4], $0xFA0, $0x38;
	[tilespmem:$0xD100] =	vst v63  }
0x49: {  	s17 =	rddreg [dreg:$0xa]  }
0x4a: {  	[tilespmem:s28], [sflag:$0x2] =	stream.linear.gather [hbm4b:s17+s4], $0xFA0, $0x38;
	[tilespmem:$0xD100] =	vst v63  }
0x4b: {  	s24 =	rddreg [dreg:$0xb]  }
0x4c: {  	[tilespmem:s29], [sflag:$0x2] =	stream.linear.gather [hbm4b:s24+s4], $0xFA0, $0x38;
	[tilespmem:$0xD100] =	vst v63  }
0x4d: {  	s17 =	rddreg [dreg:$0xe];
	s24 =	simm.s32 $0x0  }
.LBB2_2:
0x4e: {  	_ =	swait.ge [sflag:s30], $0xFA0  }
0x4f: {  	[sflag:s30] =	ssyncset.done $0x0  }
0x50: {  	[sflag:s30] =	ssyncadd.s32 $0xFFFFF060  }
0x51: {  	_ =	swait.ge [sflag:s30], $0xFA0  }
0x52: {  	[sflag:s30] =	ssyncset.done $0x0  }
0x53: {  	[sflag:s30] =	ssyncadd.s32 $0xFFFFF060  }
0x54: {  	[tilespmem:s0], [sflag:$0x5] =	stream.indirect.gather [spmem:s2], $0x1, s4, s31, $0xb8;
	[tilespmem:$0xD100] =	vst v63  }
0x55: {  	_ =	swait.ge [sflag:s25], $0xFA0  }
0x56: {  	[sflag:s25] =	ssyncset.done $0x0  }
0x57: {  	[sflag:s25] =	ssyncadd.s32 $0xFFFFF060  }
0x58: {  	[spmem:s3] =	stream.indirect.scatter.add.f32 [tilespmem:s0], [sflag:$0x5], $0x1, s26, s31, $0xb8;
	[tilespmem:$0xD100] =	vst v63  }
0x59: {  	_ =	swait.ge [sflag:s25], $0xFA0  }
0x5a: {  	[sflag:s25] =	ssyncset.done $0x0  }
0x5b: {  	s8 =	sadd.s32 s24, s23;
	[sflag:s25] =	ssyncadd.s32 $0xFFFFF060  }
0x5c: {  	[tilespmem:s1], [sflag:$0x3] =	stream.linear.gather [hbm4b:s8+s4], $0xFA0, $0x38;
	[tilespmem:$0xD100] =	vst v63  }
0x5d: {  	s16 =	sadd.s32 s24, s22  }
0x5e: {  	[tilespmem:s7], [sflag:$0x3] =	stream.linear.gather [hbm4b:s16+s4], $0xFA0, $0x38;
	[tilespmem:$0xD100] =	vst v63  }
0x5f: {  	_ =	swait.ge [sflag:s9], $0xFA0  }
0x60: {  	[sflag:s9] =	ssyncset.done $0x0  }
0x61: {  	[sflag:s9] =	ssyncadd.s32 $0xFFFFF060  }
0x62: {  	_ =	swait.ge [sflag:s9], $0xFA0  }
0x63: {  	[sflag:s9] =	ssyncset.done $0x0  }
0x64: {  	[sflag:s9] =	ssyncadd.s32 $0xFFFFF060  }
0x65: {  	[tilespmem:s10], [sflag:$0x5] =	stream.indirect.gather [spmem:s2], $0x1, s28, s31, $0xb8;
	[tilespmem:$0xD100] =	vst v63  }
0x66: {  	_ =	swait.ge [sflag:s25], $0xFA0  }
0x67: {  	[sflag:s25] =	ssyncset.done $0x0  }
0x68: {  	[sflag:s25] =	ssyncadd.s32 $0xFFFFF060  }
0x69: {  	[spmem:s3] =	stream.indirect.scatter.add.f32 [tilespmem:s10], [sflag:$0x5], $0x1, s29, s31, $0xb8;
	[tilespmem:$0xD100] =	vst v63  }
0x6a: {  	_ =	swait.ge [sflag:s25], $0xFA0  }
0x6b: {  	[sflag:s25] =	ssyncset.done $0x0  }
0x6c: {  	s16 =	sadd.s32 s24, s21;
	[sflag:s25] =	ssyncadd.s32 $0xFFFFF060  }
0x6d: {  	[tilespmem:s11], [sflag:$0x4] =	stream.linear.gather [hbm4b:s16+s4], $0xFA0, $0x38;
	[tilespmem:$0xD100] =	vst v63  }
0x6e: {  	s16 =	sadd.s32 s24, s20  }
0x6f: {  	[tilespmem:s12], [sflag:$0x4] =	stream.linear.gather [hbm4b:s16+s4], $0xFA0, $0x38;
	[tilespmem:$0xD100] =	vst v63  }
0x70: {  	_ =	swait.ge [sflag:s13], $0xFA0  }
0x71: {  	[sflag:s13] =	ssyncset.done $0x0  }
0x72: {  	[sflag:s13] =	ssyncadd.s32 $0xFFFFF060  }
0x73: {  	_ =	swait.ge [sflag:s13], $0xFA0  }
0x74: {  	[sflag:s13] =	ssyncset.done $0x0  }
0x75: {  	[sflag:s13] =	ssyncadd.s32 $0xFFFFF060  }
0x76: {  	[tilespmem:s0], [sflag:$0x5] =	stream.indirect.gather [spmem:s2], $0x1, s1, s31, $0xb8;
	[tilespmem:$0xD100] =	vst v63  }
0x77: {  	_ =	swait.ge [sflag:s25], $0xFA0  }
0x78: {  	[sflag:s25] =	ssyncset.done $0x0  }
0x79: {  	[sflag:s25] =	ssyncadd.s32 $0xFFFFF060  }
0x7a: {  	[spmem:s3] =	stream.indirect.scatter.add.f32 [tilespmem:s0], [sflag:$0x5], $0x1, s7, s31, $0xb8;
	[tilespmem:$0xD100] =	vst v63  }
0x7b: {  	_ =	swait.ge [sflag:s25], $0xFA0  }
0x7c: {  	s8 =	sshrl.u32 s17, $0x3;
	[sflag:s25] =	ssyncset.done $0x0  }
0x7d: {  	s16 =	sadd.s32 s5, s8;
	[sflag:s25] =	ssyncadd.s32 $0xFFFFF060  }
0x7e: {  	[tilespmem:s4], [sflag:$0x1] =	stream.linear.gather [hbm4b:s16+s4], $0xFA0, $0x38;
	[tilespmem:$0xD100] =	vst v63  }
0x7f: {  	s8 =	sadd.s32 s6, s8  }
0x80: {  	[tilespmem:s26], [sflag:$0x1] =	stream.linear.gather [hbm4b:s8+s4], $0xFA0, $0x38;
	[tilespmem:$0xD100] =	vst v63  }
0x81: {  	_ =	swait.ge [sflag:s14], $0xFA0  }
0x82: {  	[sflag:s14] =	ssyncset.done $0x0  }
0x83: {  	[sflag:s14] =	ssyncadd.s32 $0xFFFFF060  }
0x84: {  	_ =	swait.ge [sflag:s14], $0xFA0  }
0x85: {  	[sflag:s14] =	ssyncset.done $0x0  }
0x86: {  	[sflag:s14] =	ssyncadd.s32 $0xFFFFF060  }
0x87: {  	[tilespmem:s10], [sflag:$0x5] =	stream.indirect.gather [spmem:s2], $0x1, s11, s31, $0xb8;
	[tilespmem:$0xD100] =	vst v63  }
0x88: {  	_ =	swait.ge [sflag:s25], $0xFA0  }
0x89: {  	p0 =	seq.s32 s24, $0x2710;
	[sflag:s25] =	ssyncset.done $0x0  }
.Ltmp2:
0x8a: {  	[sflag:s25] =	ssyncadd.s32 $0xFFFFF060;
	(pc) =	sbr.rel @p0 .LBB2_4-.Ltmp2, $4  }
0x8b: {  	[spmem:s3] =	stream.indirect.scatter.add.f32 [tilespmem:s10], [sflag:$0x5], $0x1, s12, s31, $0xb8;
	[tilespmem:$0xD100] =	vst v63  }
0x8c: {  	_ =	swait.ge [sflag:s25], $0xFA0  }
0x8d: {  	[sflag:s25] =	ssyncset.done $0x0  }
0x8e: {  	[sflag:s25] =	ssyncadd.s32 $0xFFFFF060  }
.Ltmp3:
0x8f: {  	(pc) =	sbr.rel .LBB2_2-.Ltmp3, $4  }
0x90: {  	s8 =	sadd.s32 s24, s19  }
0x91: {  	[tilespmem:s28], [sflag:$0x2] =	stream.linear.gather [hbm4b:s8+s4], $0xFA0, $0x38;
	[tilespmem:$0xD100] =	vst v63  }
0x92: {  	s16 =	sadd.s32 s24, s18;
	s24 =	sadd.s32 $0x7D0, s24;
	s17 =	sadd.s32 $0x3E80, s17  }
0x93: {  	[tilespmem:s29], [sflag:$0x2] =	stream.linear.gather [hbm4b:s16+s4], $0xFA0, $0x38;
	[tilespmem:$0xD100] =	vst v63  }
.LBB2_5:
0x94: {  	_ =	sfence.sel $0x180000  }
0x95: {  	[bflag:$0x0] =	sbarrier.arrive $0xFFFF  }
0x96: {  	_ =	strace $0x9000004D  }
0x97: {  	s0 =	stileid.u32;
	[bflag:$0x2] =	sbarrier.arrive $0xFFFF  }
0x98: {  	p0 =	sne.s32 s0, $0x0;
	s0 =	rddreg [dreg:$0x3]  }
0x99: {  	s0 =	sadd.s32 @!p0 $0x100000, s0  }
0x9a: {  	[sflag:s0] =	ssyncadd.tile.s32 @!p0 $0x1;
	_ =	shalt  }
.Lfunc_end2:
_tile_overlayer_lowered:
.L_overlay_start_2:
0x9b: {  	(tag) =	ssettag $0x2  }
0x9c: {  	s0 =	rddreg [dreg:$0x0];
	s2 =	stileid.u32  }
0x9d: {  	s1 =	rddreg [dreg:$0x1];
	p0 =	sne.s32 s2, $0x0  }
0x9e: {  	s3 =	rddreg [dreg:$0x2];
	[bflag:$0x3] =	sbarrier.arrive $0xFFFF;
	s2 =	simm.s32 @!p0 $0x1C05  }
0x9f: {  	[timem:s3], [sflag:s2] =	dma.local @!p0 [hbm:s0], s1  }
0xa0: {  	s0 =	simm.s32 @!p0 $0x5  }
0xa1: {  	_ =	swait.ge @!p0 [sflag:s0], s1  }
0xa2: {  	s1 =	ssub.s32 @!p0 $0x0, s1;
	[sflag:s0] =	ssyncset.done @!p0 $0x0  }
0xa3: {  	[sflag:s0] =	ssyncadd.s32 @!p0 s1  }
0xa4: {  	[bflag:$0x3] =	sbarrier.arrive $0xFFFF  }
0xa5: {  	_ =	shalt  }

// kernel: kernel.8.cloned.1.call-start
scs
__scs_entry_jumppad:
0x0: {  	(pc) =	sbr.rel $0x88, $3  }
0x1: {  	(tag) =	ssettag $0x0;
	lr =	simm.s32 $0x1  }
0x2: {  	[smem:$0x3F9B] =	sst lr;
	_ =	strace $0xD0000000  }
0x3: {  	_ = 	snop  }
0x4: {  	_ = 	snop  }
0x5: {  	_ = 	snop  }
0x6: {  	_ = 	snop  }
0x7: {  	_ = 	snop  }
__scs_overlays_trampoline_lowered:
0x8: {  	[smem:$0x3FAA] =	sst s0  }
0x9: {  	[smem:$0x3FAB] =	sst s1  }
0xa: {  	[smem:$0x3FAC] =	sst s2  }
0xb: {  	[smem:$0x3FAD] =	sst s3  }
0xc: {  	[smem:$0x3FAE] =	sst s4  }
0xd: {  	[smem:$0x3FAF] =	sst s5  }
0xe: {  	[smem:$0x3FB0] =	sst s6  }
0xf: {  	[smem:$0x3FB1] =	sst s7  }
0x10: {  	[smem:$0x3FB2] =	sst s8  }
0x11: {  	[smem:$0x3FB3] =	sst s9;
	s0 =	simm.s32 @!p0 $0x0  }
0x12: {  	s1 =	sld [smem:$0x3F99];
	s0 =	simm.s32 @p0 $0x1  }
0x13: {  	[smem:$0x3FB4] =	sst s0;
	s0 =	simm.s32 @!p1 $0x0  }
0x14: {  	s2 =	sld [smem:$0x3F98];
	s0 =	simm.s32 @p1 $0x1  }
0x15: {  	[smem:$0x3FB5] =	sst s0;
	s0 =	simm.s32 @!p2 $0x0  }
0x16: {  	s3 =	sld [smem:$0x3FDB];
	s0 =	simm.s32 @p2 $0x1  }
0x17: {  	s4 =	simm.s32 $0x1BF5;
	[smem:$0x3FB7] =	sst s0  }
0x18: {  	s0 =	sld [smem:$0x3F9A];
	_ =	swait.ge [sflag:s4], $0x0  }
0x19: {  	s7 =	sld [smem:$0x3F9B]  }
0x1a: {  	s8 =	sadd.s32 $0xFFFFE003, lr  }
0x1b: {  	s9 =	sadd.s32 $0xFFFFFEF7, lr;
	s5 =	simm.s32 $0xFFFFFFFF;
	p2 =	slt.u32 s8, $0xFFFFF086  }
0x1c: {  	p1 =	slt.u32 s9, $0xF7A;
	s5 =	simm.s32 @!p2 $0x0  }
0x1d: {  	s5 =	simm.s32 @p1 $0x1;
	p0 =	seq.s32 s7, s2  }
0x1e: {  	s7 =	smul.u32 @!p0 $0xF7A, s2;
	p2 =	seq.s32 @!p0 s5, $0x0  }
0x1f: {  	s9 =	smul.u32 $0xF7A, s1;
	s8 =	simm.s32 @!p0 $0x1BF5;
	p2 =	por !p2, p0  }
0x20: {  	[sflag:s8] =	ssyncset.s32 @!p0 $0xFFFFF086;
	s6 =	sadd.s32 @!p0 s3, s7;
	s7 =	simm.s32 @!p0 $0x108  }
0x21: {  	s3 =	sadd.s32 s3, s9;
	s6 =	sadd.s32 @!p0 $0x88, s6;
	s7 =	simm.s32 @p2 $0x1082  }
0x22: {  	[simem:s7], [sflag:s8] =	dma.local @!p0 [hbm:s6], $0xF7A  }
0x23: {  	s9 =	sor.u32 $0xD0000000, s2;
	s6 =	simm.s32 $0x108;
	_ =	swait.ge @!p0 [sflag:s8], $0x0  }
0x24: {  	s3 =	sadd.s32 $0x88, s3;
	s6 =	simm.s32 @!p1 $0x1082;
	[sflag:s4] =	ssyncset.s32 $0xFFFFF086  }
0x25: {  	[simem:s6], [sflag:s4] =	dma.local [hbm:s3], $0xF7A  }
0x26: {  	[smem:$0x3F9B] =	sst s1;
	(tag) =	ssettag s2;
	_ =	strace s9  }
0x27: {  	s1 =	sld [smem:$0x3FAB]  }
0x28: {  	s2 =	sld [smem:$0x3FAC]  }
0x29: {  	s4 =	sld [smem:$0x3FAE]  }
0x2a: {  	p0 =	seq.s32 s5, $0x0;
	s5 =	sld [smem:$0x3FAF]  }
0x2b: {  	s6 =	sld [smem:$0x3FB0]  }
0x2c: {  	s7 =	sld [smem:$0x3FB1]  }
0x2d: {  	s3 =	simm.s32 $0x108;
	s8 =	sld [smem:$0x3FB2]  }
0x2e: {  	s3 =	simm.s32 @!p0 $0x1082;
	s9 =	sld [smem:$0x3FB3]  }
0x2f: {  	lr =	sadd.s32 s0, s3;
	s0 =	sld [smem:$0x3FAA]  }
0x30: {  	s3 =	sld [smem:$0x3FAD]  }
0x31: {  	[smem:$0x3FB6] =	sst s10  }
0x32: {  	s10 =	sld [smem:$0x3FB4];
	_ =	sdelay $0x3  }
0x33: {  	p0 =	seq.s32 s10, $0x1;
	s10 =	sld [smem:$0x3FB6];
	_ =	sdelay $0x3  }
0x34: {  	[smem:$0x3FB6] =	sst s10  }
0x35: {  	s10 =	sld [smem:$0x3FB5];
	_ =	sdelay $0x3  }
0x36: {  	p1 =	seq.s32 s10, $0x1;
	s10 =	sld [smem:$0x3FB6];
	_ =	sdelay $0x3  }
0x37: {  	[smem:$0x3FB6] =	sst s10  }
0x38: {  	s10 =	sld [smem:$0x3FB7]  }
0x39: {  	_ = 	snop;
	(pc) =	sbr.ind lr, $3  }
0x3a: {  	_ = 	snop  }
0x3b: {  	_ = 	snop  }
0x3c: {  	p2 =	seq.s32 s10, $0x1;
	s10 =	sld [smem:$0x3FB6]  }
0x3d: {  	_ =	shalt  }
0x3e: {  	_ =	shalt  }
0x3f: {  	_ =	shalt  }
0x40: {  	_ =	shalt  }
0x41: {  	_ =	shalt  }
0x42: {  	_ =	shalt  }
0x43: {  	_ =	shalt  }
0x44: {  	_ =	shalt  }
0x45: {  	_ =	shalt  }
0x46: {  	_ =	shalt  }
0x47: {  	_ =	shalt  }
0x48: {  	_ =	shalt  }
0x49: {  	_ =	shalt  }
0x4a: {  	_ =	shalt  }
0x4b: {  	_ =	shalt  }
0x4c: {  	_ =	shalt  }
0x4d: {  	_ =	shalt  }
0x4e: {  	_ =	shalt  }
0x4f: {  	_ =	shalt  }
0x50: {  	_ =	shalt  }
0x51: {  	_ =	shalt  }
0x52: {  	_ =	shalt  }
0x53: {  	_ =	shalt  }
0x54: {  	_ =	shalt  }
0x55: {  	_ =	shalt  }
0x56: {  	_ =	shalt  }
0x57: {  	_ =	shalt  }
0x58: {  	_ =	shalt  }
0x59: {  	_ =	shalt  }
0x5a: {  	_ =	shalt  }
0x5b: {  	_ =	shalt  }
0x5c: {  	_ =	shalt  }
0x5d: {  	_ =	shalt  }
0x5e: {  	_ =	shalt  }
0x5f: {  	_ =	shalt  }
0x60: {  	_ =	shalt  }
0x61: {  	_ =	shalt  }
0x62: {  	_ =	shalt  }
0x63: {  	_ =	shalt  }
0x64: {  	_ =	shalt  }
0x65: {  	_ =	shalt  }
0x66: {  	_ =	shalt  }
0x67: {  	_ =	shalt  }
0x68: {  	_ =	shalt  }
0x69: {  	_ =	shalt  }
0x6a: {  	_ =	shalt  }
0x6b: {  	_ =	shalt  }
0x6c: {  	_ =	shalt  }
0x6d: {  	_ =	shalt  }
0x6e: {  	_ =	shalt  }
0x6f: {  	_ =	shalt  }
0x70: {  	_ =	shalt  }
0x71: {  	_ =	shalt  }
0x72: {  	_ =	shalt  }
0x73: {  	_ =	shalt  }
0x74: {  	_ =	shalt  }
0x75: {  	_ =	shalt  }
0x76: {  	_ =	shalt  }
0x77: {  	_ =	shalt  }
0x78: {  	_ =	shalt  }
0x79: {  	_ =	shalt  }
0x7a: {  	_ =	shalt  }
0x7b: {  	_ =	shalt  }
0x7c: {  	_ =	shalt  }
0x7d: {  	_ =	shalt  }
0x7e: {  	_ =	shalt  }
0x7f: {  	_ =	shalt  }
0x80: {  	_ =	shalt  }
0x81: {  	_ =	shalt  }
0x82: {  	_ =	shalt  }
0x83: {  	_ =	shalt  }
0x84: {  	_ =	shalt  }
0x85: {  	_ =	shalt  }
0x86: {  	_ =	shalt  }
0x87: {  	_ =	shalt  }
.Lfunc_end0:
.L_simem_size_0:
called_computation_lowered:
.L_overlay_start_0:
0x88: {  	s2 =	sld [smem:$0x3FD9]  }
0x89: {  	s3 =	sld [smem:$0x3FFE];
	_ =	sdelay $0x1  }
0x8a: {  	s1 =	srdreg.scid  }
0x8b: {  	s0 =	sand.u32 $0x1, s1  }
0x8c: {  	s16 =	sshll.u32 s0, $0xA;
	s2 =	sadd.s32 s3, s2  }
0x8d: {  	s2 =	sadd.s32 s2, s16  }
0x8e: {  	[smem:$0x3FC2] =	sst s2  }
0x8f: {  	_ = 	snop  }
0x90: {  	(tm) =	ssettm $0x1  }
0x91: {  	s17 =	sld [smem:$0x3FFB];
	_ =	sdelay $0x3  }
0x92: {  	_ =	strace s17  }
0x93: {  	s2 =	sld [smem:$0x3FFC];
	_ =	sdelay $0x3  }
0x94: {  	_ =	strace s2  }
0x95: {  	s2 =	sld [smem:$0x3FFD];
	_ =	sdelay $0x3  }
0x96: {  	_ =	strace s2  }
0x97: {  	_ =	strace $0x8FFFFFFF  }
0x98: {  	s18 =	sld [smem:$0x3FDB];
	_ =	sdelay $0x1  }
0x99: {  	s19 =	simm.s32 $_scs_section_size  }
0x9a: {  	s4 =	simm.s32 $_size__tile_overlayer_lowered;
	s5 =	simm.s32 $_tile_overlayer_lowered  }
0x9b: {  	s22 =	simm.s32 $0x1BFF;
	s21 =	sshll.u32 s5, $0x1;
	s2 =	sadd.s32 s19, s18  }
0x9c: {  	s6 =	simm.s32 $0x0;
	s20 =	sshll.u32 s4, $0x1;
	s4 =	sadd.s32 s21, s2  }
0x9d: {  	[timem:s6], [sflag:s22] =	dma.local [hbm:s4], s20  }
0x9e: {  	_ =	swait.ge [sflag:s22], s20  }
0x9f: {  	s3 =	ssub.s32 $0x0, s20;
	[sflag:s22] =	ssyncset.done $0x0  }
0xa0: {  	[sflag:s22] =	ssyncadd.s32 s3;
	_ =	sdelay $0x1  }
0xa1: {  	s23 =	simm.s32 $0x1B8B  }
0xa2: {  	_ =	swait.ge [sflag:s23], $0x1  }
0xa3: {  	[sflag:s23] =	ssyncset.done $0x0  }
0xa4: {  	s25 =	simm.s32 $0x1B8E;
	s24 =	sld [smem:$0x3FFE];
	[sflag:s23] =	ssyncadd.s32 $0xFFFFFFFF  }
0xa5: {  	s26 =	simm.s32 $execute0_lowered;
	[smem:$0x3FD2] =	sst s25  }
0xa6: {  	s4 =	sshll.u32 s26, $0x1;
	_ =	strace $0x80000046;
	[dreg:$0x1] =	wrdreg $0xFFFFFFFF  }
0xa7: {  	s28 =	simm.s32 $_size_execute0_lowered;
	s2 =	sadd.s32 s2, s4;
	[dreg:$0x0] =	wrdreg $0x0  }
0xa8: {  	s4 =	sshll.u32 s28, $0x1;
	[dreg:$0x2] =	wrdreg s2  }
0xa9: {  	[dreg:$0x3] =	wrdreg s4  }
0xaa: {  	[dreg:$0x4] =	wrdreg $0xC0  }
0xab: {  	_ =	task [dreg:s6], $0x5FFFF  }
0xac: {  	[dreg:$0x1] =	wrdreg $0xFFFFFFFF  }
0xad: {  	[dreg:$0x0] =	wrdreg $0x60  }
0xae: {  	[dreg:$0x2] =	wrdreg s24  }
0xaf: {  	[dreg:$0x3] =	wrdreg $0xA0000  }
0xb0: {  	[dreg:$0x4] =	wrdreg $0xB8800  }
0xb1: {  	[dreg:$0x5] =	wrdreg $0x9  }
0xb2: {  	_ =	task.clear_ibuf [dreg:s6], $0x6FFFF;
	_ =	strace $0x90000046  }
0xb3: {  	s29 =	simm.s32 $0x9;
	_ =	strace $0x80000048  }
0xb4: {  	_ =	swait.ge [sflag:s29], $0x1  }
0xb5: {  	[sflag:s29] =	ssyncadd.s32 $0xFFFFFFFF  }
0xb6: {  	_ =	strace $0x90000048  }
0xb7: {  	_ =	sfence  }
0xb8: {  	s30 =	sld [smem:$0x0];
	_ =	sdelay $0x2  }
0xb9: {  	s31 =	sshll.u32 s1, $0xD;
	s1 =	sshrl.u32 s1, $0x2  }
0xba: {  	s3 =	sand.u32 $0x4000, s31;
	s1 =	sadd.s32 s1, s30  }
0xbb: {  	s0 =	sor.u32 s3, s0;
	s1 =	sshll.u32 s1, $0x11  }
0xbc: {  	s0 =	sor.u32 s1, s0  }
0xbd: {  	s0 =	sadd.s32 $0x8F2B, s0  }
0xbe: {  	[sflag:s0] =	ssyncadd.remote.s32 $0x1  }
0xbf: {  	_ =	sfence.sel $0xFFFF  }
0xc0: {  	[dreg:$0x0] =	wrdreg $0xFFFFFFFF;
	(pc) =	sbr.abs _section_cstart, $3  }
0xc1: {  	[dreg:$0x1] =	wrdreg $0xFFFFFFFF  }
0xc2: {  	_ =	task.clear_ibuf [dreg:s6], $0x2FFFF;
	_ =	strace $0x9FFFFFFF  }
0xc3: {  	(tm) =	ssettm $0x7FFFFFFF  }
tec
execute0_lowered:
.L_overlay_start_1:
0x0: {  	(tag) =	ssettag $0x1  }
0x1: {  	s0 =	rddreg [dreg:$0x0]  }
0x2: {  	s2 =	rddreg [dreg:$0x1]  }
0x3: {  	s3 =	rddreg [dreg:$0x2]  }
0x4: {  	s4 =	simm.s32 $0x0;
	s14 =	stileid.u32;
	s1 =	srdreg.scid  }
0x5: {  	s28 =	simm.s32 $0x1000;
	s29 =	simm.s32 $0x5000;
	s30 =	simm.s32 $0x1  }
0x6: {  	s31 =	simm.s32 $0xFA0;
	[smem:$0x7FF] =	sst s4;
	s7 =	smul.u32 $0x1880, s14  }
0x7: {  	s1 =	sand.u32 $0x1, s1;
	s5 =	sadd.s32 $0x63C00, s0;
	s6 =	sadd.s32 $0x2000, s0  }
0x8: {  	s12 =	sshll.u32 s14, $0x1;
	s24 =	sshll.u32 s14, $0x6;
	s26 =	smul.u32 $0x30D40, s14  }
0x9: {  	_ =	strace $0x80000047;
	s8 =	smul.u32 $0x18800, s1;
	s10 =	ssub.s32 $0x2, s1  }
0xa: {  	s23 =	sor.u32 s1, s12;
	s16 =	sor.u32 $0x1C05, s24;
	s1 =	smul.u32 $0x186A0, s1  }
0xb: {  	s12 =	simm.s32 $0x7000;
	s9 =	sshrl.u32 s7, $0x3;
	s11 =	sshrl.u32 s10, $0x1  }
0xc: {  	s13 =	smul.u32 $0x186A0, s23;
	[dreg:$0x5] =	wrdreg s16;
	s9 =	sadd.s32 s9, s0  }
0xd: {  	s8 =	sadd.s32 s7, s8;
	s10 =	ssub.s32 s10, s11;
	s11 =	sadd.s32 s7, s2  }
0xe: {  	s7 =	sadd.s32 s7, s3;
	s1 =	sadd.s32 s1, s26;
	s8 =	sshrl.u32 s8, $0x3  }
0xf: {  	s25 =	sadd.s32 $0xC8A00, s9;
	[dreg:$0x6] =	wrdreg s7;
	s14 =	sshrl.u32 s13, $0x3  }
0x10: {  	s15 =	sadd.s32 $0xC5800, s9;
	s21 =	sadd.s32 $0x4E20, s1;
	s22 =	smax.u32 s10, $0x1  }
0x11: {  	s23 =	sadd.s32 $0x3E80, s1;
	s24 =	sadd.s32 $0x2EE0, s1;
	s1 =	sadd.s32 $0x1F40, s1  }
0x12: {  	s26 =	sshrl.u32 s11, $0x3;
	s9 =	simm.s32 $0x2;
	[dreg:$0x4] =	wrdreg s25  }
0x13: {  	s10 =	simm.s32 $0x9000;
	s11 =	simm.s32 $0x3000;
	[dreg:$0x7] =	wrdreg s15  }
0x14: {  	s13 =	simm.s32 $0x3;
	s0 =	sadd.s32 s8, s0;
	[dreg:$0xd] =	wrdreg s22  }
0x15: {  	s17 =	sadd.s32 s5, s14;
	s18 =	sadd.s32 $0x1F4, s14;
	[dreg:$0xe] =	wrdreg s23  }
0x16: {  	s7 =	sadd.s32 s6, s14;
	s25 =	sshrl.u32 s24, $0x3;
	[dreg:$0xf] =	wrdreg s26  }
0x17: {  	s1 =	sshrl.u32 s1, $0x3;
	s26 =	simm.s32 $0x4000;
	[dreg:$0x8] =	wrdreg s17  }
0x18: {  	s14 =	simm.s32 $0x4;
	s15 =	simm.s32 $0x0;
	[dreg:$0x9] =	wrdreg s7  }
0x19: {  	s19 =	sadd.s32 s5, s18;
	s20 =	sadd.s32 s6, s18;
	s0 =	sadd.s32 $0xCBC00, s0  }
.Ltmp0:
0x1a: {  	s22 =	sadd.s32 s1, s6;
	[dreg:$0xa] =	wrdreg s19;
	(pc) =	sbr.rel .LBB2_1-.Ltmp0, $4  }
0x1b: {  	s23 =	sadd.s32 s1, s5;
	s1 =	simm.s32 $0x2000;
	[dreg:$0xb] =	wrdreg s20  }
0x1c: {  	s7 =	simm.s32 $0x6000;
	[dreg:$0xc] =	wrdreg s0;
	s0 =	sshrl.u32 s21, $0x3  }
0x1d: {  	s20 =	sadd.s32 s25, s6;
	s21 =	sadd.s32 s25, s5;
	s25 =	simm.s32 $0x5  }
0x1e: {  	s18 =	sadd.s32 s0, s6;
	s19 =	sadd.s32 s0, s5;
	s0 =	simm.s32 $0x8000  }
.LBB2_4:
0x1f: {  	_ =	swait.ge [sflag:s30], $0xFA0  }
0x20: {  	[sflag:s30] =	ssyncset.done $0x0  }
0x21: {  	[sflag:s30] =	ssyncadd.s32 $0xFFFFF060  }
0x22: {  	_ =	swait.ge [sflag:s30], $0xFA0  }
0x23: {  	[sflag:s30] =	ssyncset.done $0x0  }
0x24: {  	[sflag:s30] =	ssyncadd.s32 $0xFFFFF060  }
0x25: {  	[tilespmem:s0], [sflag:$0x5] =	stream.indirect.gather [spmem:s2], $0x1, s4, s31, $0xb8;
	[tilespmem:$0xD100] =	vst v63  }
0x26: {  	_ =	swait.ge [sflag:s25], $0xFA0  }
0x27: {  	[sflag:s25] =	ssyncset.done $0x0  }
0x28: {  	[sflag:s25] =	ssyncadd.s32 $0xFFFFF060  }
0x29: {  	[spmem:s3] =	stream.indirect.scatter.add.f32 [tilespmem:s0], [sflag:$0x5], $0x1, s26, s31, $0xb8;
	[tilespmem:$0xD100] =	vst v63  }
0x2a: {  	_ =	swait.ge [sflag:s25], $0xFA0  }
0x2b: {  	[sflag:s25] =	ssyncset.done $0x0  }
0x2c: {  	[sflag:s25] =	ssyncadd.s32 $0xFFFFF060  }
0x2d: {  	[bflag:$0x0] =	sbarrier.arrive $0xFFFF  }
0x2e: {  	s16 =	rddreg [dreg:$0x5]  }
0x2f: {  	s8 =	rddreg [dreg:$0xc]  }
0x30: {  	s17 =	rddreg [dreg:$0x10]  }
0x31: {  	[hbm:s8], [sflag:s16] =	dma.local [spmem:s17], $0x310  }
0x32: {  	_ =	swait.ge [sflag:s25], $0x310  }
0x33: {  	s15 =	sadd.s32 $0x1, s15;
	s24 =	rddreg [dreg:$0xd]  }
0x34: {  	p0 =	sne.s32 s15, s24  }
.Ltmp1:
0x35: {  	_ = 	snop;
	(pc) =	sbr.rel @!p0 .LBB2_5-.Ltmp1, $3  }
0x36: {  	_ =	sdelay $0x1  }
0x37: {  	[sflag:s25] =	ssyncset.done $0x0  }
0x38: {  	[sflag:s25] =	ssyncadd.s32 $0xFFFFFCF0  }
.LBB2_1:
0x39: {  	s8 =	rddreg [dreg:$0x4]  }
0x3a: {  	s17 =	rddreg [dreg:$0xf]  }
0x3b: {  	[spmem:s17], [sflag:s16] =	dma.local [hbm:s8], $0x310  }
0x3c: {  	_ =	swait.ge [sflag:s25], $0x310  }
0x3d: {  	s24 =	rddreg [dreg:$0x6]  }
0x3e: {  	[sflag:s25] =	ssyncset.done $0x0;
	s8 =	sshrl.u32 s24, $0x3;
	s24 =	rddreg [dreg:$0x7]  }
0x3f: {  	[sflag:s25] =	ssyncadd.s32 $0xFFFFFCF0;
	[dreg:$0x10] =	wrdreg s8  }
0x40: {  	[spmem:s8], [sflag:s16] =	dma.local [hbm:s24], $0x310  }
0x41: {  	_ =	swait.ge [sflag:s25], $0x310  }
0x42: {  	[sflag:s25] =	ssyncset.done $0x0  }
0x43: {  	[sflag:s25] =	ssyncadd.s32 $0xFFFFFCF0  }
0x44: {  	[bflag:$0x0] =	sbarrier.arrive $0xFFFF  }
0x45: {  	s24 =	rddreg [dreg:$0x8]  }
0x46: {  	[tilespmem:s4], [sflag:$0x1] =	stream.linear.gather [hbm4b:s24+s4], $0xFA0, $0x38;
	[tilespmem:$0xD100] =	vst v63  }
0x47: {  	s16 =	rddreg [dreg:$0x9]  }
0x48: {  	[tilespmem:s26], [sflag:$0x1] =	stream.linear.gather [hbm4b:s16+s4], $0xFA0, $0x38;
	[tilespmem:$0xD100] =	vst v63  }
0x49: {  	s17 =	rddreg [dreg:$0xa]  }
0x4a: {  	[tilespmem:s28], [sflag:$0x2] =	stream.linear.gather [hbm4b:s17+s4], $0xFA0, $0x38;
	[tilespmem:$0xD100] =	vst v63  }
0x4b: {  	s24 =	rddreg [dreg:$0xb]  }
0x4c: {  	[tilespmem:s29], [sflag:$0x2] =	stream.linear.gather [hbm4b:s24+s4], $0xFA0, $0x38;
	[tilespmem:$0xD100] =	vst v63  }
0x4d: {  	s17 =	rddreg [dreg:$0xe];
	s24 =	simm.s32 $0x0  }
.LBB2_2:
0x4e: {  	_ =	swait.ge [sflag:s30], $0xFA0  }
0x4f: {  	[sflag:s30] =	ssyncset.done $0x0  }
0x50: {  	[sflag:s30] =	ssyncadd.s32 $0xFFFFF060  }
0x51: {  	_ =	swait.ge [sflag:s30], $0xFA0  }
0x52: {  	[sflag:s30] =	ssyncset.done $0x0  }
0x53: {  	[sflag:s30] =	ssyncadd.s32 $0xFFFFF060  }
0x54: {  	[tilespmem:s0], [sflag:$0x5] =	stream.indirect.gather [spmem:s2], $0x1, s4, s31, $0xb8;
	[tilespmem:$0xD100] =	vst v63  }
0x55: {  	_ =	swait.ge [sflag:s25], $0xFA0  }
0x56: {  	[sflag:s25] =	ssyncset.done $0x0  }
0x57: {  	[sflag:s25] =	ssyncadd.s32 $0xFFFFF060  }
0x58: {  	[spmem:s3] =	stream.indirect.scatter.add.f32 [tilespmem:s0], [sflag:$0x5], $0x1, s26, s31, $0xb8;
	[tilespmem:$0xD100] =	vst v63  }
0x59: {  	_ =	swait.ge [sflag:s25], $0xFA0  }
0x5a: {  	[sflag:s25] =	ssyncset.done $0x0  }
0x5b: {  	s8 =	sadd.s32 s24, s23;
	[sflag:s25] =	ssyncadd.s32 $0xFFFFF060  }
0x5c: {  	[tilespmem:s1], [sflag:$0x3] =	stream.linear.gather [hbm4b:s8+s4], $0xFA0, $0x38;
	[tilespmem:$0xD100] =	vst v63  }
0x5d: {  	s16 =	sadd.s32 s24, s22  }
0x5e: {  	[tilespmem:s7], [sflag:$0x3] =	stream.linear.gather [hbm4b:s16+s4], $0xFA0, $0x38;
	[tilespmem:$0xD100] =	vst v63  }
0x5f: {  	_ =	swait.ge [sflag:s9], $0xFA0  }
0x60: {  	[sflag:s9] =	ssyncset.done $0x0  }
0x61: {  	[sflag:s9] =	ssyncadd.s32 $0xFFFFF060  }
0x62: {  	_ =	swait.ge [sflag:s9], $0xFA0  }
0x63: {  	[sflag:s9] =	ssyncset.done $0x0  }
0x64: {  	[sflag:s9] =	ssyncadd.s32 $0xFFFFF060  }
0x65: {  	[tilespmem:s10], [sflag:$0x5] =	stream.indirect.gather [spmem:s2], $0x1, s28, s31, $0xb8;
	[tilespmem:$0xD100] =	vst v63  }
0x66: {  	_ =	swait.ge [sflag:s25], $0xFA0  }
0x67: {  	[sflag:s25] =	ssyncset.done $0x0  }
0x68: {  	[sflag:s25] =	ssyncadd.s32 $0xFFFFF060  }
0x69: {  	[spmem:s3] =	stream.indirect.scatter.add.f32 [tilespmem:s10], [sflag:$0x5], $0x1, s29, s31, $0xb8;
	[tilespmem:$0xD100] =	vst v63  }
0x6a: {  	_ =	swait.ge [sflag:s25], $0xFA0  }
0x6b: {  	[sflag:s25] =	ssyncset.done $0x0  }
0x6c: {  	s16 =	sadd.s32 s24, s21;
	[sflag:s25] =	ssyncadd.s32 $0xFFFFF060  }
0x6d: {  	[tilespmem:s11], [sflag:$0x4] =	stream.linear.gather [hbm4b:s16+s4], $0xFA0, $0x38;
	[tilespmem:$0xD100] =	vst v63  }
0x6e: {  	s16 =	sadd.s32 s24, s20  }
0x6f: {  	[tilespmem:s12], [sflag:$0x4] =	stream.linear.gather [hbm4b:s16+s4], $0xFA0, $0x38;
	[tilespmem:$0xD100] =	vst v63  }
0x70: {  	_ =	swait.ge [sflag:s13], $0xFA0  }
0x71: {  	[sflag:s13] =	ssyncset.done $0x0  }
0x72: {  	[sflag:s13] =	ssyncadd.s32 $0xFFFFF060  }
0x73: {  	_ =	swait.ge [sflag:s13], $0xFA0  }
0x74: {  	[sflag:s13] =	ssyncset.done $0x0  }
0x75: {  	[sflag:s13] =	ssyncadd.s32 $0xFFFFF060  }
0x76: {  	[tilespmem:s0], [sflag:$0x5] =	stream.indirect.gather [spmem:s2], $0x1, s1, s31, $0xb8;
	[tilespmem:$0xD100] =	vst v63  }
0x77: {  	_ =	swait.ge [sflag:s25], $0xFA0  }
0x78: {  	[sflag:s25] =	ssyncset.done $0x0  }
0x79: {  	[sflag:s25] =	ssyncadd.s32 $0xFFFFF060  }
0x7a: {  	[spmem:s3] =	stream.indirect.scatter.add.f32 [tilespmem:s0], [sflag:$0x5], $0x1, s7, s31, $0xb8;
	[tilespmem:$0xD100] =	vst v63  }
0x7b: {  	_ =	swait.ge [sflag:s25], $0xFA0  }
0x7c: {  	s8 =	sshrl.u32 s17, $0x3;
	[sflag:s25] =	ssyncset.done $0x0  }
0x7d: {  	s16 =	sadd.s32 s5, s8;
	[sflag:s25] =	ssyncadd.s32 $0xFFFFF060  }
0x7e: {  	[tilespmem:s4], [sflag:$0x1] =	stream.linear.gather [hbm4b:s16+s4], $0xFA0, $0x38;
	[tilespmem:$0xD100] =	vst v63  }
0x7f: {  	s8 =	sadd.s32 s6, s8  }
0x80: {  	[tilespmem:s26], [sflag:$0x1] =	stream.linear.gather [hbm4b:s8+s4], $0xFA0, $0x38;
	[tilespmem:$0xD100] =	vst v63  }
0x81: {  	_ =	swait.ge [sflag:s14], $0xFA0  }
0x82: {  	[sflag:s14] =	ssyncset.done $0x0  }
0x83: {  	[sflag:s14] =	ssyncadd.s32 $0xFFFFF060  }
0x84: {  	_ =	swait.ge [sflag:s14], $0xFA0  }
0x85: {  	[sflag:s14] =	ssyncset.done $0x0  }
0x86: {  	[sflag:s14] =	ssyncadd.s32 $0xFFFFF060  }
0x87: {  	[tilespmem:s10], [sflag:$0x5] =	stream.indirect.gather [spmem:s2], $0x1, s11, s31, $0xb8;
	[tilespmem:$0xD100] =	vst v63  }
0x88: {  	_ =	swait.ge [sflag:s25], $0xFA0  }
0x89: {  	p0 =	seq.s32 s24, $0x2710;
	[sflag:s25] =	ssyncset.done $0x0  }
.Ltmp2:
0x8a: {  	[sflag:s25] =	ssyncadd.s32 $0xFFFFF060;
	(pc) =	sbr.rel @p0 .LBB2_4-.Ltmp2, $4  }
0x8b: {  	[spmem:s3] =	stream.indirect.scatter.add.f32 [tilespmem:s10], [sflag:$0x5], $0x1, s12, s31, $0xb8;
	[tilespmem:$0xD100] =	vst v63  }
0x8c: {  	_ =	swait.ge [sflag:s25], $0xFA0  }
0x8d: {  	[sflag:s25] =	ssyncset.done $0x0  }
0x8e: {  	[sflag:s25] =	ssyncadd.s32 $0xFFFFF060  }
.Ltmp3:
0x8f: {  	(pc) =	sbr.rel .LBB2_2-.Ltmp3, $4  }
0x90: {  	s8 =	sadd.s32 s24, s19  }
0x91: {  	[tilespmem:s28], [sflag:$0x2] =	stream.linear.gather [hbm4b:s8+s4], $0xFA0, $0x38;
	[tilespmem:$0xD100] =	vst v63  }
0x92: {  	s16 =	sadd.s32 s24, s18;
	s24 =	sadd.s32 $0x7D0, s24;
	s17 =	sadd.s32 $0x3E80, s17  }
0x93: {  	[tilespmem:s29], [sflag:$0x2] =	stream.linear.gather [hbm4b:s16+s4], $0xFA0, $0x38;
	[tilespmem:$0xD100] =	vst v63  }
.LBB2_5:
0x94: {  	_ =	sfence.sel $0x180000  }
0x95: {  	[bflag:$0x0] =	sbarrier.arrive $0xFFFF  }
0x96: {  	_ =	strace $0x90000047  }
0x97: {  	s0 =	stileid.u32;
	[bflag:$0x2] =	sbarrier.arrive $0xFFFF  }
0x98: {  	p0 =	sne.s32 s0, $0x0;
	s0 =	rddreg [dreg:$0x3]  }
0x99: {  	s0 =	sadd.s32 @!p0 $0x100000, s0  }
0x9a: {  	[sflag:s0] =	ssyncadd.tile.s32 @!p0 $0x1;
	_ =	shalt  }
.Lfunc_end2:
_tile_overlayer_lowered:
.L_overlay_start_2:
0x9b: {  	(tag) =	ssettag $0x2  }
0x9c: {  	s0 =	rddreg [dreg:$0x0];
	s2 =	stileid.u32  }
0x9d: {  	s1 =	rddreg [dreg:$0x1];
	p0 =	sne.s32 s2, $0x0  }
0x9e: {  	s3 =	rddreg [dreg:$0x2];
	[bflag:$0x3] =	sbarrier.arrive $0xFFFF;
	s2 =	simm.s32 @!p0 $0x1C05  }
0x9f: {  	[timem:s3], [sflag:s2] =	dma.local @!p0 [hbm:s0], s1  }
0xa0: {  	s0 =	simm.s32 @!p0 $0x5  }
0xa1: {  	_ =	swait.ge @!p0 [sflag:s0], s1  }
0xa2: {  	s1 =	ssub.s32 @!p0 $0x0, s1;
	[sflag:s0] =	ssyncset.done @!p0 $0x0  }
0xa3: {  	[sflag:s0] =	ssyncadd.s32 @!p0 s1  }
0xa4: {  	[bflag:$0x3] =	sbarrier.arrive $0xFFFF  }
0xa5: {  	_ =	shalt  }

</sc_bundles>
